<compile_context>
chip_gen: v7x
topology: tpu7x:2x2x1
jax: 0.10.2.dev20260603
libtpu: 0.0.44.dev20260713+nightly
codegen_flags: <defaults>
</compile_context>

<pallas_src>
import functools

import jax
import jax.numpy as jnp
from jax import lax
from jax.experimental import pallas as pl
from jax.experimental.pallas import tpu as pltpu
from jax.experimental.pallas import tpu_sc as plsc

N = 3_200_000
D = 16
S = 100_000
ROWS = N // 128
S_PAD = 102_400
NW = 32
SEG_PER_W = S_PAD // NW
SEG_PER_SUB = S_PAD // 16
ROWS_PER_W = 784
KR = 8

_f32 = jnp.float32



HS_ROWS = N * D // 128
TC_GRID = 125
HS_BLK = HS_ROWS // TC_GRID
OUT_BLK = ROWS // TC_GRID


def _tc_body(ht_ref, hp_ref, pt_ref, pp_ref, rl_ref, pk_ref):
    d = hp_ref[...] - ht_ref[...]
    sq = d * d
    c_idx = lax.broadcasted_iota(jnp.int32, (128, 128), 0)
    j_idx = lax.broadcasted_iota(jnp.int32, (128, 128), 1)
    g_mat = jnp.where(c_idx // D == j_idx % 8, 1.0 / D, 0.0).astype(_f32)
    t2 = jnp.dot(sq, g_mat, preferred_element_type=_f32)
    r_idx = lax.broadcasted_iota(jnp.int32, (16, 128), 0)
    l_idx = lax.broadcasted_iota(jnp.int32, (16, 128), 1)
    d_mask = (r_idx == l_idx // 8).astype(_f32)
    t3 = t2.reshape(OUT_BLK, 16, 128) * d_mask[None, :, :]
    rl_ref[...] = jnp.sum(t3, axis=1)
    e = pp_ref[...] - pt_ref[...]
    pk_ref[...] = e * e


def _tc_row_losses(hs_t2, hs_p2, pks_t2, pks_p2):
    rl_hs, l_pks = pl.pallas_call(
        _tc_body,
        grid=(TC_GRID,),
        in_specs=[
            pl.BlockSpec((HS_BLK, 128), lambda i: (i, 0)),
            pl.BlockSpec((HS_BLK, 128), lambda i: (i, 0)),
            pl.BlockSpec((OUT_BLK, 128), lambda i: (i, 0)),
            pl.BlockSpec((OUT_BLK, 128), lambda i: (i, 0)),
        ],
        out_specs=[
            pl.BlockSpec((OUT_BLK, 128), lambda i: (i, 0)),
            pl.BlockSpec((OUT_BLK, 128), lambda i: (i, 0)),
        ],
        out_shape=[
            jax.ShapeDtypeStruct((ROWS, 128), _f32),
            jax.ShapeDtypeStruct((ROWS, 128), _f32),
        ],
    )(hs_t2, hs_p2, pks_t2, pks_p2)
    return rl_hs, l_pks



_mesh = plsc.VectorSubcoreMesh(core_axis_name="c", subcore_axis_name="s")


@functools.partial(
    pl.kernel,
    out_type=jax.ShapeDtypeStruct((2, 4, S_PAD), _f32),
    mesh=_mesh,
    scratch_types=[
        pltpu.VMEM_SHARED((S_PAD,), _f32),
        pltpu.VMEM_SHARED((S_PAD,), _f32),
        pltpu.VMEM_SHARED((S_PAD,), _f32),
        pltpu.VMEM_SHARED((S_PAD,), _f32),
        pltpu.VMEM((KR, 128), _f32),
        pltpu.VMEM((KR * 128,), jnp.int32),
        pltpu.VMEM((128,), _f32),
        pltpu.SemaphoreType.DMA,
    ],
)
def _sc_accum(rl_hbm, idhs_hbm, lpks_hbm, idpks_hbm, zeros_hbm, out_hbm,
              tsum_hs, tcnt_hs, tsum_pks, tcnt_pks, vals_v, ids_v, ones_v,
              sem):
    c = lax.axis_index("c")
    s = lax.axis_index("s")
    wid = c * 16 + s

    for tab in (tsum_hs, tcnt_hs, tsum_pks, tcnt_pks):
        pltpu.sync_copy(zeros_hbm, tab.at[pl.ds(s * SEG_PER_SUB, SEG_PER_SUB)])
    for g in range(8):
        ones_v[pl.ds(g * 16, 16)] = jnp.ones((16,), _f32)
    plsc.subcore_barrier()

    row_lo = wid * ROWS_PER_W
    nrows = jnp.minimum(ROWS_PER_W, ROWS - row_lo)
    nchunks = nrows // KR

    def scatter_loop(vhbm, ihbm, tsum, tcnt):
        def chunk(ci, carry):
            base = row_lo + ci * KR
            pltpu.sync_copy(vhbm.at[pl.ds(base, KR)], vals_v)
            pltpu.sync_copy(ihbm.at[pl.ds(base * 128, KR * 128)], ids_v)
            handles = []
            for j in range(KR):
                idv = ids_v.at[pl.ds(j * 128, 128)]
                handles.append(pltpu.async_copy(
                    vals_v.at[j], tsum.at[idv], sem, add=True))
                handles.append(pltpu.async_copy(
                    ones_v, tcnt.at[idv], sem, add=True))
            for h in handles:
                h.wait()
            return carry
        lax.fori_loop(0, nchunks, chunk, 0)

    scatter_loop(rl_hbm, idhs_hbm, tsum_hs, tcnt_hs)
    scatter_loop(lpks_hbm, idpks_hbm, tsum_pks, tcnt_pks)

    plsc.subcore_barrier()
    for t, tab in enumerate((tsum_hs, tcnt_hs, tsum_pks, tcnt_pks)):
        sl = pl.ds(s * SEG_PER_SUB, SEG_PER_SUB)
        pltpu.sync_copy(tab.at[sl], out_hbm.at[c, t, sl])



@functools.partial(
    pl.kernel,
    out_type=jax.ShapeDtypeStruct((NW, 48), _f32),
    mesh=_mesh,
    scratch_types=[
        [pltpu.VMEM((SEG_PER_W,), _f32) for _ in range(8)],
        pltpu.VMEM((SEG_PER_W,), _f32),
        pltpu.VMEM((SEG_PER_W,), _f32),
        pltpu.VMEM((48,), _f32),
    ],
)
def _sc_finalize(tables_hbm, pit_hbm, pip_hbm, out_hbm, tb, pit_v, pip_v,
                 obuf):
    c = lax.axis_index("c")
    s = lax.axis_index("s")
    wid = c * 16 + s
    base = wid * SEG_PER_W
    sl = pl.ds(base, SEG_PER_W)
    k = 0
    for t in range(4):
        for core in range(2):
            pltpu.sync_copy(tables_hbm.at[core, t, sl], tb[k])
            k += 1
    pltpu.sync_copy(pit_hbm.at[sl], pit_v)
    pltpu.sync_copy(pip_hbm.at[sl], pip_v)

    zero = jnp.zeros((16,), _f32)

    def body(i, accs):
        a_hs, a_pks, a_pi = accs
        v = pl.ds(i * 16, 16)
        sh = tb[0][v] + tb[1][v]
        ch = jnp.maximum(tb[2][v] + tb[3][v], 1.0)
        a_hs = a_hs + sh / ch
        sp = tb[4][v] + tb[5][v]
        cp = jnp.maximum(tb[6][v] + tb[7][v], 1.0)
        a_pks = a_pks + sp / cp
        dpi = pip_v[v] - pit_v[v]
        a_pi = a_pi + dpi * dpi
        return (a_hs, a_pks, a_pi)

    a_hs, a_pks, a_pi = lax.fori_loop(0, SEG_PER_W // 16, body,
                                      (zero, zero, zero))
    obuf[pl.ds(0, 16)] = a_hs
    obuf[pl.ds(16, 16)] = a_pks
    obuf[pl.ds(32, 16)] = a_pi
    pltpu.sync_copy(obuf, out_hbm.at[wid])



def kernel(y_hs_true, y_hs_pred, y_hs_batch, y_pks_true, y_pks_pred,
           y_pks_batch, y_pI_true, y_pI_pred):
    pks_t2 = y_pks_true.reshape(ROWS, 128)
    pks_p2 = y_pks_pred.reshape(ROWS, 128)
    hs_t2 = y_hs_true.reshape(HS_ROWS, 128)
    hs_p2 = y_hs_pred.reshape(HS_ROWS, 128)
    rl_hs, l_pks = _tc_row_losses(hs_t2, hs_p2, pks_t2, pks_p2)

    idhs = y_hs_batch.astype(jnp.int32)
    idpks = y_pks_batch.astype(jnp.int32)
    zeros_hbm = jnp.zeros((SEG_PER_SUB,), _f32)

    tables = _sc_accum(rl_hs, idhs, l_pks, idpks, zeros_hbm)

    pit = jnp.pad(y_pI_true, (0, S_PAD - S))
    pip = jnp.pad(y_pI_pred, (0, S_PAD - S))
    parts = _sc_finalize(tables, pit, pip)

    tot = jnp.sum(parts, axis=0)
    multitask = jnp.stack([
        jnp.sum(tot[0:16]), jnp.sum(tot[16:32]), jnp.sum(tot[32:48])
    ]) * (1.0 / S)
    return (multitask, jnp.zeros(1), jnp.zeros(1))

# --- scband reference (transcript-rebuilt; emitter-appended) ---
"""Pipeline reference for scband-multi-task-loss-28166395527429 (READ-ONLY COPY).

The authoritative reference and input builder live on the scoring server;
editing this copy changes nothing except your own understanding.
"""

import jax, jax.numpy as jnp
import numpy as np

NUM_SEGMENTS = 100000
N = 3200000
D = 16

def setup_inputs(seed: int = 0) -> dict:
    key = jax.random.key(seed)
    ks = jax.random.split(key, 8)
    return {
        "y_hs_true": jax.random.normal(ks[0], (N, D), dtype=jnp.float32),
        "y_hs_pred": jax.random.normal(ks[1], (N, D), dtype=jnp.float32),
        "y_hs_batch": jnp.sort(jax.random.randint(ks[2], (N,), 0, NUM_SEGMENTS, dtype=jnp.int64 if jax.config.jax_enable_x64 else jnp.int32)),
        "y_pks_true": jax.random.normal(ks[3], (N,), dtype=jnp.float32),
        "y_pks_pred": jax.random.normal(ks[4], (N,), dtype=jnp.float32),
        "y_pks_batch": jnp.sort(jax.random.randint(ks[5], (N,), 0, NUM_SEGMENTS, dtype=jnp.int64 if jax.config.jax_enable_x64 else jnp.int32)),
        "y_pI_true": jax.random.normal(ks[6], (NUM_SEGMENTS,), dtype=jnp.float32),
        "y_pI_pred": jax.random.normal(ks[7], (NUM_SEGMENTS,), dtype=jnp.float32),
    }

def _scatter_mean(vals, seg_ids, num_segments):
    s = jax.ops.segment_sum(vals, seg_ids, num_segments=num_segments)
    cnt = jax.ops.segment_sum(jnp.ones_like(vals), seg_ids, num_segments=num_segments)
    return s / jnp.clip(cnt, 1.0, None)

def reference(y_hs_true, y_hs_pred, y_hs_batch, y_pks_true, y_pks_pred, y_pks_batch, y_pI_true, y_pI_pred):
    # calc_*_loss instantiated as elementwise squared error (MSE-style)
    loss_hs = ((y_hs_pred - y_hs_true) ** 2)
    loss_hs = loss_hs.mean(axis=-1)  # single_reduction == 'mean'
    loss_hs = _scatter_mean(loss_hs, y_hs_batch, NUM_SEGMENTS)
    loss_pks = (y_pks_pred - y_pks_true) ** 2
    loss_pks = _scatter_mean(loss_pks, y_pks_batch, NUM_SEGMENTS)
    loss_pI = (y_pI_pred - y_pI_true) ** 2
    multitask_loss = jnp.stack([loss_hs, loss_pks, loss_pI], axis=-1)
    multitask_loss = multitask_loss.mean(axis=0)  # batch_reduction == 'mean'
    return (multitask_loss, jnp.zeros(1), jnp.zeros(1))

if __name__ == "__main__":
    import jax
    _d = setup_inputs()
    print(jax.jit(kernel)(*tuple(_d.values())))

</pallas_src>

<mosaic_0001>
#map = affine_map<(d0, d1) -> (0, 0, 0)>
#map1 = affine_map<(d0, d1) -> (0)>
#map2 = affine_map<(d0, d1) -> (0, 0)>
module attributes {stable_mosaic.version = 14 : i64} {
  func.func @_sc_finalize(%arg0: i32, %arg1: i32, %arg2: memref<2x4x102400xf32, #tpu.memory_space<hbm>>, %arg3: memref<102400xf32, #tpu.memory_space<hbm>>, %arg4: memref<102400xf32, #tpu.memory_space<hbm>>, %arg5: memref<32x48xf32, #tpu.memory_space<hbm>>, %arg6: memref<3200xf32, #tpu.memory_space<vmem>>, %arg7: memref<3200xf32, #tpu.memory_space<vmem>>, %arg8: memref<3200xf32, #tpu.memory_space<vmem>>, %arg9: memref<3200xf32, #tpu.memory_space<vmem>>, %arg10: memref<3200xf32, #tpu.memory_space<vmem>>, %arg11: memref<3200xf32, #tpu.memory_space<vmem>>, %arg12: memref<3200xf32, #tpu.memory_space<vmem>>, %arg13: memref<3200xf32, #tpu.memory_space<vmem>>, %arg14: memref<3200xf32, #tpu.memory_space<vmem>>, %arg15: memref<3200xf32, #tpu.memory_space<vmem>>, %arg16: memref<48xf32, #tpu.memory_space<vmem>>) attributes {dimension_semantics = [#tpu.dimension_semantics<core_parallel>, #tpu.dimension_semantics<subcore_parallel>], iteration_bounds = array<i64: 2, 16>, scalar_prefetch = 0 : i64, scratch_operands = 11 : i64, tpu.core_type = #tpu.core_type<sc_vector_subcore>, window_params = [{transform_indices = #map}, {transform_indices = #map1}, {transform_indices = #map1}, {transform_indices = #map2}]} {
    %mul3A = arith.constant 16 : i32
    %mul3A_0 = arith.muli %arg0, %mul3A : i32
    %add3A = arith.addi %mul3A_0, %arg1 : i32
    %mul3A_1 = arith.constant 3200 : i32
    %mul3A_2 = arith.muli %add3A, %mul3A_1 : i32
    %run_scoped3A = arith.constant 0 : i32
    %run_scoped3A_3 = arith.constant 0 : i32
    "tpu.region"() ({
      %run_scoped3A_35 = tpu.sem_alloc : memref<!tpu.dma_semaphore, #tpu.memory_space<semaphore_mem>>
      %dma_start3A = tpu.memref_slice %arg2[%run_scoped3A, %run_scoped3A_3, %mul3A_2] : memref<2x4x102400xf32, #tpu.memory_space<hbm>> -> memref<1x1x3200xf32, #tpu.memory_space<hbm>>
      %dma_start3A_36 = tpu.memref_squeeze %dma_start3A : memref<1x1x3200xf32, #tpu.memory_space<hbm>> -> memref<3200xf32, #tpu.memory_space<hbm>>
      %dma_start3A_37 = tpu.memref_slice %arg2[%run_scoped3A, %run_scoped3A_3, %mul3A_2] : memref<2x4x102400xf32, #tpu.memory_space<hbm>> -> memref<1x1x3200xf32, #tpu.memory_space<hbm>>
      %dma_start3A_38 = tpu.memref_squeeze %dma_start3A_37 : memref<1x1x3200xf32, #tpu.memory_space<hbm>> -> memref<3200xf32, #tpu.memory_space<hbm>>
      tpu.enqueue_dma source(%dma_start3A_38 : memref<3200xf32, #tpu.memory_space<hbm>>) target(%arg6 : memref<3200xf32, #tpu.memory_space<vmem>>) target_semaphore(%run_scoped3A_35 : memref<!tpu.dma_semaphore, #tpu.memory_space<semaphore_mem>>)
      %dma_wait3A = tpu.memref_slice %arg2[%run_scoped3A, %run_scoped3A_3, %mul3A_2] : memref<2x4x102400xf32, #tpu.memory_space<hbm>> -> memref<1x1x3200xf32, #tpu.memory_space<hbm>>
      %dma_wait3A_39 = tpu.memref_squeeze %dma_wait3A : memref<1x1x3200xf32, #tpu.memory_space<hbm>> -> memref<3200xf32, #tpu.memory_space<hbm>>
      %dma_wait3A_40 = tpu.memref_slice %arg2[%run_scoped3A, %run_scoped3A_3, %mul3A_2] : memref<2x4x102400xf32, #tpu.memory_space<hbm>> -> memref<1x1x3200xf32, #tpu.memory_space<hbm>>
      %dma_wait3A_41 = tpu.memref_squeeze %dma_wait3A_40 : memref<1x1x3200xf32, #tpu.memory_space<hbm>> -> memref<3200xf32, #tpu.memory_space<hbm>>
      tpu.wait_dma2 semaphore(%run_scoped3A_35 : memref<!tpu.dma_semaphore, #tpu.memory_space<semaphore_mem>>) src(%dma_wait3A_41 : memref<3200xf32, #tpu.memory_space<hbm>>) dst(%arg6 : memref<3200xf32, #tpu.memory_space<vmem>>)
      tpu.yield
    }) : () -> ()
    %run_scoped3A_4 = arith.constant 1 : i32
    %run_scoped3A_5 = arith.constant 0 : i32
    "tpu.region"() ({
      %run_scoped3A_35 = tpu.sem_alloc : memref<!tpu.dma_semaphore, #tpu.memory_space<semaphore_mem>>
      %dma_start3A = tpu.memref_slice %arg2[%run_scoped3A_4, %run_scoped3A_5, %mul3A_2] : memref<2x4x102400xf32, #tpu.memory_space<hbm>> -> memref<1x1x3200xf32, #tpu.memory_space<hbm>>
      %dma_start3A_36 = tpu.memref_squeeze %dma_start3A : memref<1x1x3200xf32, #tpu.memory_space<hbm>> -> memref<3200xf32, #tpu.memory_space<hbm>>
      %dma_start3A_37 = tpu.memref_slice %arg2[%run_scoped3A_4, %run_scoped3A_5, %mul3A_2] : memref<2x4x102400xf32, #tpu.memory_space<hbm>> -> memref<1x1x3200xf32, #tpu.memory_space<hbm>>
      %dma_start3A_38 = tpu.memref_squeeze %dma_start3A_37 : memref<1x1x3200xf32, #tpu.memory_space<hbm>> -> memref<3200xf32, #tpu.memory_space<hbm>>
      tpu.enqueue_dma source(%dma_start3A_38 : memref<3200xf32, #tpu.memory_space<hbm>>) target(%arg7 : memref<3200xf32, #tpu.memory_space<vmem>>) target_semaphore(%run_scoped3A_35 : memref<!tpu.dma_semaphore, #tpu.memory_space<semaphore_mem>>)
      %dma_wait3A = tpu.memref_slice %arg2[%run_scoped3A_4, %run_scoped3A_5, %mul3A_2] : memref<2x4x102400xf32, #tpu.memory_space<hbm>> -> memref<1x1x3200xf32, #tpu.memory_space<hbm>>
      %dma_wait3A_39 = tpu.memref_squeeze %dma_wait3A : memref<1x1x3200xf32, #tpu.memory_space<hbm>> -> memref<3200xf32, #tpu.memory_space<hbm>>
      %dma_wait3A_40 = tpu.memref_slice %arg2[%run_scoped3A_4, %run_scoped3A_5, %mul3A_2] : memref<2x4x102400xf32, #tpu.memory_space<hbm>> -> memref<1x1x3200xf32, #tpu.memory_space<hbm>>
      %dma_wait3A_41 = tpu.memref_squeeze %dma_wait3A_40 : memref<1x1x3200xf32, #tpu.memory_space<hbm>> -> memref<3200xf32, #tpu.memory_space<hbm>>
      tpu.wait_dma2 semaphore(%run_scoped3A_35 : memref<!tpu.dma_semaphore, #tpu.memory_space<semaphore_mem>>) src(%dma_wait3A_41 : memref<3200xf32, #tpu.memory_space<hbm>>) dst(%arg7 : memref<3200xf32, #tpu.memory_space<vmem>>)
      tpu.yield
    }) : () -> ()
    %run_scoped3A_6 = arith.constant 0 : i32
    %run_scoped3A_7 = arith.constant 1 : i32
    "tpu.region"() ({
      %run_scoped3A_35 = tpu.sem_alloc : memref<!tpu.dma_semaphore, #tpu.memory_space<semaphore_mem>>
      %dma_start3A = tpu.memref_slice %arg2[%run_scoped3A_6, %run_scoped3A_7, %mul3A_2] : memref<2x4x102400xf32, #tpu.memory_space<hbm>> -> memref<1x1x3200xf32, #tpu.memory_space<hbm>>
      %dma_start3A_36 = tpu.memref_squeeze %dma_start3A : memref<1x1x3200xf32, #tpu.memory_space<hbm>> -> memref<3200xf32, #tpu.memory_space<hbm>>
      %dma_start3A_37 = tpu.memref_slice %arg2[%run_scoped3A_6, %run_scoped3A_7, %mul3A_2] : memref<2x4x102400xf32, #tpu.memory_space<hbm>> -> memref<1x1x3200xf32, #tpu.memory_space<hbm>>
      %dma_start3A_38 = tpu.memref_squeeze %dma_start3A_37 : memref<1x1x3200xf32, #tpu.memory_space<hbm>> -> memref<3200xf32, #tpu.memory_space<hbm>>
      tpu.enqueue_dma source(%dma_start3A_38 : memref<3200xf32, #tpu.memory_space<hbm>>) target(%arg8 : memref<3200xf32, #tpu.memory_space<vmem>>) target_semaphore(%run_scoped3A_35 : memref<!tpu.dma_semaphore, #tpu.memory_space<semaphore_mem>>)
      %dma_wait3A = tpu.memref_slice %arg2[%run_scoped3A_6, %run_scoped3A_7, %mul3A_2] : memref<2x4x102400xf32, #tpu.memory_space<hbm>> -> memref<1x1x3200xf32, #tpu.memory_space<hbm>>
      %dma_wait3A_39 = tpu.memref_squeeze %dma_wait3A : memref<1x1x3200xf32, #tpu.memory_space<hbm>> -> memref<3200xf32, #tpu.memory_space<hbm>>
      %dma_wait3A_40 = tpu.memref_slice %arg2[%run_scoped3A_6, %run_scoped3A_7, %mul3A_2] : memref<2x4x102400xf32, #tpu.memory_space<hbm>> -> memref<1x1x3200xf32, #tpu.memory_space<hbm>>
      %dma_wait3A_41 = tpu.memref_squeeze %dma_wait3A_40 : memref<1x1x3200xf32, #tpu.memory_space<hbm>> -> memref<3200xf32, #tpu.memory_space<hbm>>
      tpu.wait_dma2 semaphore(%run_scoped3A_35 : memref<!tpu.dma_semaphore, #tpu.memory_space<semaphore_mem>>) src(%dma_wait3A_41 : memref<3200xf32, #tpu.memory_space<hbm>>) dst(%arg8 : memref<3200xf32, #tpu.memory_space<vmem>>)
      tpu.yield
    }) : () -> ()
    %run_scoped3A_8 = arith.constant 1 : i32
    %run_scoped3A_9 = arith.constant 1 : i32
    "tpu.region"() ({
      %run_scoped3A_35 = tpu.sem_alloc : memref<!tpu.dma_semaphore, #tpu.memory_space<semaphore_mem>>
      %dma_start3A = tpu.memref_slice %arg2[%run_scoped3A_8, %run_scoped3A_9, %mul3A_2] : memref<2x4x102400xf32, #tpu.memory_space<hbm>> -> memref<1x1x3200xf32, #tpu.memory_space<hbm>>
      %dma_start3A_36 = tpu.memref_squeeze %dma_start3A : memref<1x1x3200xf32, #tpu.memory_space<hbm>> -> memref<3200xf32, #tpu.memory_space<hbm>>
      %dma_start3A_37 = tpu.memref_slice %arg2[%run_scoped3A_8, %run_scoped3A_9, %mul3A_2] : memref<2x4x102400xf32, #tpu.memory_space<hbm>> -> memref<1x1x3200xf32, #tpu.memory_space<hbm>>
      %dma_start3A_38 = tpu.memref_squeeze %dma_start3A_37 : memref<1x1x3200xf32, #tpu.memory_space<hbm>> -> memref<3200xf32, #tpu.memory_space<hbm>>
      tpu.enqueue_dma source(%dma_start3A_38 : memref<3200xf32, #tpu.memory_space<hbm>>) target(%arg9 : memref<3200xf32, #tpu.memory_space<vmem>>) target_semaphore(%run_scoped3A_35 : memref<!tpu.dma_semaphore, #tpu.memory_space<semaphore_mem>>)
      %dma_wait3A = tpu.memref_slice %arg2[%run_scoped3A_8, %run_scoped3A_9, %mul3A_2] : memref<2x4x102400xf32, #tpu.memory_space<hbm>> -> memref<1x1x3200xf32, #tpu.memory_space<hbm>>
      %dma_wait3A_39 = tpu.memref_squeeze %dma_wait3A : memref<1x1x3200xf32, #tpu.memory_space<hbm>> -> memref<3200xf32, #tpu.memory_space<hbm>>
      %dma_wait3A_40 = tpu.memref_slice %arg2[%run_scoped3A_8, %run_scoped3A_9, %mul3A_2] : memref<2x4x102400xf32, #tpu.memory_space<hbm>> -> memref<1x1x3200xf32, #tpu.memory_space<hbm>>
      %dma_wait3A_41 = tpu.memref_squeeze %dma_wait3A_40 : memref<1x1x3200xf32, #tpu.memory_space<hbm>> -> memref<3200xf32, #tpu.memory_space<hbm>>
      tpu.wait_dma2 semaphore(%run_scoped3A_35 : memref<!tpu.dma_semaphore, #tpu.memory_space<semaphore_mem>>) src(%dma_wait3A_41 : memref<3200xf32, #tpu.memory_space<hbm>>) dst(%arg9 : memref<3200xf32, #tpu.memory_space<vmem>>)
      tpu.yield
    }) : () -> ()
    %run_scoped3A_10 = arith.constant 0 : i32
    %run_scoped3A_11 = arith.constant 2 : i32
    "tpu.region"() ({
      %run_scoped3A_35 = tpu.sem_alloc : memref<!tpu.dma_semaphore, #tpu.memory_space<semaphore_mem>>
      %dma_start3A = tpu.memref_slice %arg2[%run_scoped3A_10, %run_scoped3A_11, %mul3A_2] : memref<2x4x102400xf32, #tpu.memory_space<hbm>> -> memref<1x1x3200xf32, #tpu.memory_space<hbm>>
      %dma_start3A_36 = tpu.memref_squeeze %dma_start3A : memref<1x1x3200xf32, #tpu.memory_space<hbm>> -> memref<3200xf32, #tpu.memory_space<hbm>>
      %dma_start3A_37 = tpu.memref_slice %arg2[%run_scoped3A_10, %run_scoped3A_11, %mul3A_2] : memref<2x4x102400xf32, #tpu.memory_space<hbm>> -> memref<1x1x3200xf32, #tpu.memory_space<hbm>>
      %dma_start3A_38 = tpu.memref_squeeze %dma_start3A_37 : memref<1x1x3200xf32, #tpu.memory_space<hbm>> -> memref<3200xf32, #tpu.memory_space<hbm>>
      tpu.enqueue_dma source(%dma_start3A_38 : memref<3200xf32, #tpu.memory_space<hbm>>) target(%arg10 : memref<3200xf32, #tpu.memory_space<vmem>>) target_semaphore(%run_scoped3A_35 : memref<!tpu.dma_semaphore, #tpu.memory_space<semaphore_mem>>)
      %dma_wait3A = tpu.memref_slice %arg2[%run_scoped3A_10, %run_scoped3A_11, %mul3A_2] : memref<2x4x102400xf32, #tpu.memory_space<hbm>> -> memref<1x1x3200xf32, #tpu.memory_space<hbm>>
      %dma_wait3A_39 = tpu.memref_squeeze %dma_wait3A : memref<1x1x3200xf32, #tpu.memory_space<hbm>> -> memref<3200xf32, #tpu.memory_space<hbm>>
      %dma_wait3A_40 = tpu.memref_slice %arg2[%run_scoped3A_10, %run_scoped3A_11, %mul3A_2] : memref<2x4x102400xf32, #tpu.memory_space<hbm>> -> memref<1x1x3200xf32, #tpu.memory_space<hbm>>
      %dma_wait3A_41 = tpu.memref_squeeze %dma_wait3A_40 : memref<1x1x3200xf32, #tpu.memory_space<hbm>> -> memref<3200xf32, #tpu.memory_space<hbm>>
      tpu.wait_dma2 semaphore(%run_scoped3A_35 : memref<!tpu.dma_semaphore, #tpu.memory_space<semaphore_mem>>) src(%dma_wait3A_41 : memref<3200xf32, #tpu.memory_space<hbm>>) dst(%arg10 : memref<3200xf32, #tpu.memory_space<vmem>>)
      tpu.yield
    }) : () -> ()
    %run_scoped3A_12 = arith.constant 1 : i32
    %run_scoped3A_13 = arith.constant 2 : i32
    "tpu.region"() ({
      %run_scoped3A_35 = tpu.sem_alloc : memref<!tpu.dma_semaphore, #tpu.memory_space<semaphore_mem>>
      %dma_start3A = tpu.memref_slice %arg2[%run_scoped3A_12, %run_scoped3A_13, %mul3A_2] : memref<2x4x102400xf32, #tpu.memory_space<hbm>> -> memref<1x1x3200xf32, #tpu.memory_space<hbm>>
      %dma_start3A_36 = tpu.memref_squeeze %dma_start3A : memref<1x1x3200xf32, #tpu.memory_space<hbm>> -> memref<3200xf32, #tpu.memory_space<hbm>>
      %dma_start3A_37 = tpu.memref_slice %arg2[%run_scoped3A_12, %run_scoped3A_13, %mul3A_2] : memref<2x4x102400xf32, #tpu.memory_space<hbm>> -> memref<1x1x3200xf32, #tpu.memory_space<hbm>>
      %dma_start3A_38 = tpu.memref_squeeze %dma_start3A_37 : memref<1x1x3200xf32, #tpu.memory_space<hbm>> -> memref<3200xf32, #tpu.memory_space<hbm>>
      tpu.enqueue_dma source(%dma_start3A_38 : memref<3200xf32, #tpu.memory_space<hbm>>) target(%arg11 : memref<3200xf32, #tpu.memory_space<vmem>>) target_semaphore(%run_scoped3A_35 : memref<!tpu.dma_semaphore, #tpu.memory_space<semaphore_mem>>)
      %dma_wait3A = tpu.memref_slice %arg2[%run_scoped3A_12, %run_scoped3A_13, %mul3A_2] : memref<2x4x102400xf32, #tpu.memory_space<hbm>> -> memref<1x1x3200xf32, #tpu.memory_space<hbm>>
      %dma_wait3A_39 = tpu.memref_squeeze %dma_wait3A : memref<1x1x3200xf32, #tpu.memory_space<hbm>> -> memref<3200xf32, #tpu.memory_space<hbm>>
      %dma_wait3A_40 = tpu.memref_slice %arg2[%run_scoped3A_12, %run_scoped3A_13, %mul3A_2] : memref<2x4x102400xf32, #tpu.memory_space<hbm>> -> memref<1x1x3200xf32, #tpu.memory_space<hbm>>
      %dma_wait3A_41 = tpu.memref_squeeze %dma_wait3A_40 : memref<1x1x3200xf32, #tpu.memory_space<hbm>> -> memref<3200xf32, #tpu.memory_space<hbm>>
      tpu.wait_dma2 semaphore(%run_scoped3A_35 : memref<!tpu.dma_semaphore, #tpu.memory_space<semaphore_mem>>) src(%dma_wait3A_41 : memref<3200xf32, #tpu.memory_space<hbm>>) dst(%arg11 : memref<3200xf32, #tpu.memory_space<vmem>>)
      tpu.yield
    }) : () -> ()
    %run_scoped3A_14 = arith.constant 0 : i32
    %run_scoped3A_15 = arith.constant 3 : i32
    "tpu.region"() ({
      %run_scoped3A_35 = tpu.sem_alloc : memref<!tpu.dma_semaphore, #tpu.memory_space<semaphore_mem>>
      %dma_start3A = tpu.memref_slice %arg2[%run_scoped3A_14, %run_scoped3A_15, %mul3A_2] : memref<2x4x102400xf32, #tpu.memory_space<hbm>> -> memref<1x1x3200xf32, #tpu.memory_space<hbm>>
      %dma_start3A_36 = tpu.memref_squeeze %dma_start3A : memref<1x1x3200xf32, #tpu.memory_space<hbm>> -> memref<3200xf32, #tpu.memory_space<hbm>>
      %dma_start3A_37 = tpu.memref_slice %arg2[%run_scoped3A_14, %run_scoped3A_15, %mul3A_2] : memref<2x4x102400xf32, #tpu.memory_space<hbm>> -> memref<1x1x3200xf32, #tpu.memory_space<hbm>>
      %dma_start3A_38 = tpu.memref_squeeze %dma_start3A_37 : memref<1x1x3200xf32, #tpu.memory_space<hbm>> -> memref<3200xf32, #tpu.memory_space<hbm>>
      tpu.enqueue_dma source(%dma_start3A_38 : memref<3200xf32, #tpu.memory_space<hbm>>) target(%arg12 : memref<3200xf32, #tpu.memory_space<vmem>>) target_semaphore(%run_scoped3A_35 : memref<!tpu.dma_semaphore, #tpu.memory_space<semaphore_mem>>)
      %dma_wait3A = tpu.memref_slice %arg2[%run_scoped3A_14, %run_scoped3A_15, %mul3A_2] : memref<2x4x102400xf32, #tpu.memory_space<hbm>> -> memref<1x1x3200xf32, #tpu.memory_space<hbm>>
      %dma_wait3A_39 = tpu.memref_squeeze %dma_wait3A : memref<1x1x3200xf32, #tpu.memory_space<hbm>> -> memref<3200xf32, #tpu.memory_space<hbm>>
      %dma_wait3A_40 = tpu.memref_slice %arg2[%run_scoped3A_14, %run_scoped3A_15, %mul3A_2] : memref<2x4x102400xf32, #tpu.memory_space<hbm>> -> memref<1x1x3200xf32, #tpu.memory_space<hbm>>
      %dma_wait3A_41 = tpu.memref_squeeze %dma_wait3A_40 : memref<1x1x3200xf32, #tpu.memory_space<hbm>> -> memref<3200xf32, #tpu.memory_space<hbm>>
      tpu.wait_dma2 semaphore(%run_scoped3A_35 : memref<!tpu.dma_semaphore, #tpu.memory_space<semaphore_mem>>) src(%dma_wait3A_41 : memref<3200xf32, #tpu.memory_space<hbm>>) dst(%arg12 : memref<3200xf32, #tpu.memory_space<vmem>>)
      tpu.yield
    }) : () -> ()
    %run_scoped3A_16 = arith.constant 1 : i32
    %run_scoped3A_17 = arith.constant 3 : i32
    "tpu.region"() ({
      %run_scoped3A_35 = tpu.sem_alloc : memref<!tpu.dma_semaphore, #tpu.memory_space<semaphore_mem>>
      %dma_start3A = tpu.memref_slice %arg2[%run_scoped3A_16, %run_scoped3A_17, %mul3A_2] : memref<2x4x102400xf32, #tpu.memory_space<hbm>> -> memref<1x1x3200xf32, #tpu.memory_space<hbm>>
      %dma_start3A_36 = tpu.memref_squeeze %dma_start3A : memref<1x1x3200xf32, #tpu.memory_space<hbm>> -> memref<3200xf32, #tpu.memory_space<hbm>>
      %dma_start3A_37 = tpu.memref_slice %arg2[%run_scoped3A_16, %run_scoped3A_17, %mul3A_2] : memref<2x4x102400xf32, #tpu.memory_space<hbm>> -> memref<1x1x3200xf32, #tpu.memory_space<hbm>>
      %dma_start3A_38 = tpu.memref_squeeze %dma_start3A_37 : memref<1x1x3200xf32, #tpu.memory_space<hbm>> -> memref<3200xf32, #tpu.memory_space<hbm>>
      tpu.enqueue_dma source(%dma_start3A_38 : memref<3200xf32, #tpu.memory_space<hbm>>) target(%arg13 : memref<3200xf32, #tpu.memory_space<vmem>>) target_semaphore(%run_scoped3A_35 : memref<!tpu.dma_semaphore, #tpu.memory_space<semaphore_mem>>)
      %dma_wait3A = tpu.memref_slice %arg2[%run_scoped3A_16, %run_scoped3A_17, %mul3A_2] : memref<2x4x102400xf32, #tpu.memory_space<hbm>> -> memref<1x1x3200xf32, #tpu.memory_space<hbm>>
      %dma_wait3A_39 = tpu.memref_squeeze %dma_wait3A : memref<1x1x3200xf32, #tpu.memory_space<hbm>> -> memref<3200xf32, #tpu.memory_space<hbm>>
      %dma_wait3A_40 = tpu.memref_slice %arg2[%run_scoped3A_16, %run_scoped3A_17, %mul3A_2] : memref<2x4x102400xf32, #tpu.memory_space<hbm>> -> memref<1x1x3200xf32, #tpu.memory_space<hbm>>
      %dma_wait3A_41 = tpu.memref_squeeze %dma_wait3A_40 : memref<1x1x3200xf32, #tpu.memory_space<hbm>> -> memref<3200xf32, #tpu.memory_space<hbm>>
      tpu.wait_dma2 semaphore(%run_scoped3A_35 : memref<!tpu.dma_semaphore, #tpu.memory_space<semaphore_mem>>) src(%dma_wait3A_41 : memref<3200xf32, #tpu.memory_space<hbm>>) dst(%arg13 : memref<3200xf32, #tpu.memory_space<vmem>>)
      tpu.yield
    }) : () -> ()
    "tpu.region"() ({
      %run_scoped3A_35 = tpu.sem_alloc : memref<!tpu.dma_semaphore, #tpu.memory_space<semaphore_mem>>
      %dma_start3A = tpu.memref_slice %arg3[%mul3A_2] : memref<102400xf32, #tpu.memory_space<hbm>> -> memref<3200xf32, #tpu.memory_space<hbm>>
      %dma_start3A_36 = tpu.memref_slice %arg3[%mul3A_2] : memref<102400xf32, #tpu.memory_space<hbm>> -> memref<3200xf32, #tpu.memory_space<hbm>>
      tpu.enqueue_dma source(%dma_start3A_36 : memref<3200xf32, #tpu.memory_space<hbm>>) target(%arg14 : memref<3200xf32, #tpu.memory_space<vmem>>) target_semaphore(%run_scoped3A_35 : memref<!tpu.dma_semaphore, #tpu.memory_space<semaphore_mem>>)
      %dma_wait3A = tpu.memref_slice %arg3[%mul3A_2] : memref<102400xf32, #tpu.memory_space<hbm>> -> memref<3200xf32, #tpu.memory_space<hbm>>
      %dma_wait3A_37 = tpu.memref_slice %arg3[%mul3A_2] : memref<102400xf32, #tpu.memory_space<hbm>> -> memref<3200xf32, #tpu.memory_space<hbm>>
      tpu.wait_dma2 semaphore(%run_scoped3A_35 : memref<!tpu.dma_semaphore, #tpu.memory_space<semaphore_mem>>) src(%dma_wait3A_37 : memref<3200xf32, #tpu.memory_space<hbm>>) dst(%arg14 : memref<3200xf32, #tpu.memory_space<vmem>>)
      tpu.yield
    }) : () -> ()
    "tpu.region"() ({
      %run_scoped3A_35 = tpu.sem_alloc : memref<!tpu.dma_semaphore, #tpu.memory_space<semaphore_mem>>
      %dma_start3A = tpu.memref_slice %arg4[%mul3A_2] : memref<102400xf32, #tpu.memory_space<hbm>> -> memref<3200xf32, #tpu.memory_space<hbm>>
      %dma_start3A_36 = tpu.memref_slice %arg4[%mul3A_2] : memref<102400xf32, #tpu.memory_space<hbm>> -> memref<3200xf32, #tpu.memory_space<hbm>>
      tpu.enqueue_dma source(%dma_start3A_36 : memref<3200xf32, #tpu.memory_space<hbm>>) target(%arg15 : memref<3200xf32, #tpu.memory_space<vmem>>) target_semaphore(%run_scoped3A_35 : memref<!tpu.dma_semaphore, #tpu.memory_space<semaphore_mem>>)
      %dma_wait3A = tpu.memref_slice %arg4[%mul3A_2] : memref<102400xf32, #tpu.memory_space<hbm>> -> memref<3200xf32, #tpu.memory_space<hbm>>
      %dma_wait3A_37 = tpu.memref_slice %arg4[%mul3A_2] : memref<102400xf32, #tpu.memory_space<hbm>> -> memref<3200xf32, #tpu.memory_space<hbm>>
      tpu.wait_dma2 semaphore(%run_scoped3A_35 : memref<!tpu.dma_semaphore, #tpu.memory_space<semaphore_mem>>) src(%dma_wait3A_37 : memref<3200xf32, #tpu.memory_space<hbm>>) dst(%arg15 : memref<3200xf32, #tpu.memory_space<vmem>>)
      tpu.yield
    }) : () -> ()
    %broadcast_in_dim3A = arith.constant 0.000000e+00 : f32
    %broadcast_in_dim3A_18 = vector.broadcast %broadcast_in_dim3A : f32 to vector<16xf32>
    %scan3A = arith.constant 0 : i32
    %scan3A_19 = arith.constant 200 : i32
    %scan3A_20 = arith.addi %scan3A, %scan3A_19 : i32
    %scan3A_21 = arith.constant 1 : i32
    %scan3A_22:3 = scf.for %scan3A_35 = %scan3A to %scan3A_20 step %scan3A_21 iter_args(%scan3A_36 = %broadcast_in_dim3A_18, %scan3A_37 = %broadcast_in_dim3A_18, %scan3A_38 = %broadcast_in_dim3A_18) -> (vector<16xf32>, vector<16xf32>, vector<16xf32>)  : i32 {
      %mul3A_39 = arith.constant 16 : i32
      %mul3A_40 = arith.muli %scan3A_35, %mul3A_39 : i32
      %get3A = arith.index_cast %mul3A_40 : i32 to index
      %get3A_41 = tpu.vector_load %arg6[%get3A] {strides = array<i32>} : memref<3200xf32, #tpu.memory_space<vmem>>, vector<16xf32>,
      %get3A_42 = vector.shape_cast %get3A_41 : vector<16xf32> to vector<16xf32>
      %get3A_43 = arith.index_cast %mul3A_40 : i32 to index
      %get3A_44 = tpu.vector_load %arg7[%get3A_43] {strides = array<i32>} : memref<3200xf32, #tpu.memory_space<vmem>>, vector<16xf32>,
      %get3A_45 = vector.shape_cast %get3A_44 : vector<16xf32> to vector<16xf32>
      %add3A_46 = arith.addf %get3A_42, %get3A_45 : vector<16xf32>
      %get3A_47 = arith.index_cast %mul3A_40 : i32 to index
      %get3A_48 = tpu.vector_load %arg8[%get3A_47] {strides = array<i32>} : memref<3200xf32, #tpu.memory_space<vmem>>, vector<16xf32>,
      %get3A_49 = vector.shape_cast %get3A_48 : vector<16xf32> to vector<16xf32>
      %get3A_50 = arith.index_cast %mul3A_40 : i32 to index
      %get3A_51 = tpu.vector_load %arg9[%get3A_50] {strides = array<i32>} : memref<3200xf32, #tpu.memory_space<vmem>>, vector<16xf32>,
      %get3A_52 = vector.shape_cast %get3A_51 : vector<16xf32> to vector<16xf32>
      %add3A_53 = arith.addf %get3A_49, %get3A_52 : vector<16xf32>
      %max3A = arith.constant 1.000000e+00 : f32
      %max3A_54 = vector.broadcast %max3A : f32 to vector<16xf32>
      %max3A_55 = arith.maximumf %add3A_53, %max3A_54 : vector<16xf32>
      %div3A = arith.divf %add3A_46, %max3A_55 : vector<16xf32>
      %add3A_56 = arith.addf %scan3A_36, %div3A : vector<16xf32>
      %get3A_57 = arith.index_cast %mul3A_40 : i32 to index
      %get3A_58 = tpu.vector_load %arg10[%get3A_57] {strides = array<i32>} : memref<3200xf32, #tpu.memory_space<vmem>>, vector<16xf32>,
      %get3A_59 = vector.shape_cast %get3A_58 : vector<16xf32> to vector<16xf32>
      %get3A_60 = arith.index_cast %mul3A_40 : i32 to index
      %get3A_61 = tpu.vector_load %arg11[%get3A_60] {strides = array<i32>} : memref<3200xf32, #tpu.memory_space<vmem>>, vector<16xf32>,
      %get3A_62 = vector.shape_cast %get3A_61 : vector<16xf32> to vector<16xf32>
      %add3A_63 = arith.addf %get3A_59, %get3A_62 : vector<16xf32>
      %get3A_64 = arith.index_cast %mul3A_40 : i32 to index
      %get3A_65 = tpu.vector_load %arg12[%get3A_64] {strides = array<i32>} : memref<3200xf32, #tpu.memory_space<vmem>>, vector<16xf32>,
      %get3A_66 = vector.shape_cast %get3A_65 : vector<16xf32> to vector<16xf32>
      %get3A_67 = arith.index_cast %mul3A_40 : i32 to index
      %get3A_68 = tpu.vector_load %arg13[%get3A_67] {strides = array<i32>} : memref<3200xf32, #tpu.memory_space<vmem>>, vector<16xf32>,
      %get3A_69 = vector.shape_cast %get3A_68 : vector<16xf32> to vector<16xf32>
      %add3A_70 = arith.addf %get3A_66, %get3A_69 : vector<16xf32>
      %max3A_71 = arith.constant 1.000000e+00 : f32
      %max3A_72 = vector.broadcast %max3A_71 : f32 to vector<16xf32>
      %max3A_73 = arith.maximumf %add3A_70, %max3A_72 : vector<16xf32>
      %div3A_74 = arith.divf %add3A_63, %max3A_73 : vector<16xf32>
      %add3A_75 = arith.addf %scan3A_37, %div3A_74 : vector<16xf32>
      %get3A_76 = arith.index_cast %mul3A_40 : i32 to index
      %get3A_77 = tpu.vector_load %arg15[%get3A_76] {strides = array<i32>} : memref<3200xf32, #tpu.memory_space<vmem>>, vector<16xf32>,
      %get3A_78 = vector.shape_cast %get3A_77 : vector<16xf32> to vector<16xf32>
      %get3A_79 = arith.index_cast %mul3A_40 : i32 to index
      %get3A_80 = tpu.vector_load %arg14[%get3A_79] {strides = array<i32>} : memref<3200xf32, #tpu.memory_space<vmem>>, vector<16xf32>,
      %get3A_81 = vector.shape_cast %get3A_80 : vector<16xf32> to vector<16xf32>
      %sub3A = arith.subf %get3A_78, %get3A_81 : vector<16xf32>
      %mul3A_82 = arith.mulf %sub3A, %sub3A : vector<16xf32>
      %add3A_83 = arith.addf %scan3A_38, %mul3A_82 : vector<16xf32>
      scf.yield %add3A_56, %add3A_75, %add3A_83 : vector<16xf32>, vector<16xf32>, vector<16xf32>
    }
    %scan3A_23 = arith.constant 200 : i32
    %swap3A = arith.constant 0 : index
    %swap3A_24 = tpu.vector_load %arg16[%swap3A] {strides = array<i32>} : memref<48xf32, #tpu.memory_space<vmem>>, vector<16xf32>,
    %swap3A_25 = vector.shape_cast %swap3A_24 : vector<16xf32> to vector<16xf32>
    %swap3A_26 = vector.shape_cast %scan3A_22#0 : vector<16xf32> to vector<16xf32>
    tpu.vector_store %arg16[%swap3A], %swap3A_26 {strides = array<i32>} : memref<48xf32, #tpu.memory_space<vmem>>, vector<16xf32>,
    %swap3A_27 = arith.constant 16 : index
    %swap3A_28 = tpu.vector_load %arg16[%swap3A_27] {strides = array<i32>} : memref<48xf32, #tpu.memory_space<vmem>>, vector<16xf32>,
    %swap3A_29 = vector.shape_cast %swap3A_28 : vector<16xf32> to vector<16xf32>
    %swap3A_30 = vector.shape_cast %scan3A_22#1 : vector<16xf32> to vector<16xf32>
    tpu.vector_store %arg16[%swap3A_27], %swap3A_30 {strides = array<i32>} : memref<48xf32, #tpu.memory_space<vmem>>, vector<16xf32>,
    %swap3A_31 = arith.constant 32 : index
    %swap3A_32 = tpu.vector_load %arg16[%swap3A_31] {strides = array<i32>} : memref<48xf32, #tpu.memory_space<vmem>>, vector<16xf32>,
    %swap3A_33 = vector.shape_cast %swap3A_32 : vector<16xf32> to vector<16xf32>
    %swap3A_34 = vector.shape_cast %scan3A_22#2 : vector<16xf32> to vector<16xf32>
    tpu.vector_store %arg16[%swap3A_31], %swap3A_34 {strides = array<i32>} : memref<48xf32, #tpu.memory_space<vmem>>, vector<16xf32>,
    "tpu.region"() ({
      %run_scoped3A_35 = tpu.sem_alloc : memref<!tpu.dma_semaphore, #tpu.memory_space<semaphore_mem>>
      %dma_start3A = arith.constant 0 : i32
      %dma_start3A_36 = tpu.memref_slice %arg5[%add3A, %dma_start3A] : memref<32x48xf32, #tpu.memory_space<hbm>> -> memref<1x48xf32, #tpu.memory_space<hbm>>
      %dma_start3A_37 = tpu.memref_squeeze %dma_start3A_36 : memref<1x48xf32, #tpu.memory_space<hbm>> -> memref<48xf32, #tpu.memory_space<hbm>>
      %dma_start3A_38 = arith.constant 0 : i32
      %dma_start3A_39 = tpu.memref_slice %arg5[%add3A, %dma_start3A_38] : memref<32x48xf32, #tpu.memory_space<hbm>> -> memref<1x48xf32, #tpu.memory_space<hbm>>
      %dma_start3A_40 = tpu.memref_squeeze %dma_start3A_39 : memref<1x48xf32, #tpu.memory_space<hbm>> -> memref<48xf32, #tpu.memory_space<hbm>>
      tpu.enqueue_dma source(%arg16 : memref<48xf32, #tpu.memory_space<vmem>>) target(%dma_start3A_40 : memref<48xf32, #tpu.memory_space<hbm>>) target_semaphore(%run_scoped3A_35 : memref<!tpu.dma_semaphore, #tpu.memory_space<semaphore_mem>>)
      %dma_wait3A = arith.constant 0 : i32
      %dma_wait3A_41 = tpu.memref_slice %arg5[%add3A, %dma_wait3A] : memref<32x48xf32, #tpu.memory_space<hbm>> -> memref<1x48xf32, #tpu.memory_space<hbm>>
      %dma_wait3A_42 = tpu.memref_squeeze %dma_wait3A_41 : memref<1x48xf32, #tpu.memory_space<hbm>> -> memref<48xf32, #tpu.memory_space<hbm>>
      %dma_wait3A_43 = arith.constant 0 : i32
      %dma_wait3A_44 = tpu.memref_slice %arg5[%add3A, %dma_wait3A_43] : memref<32x48xf32, #tpu.memory_space<hbm>> -> memref<1x48xf32, #tpu.memory_space<hbm>>
      %dma_wait3A_45 = tpu.memref_squeeze %dma_wait3A_44 : memref<1x48xf32, #tpu.memory_space<hbm>> -> memref<48xf32, #tpu.memory_space<hbm>>
      tpu.wait_dma2 semaphore(%run_scoped3A_35 : memref<!tpu.dma_semaphore, #tpu.memory_space<semaphore_mem>>) src(%arg16 : memref<48xf32, #tpu.memory_space<vmem>>) dst(%dma_wait3A_45 : memref<48xf32, #tpu.memory_space<hbm>>)
      tpu.yield
    }) : () -> ()
    return
  }
}

#map = affine_map<(d0, d1) -> (0, 0)>
#map1 = affine_map<(d0, d1) -> (0)>
#map2 = affine_map<(d0, d1) -> (0, 0, 0)>
module attributes {stable_mosaic.version = 14 : i64} {
  func.func @_sc_accum(%arg0: i32, %arg1: i32, %arg2: memref<25000x128xf32, #tpu.memory_space<hbm>>, %arg3: memref<3200000xi32, #tpu.memory_space<hbm>>, %arg4: memref<25000x128xf32, #tpu.memory_space<hbm>>, %arg5: memref<3200000xi32, #tpu.memory_space<hbm>>, %arg6: memref<6400xf32, #tpu.memory_space<hbm>>, %arg7: memref<2x4x102400xf32, #tpu.memory_space<hbm>>, %arg8: memref<102400xf32, #tpu.memory_space<vmem_shared>>, %arg9: memref<102400xf32, #tpu.memory_space<vmem_shared>>, %arg10: memref<102400xf32, #tpu.memory_space<vmem_shared>>, %arg11: memref<102400xf32, #tpu.memory_space<vmem_shared>>, %arg12: memref<8x128xf32, #tpu.memory_space<vmem>>, %arg13: memref<1024xi32, #tpu.memory_space<vmem>>, %arg14: memref<128xf32, #tpu.memory_space<vmem>>, %arg15: memref<!tpu.dma_semaphore, #tpu.memory_space<semaphore_mem>>) attributes {dimension_semantics = [#tpu.dimension_semantics<core_parallel>, #tpu.dimension_semantics<subcore_parallel>], iteration_bounds = array<i64: 2, 16>, scalar_prefetch = 0 : i64, scratch_operands = 8 : i64, tpu.core_type = #tpu.core_type<sc_vector_subcore>, window_params = [{transform_indices = #map}, {transform_indices = #map1}, {transform_indices = #map}, {transform_indices = #map1}, {transform_indices = #map1}, {transform_indices = #map2}]} {
    %mul3A = arith.constant 16 : i32
    %mul3A_0 = arith.muli %arg0, %mul3A : i32
    %add3A = arith.addi %mul3A_0, %arg1 : i32
    %mul3A_1 = arith.constant 6400 : i32
    %mul3A_2 = arith.muli %arg1, %mul3A_1 : i32
    "tpu.region"() ({
      %run_scoped3A_107 = tpu.sem_alloc : memref<!tpu.dma_semaphore, #tpu.memory_space<semaphore_mem>>
      %dma_start3A = tpu.memref_slice %arg8[%mul3A_2] : memref<102400xf32, #tpu.memory_space<vmem_shared>> -> memref<6400xf32, #tpu.memory_space<vmem_shared>>
      tpu.enqueue_dma source(%arg6 : memref<6400xf32, #tpu.memory_space<hbm>>) target(%dma_start3A : memref<6400xf32, #tpu.memory_space<vmem_shared>>) target_semaphore(%run_scoped3A_107 : memref<!tpu.dma_semaphore, #tpu.memory_space<semaphore_mem>>)
      %dma_wait3A = tpu.memref_slice %arg8[%mul3A_2] : memref<102400xf32, #tpu.memory_space<vmem_shared>> -> memref<6400xf32, #tpu.memory_space<vmem_shared>>
      tpu.wait_dma2 semaphore(%run_scoped3A_107 : memref<!tpu.dma_semaphore, #tpu.memory_space<semaphore_mem>>) src(%arg6 : memref<6400xf32, #tpu.memory_space<hbm>>) dst(%dma_wait3A : memref<6400xf32, #tpu.memory_space<vmem_shared>>)
      tpu.yield
    }) : () -> ()
    %mul3A_3 = arith.constant 6400 : i32
    %mul3A_4 = arith.muli %arg1, %mul3A_3 : i32
    "tpu.region"() ({
      %run_scoped3A_107 = tpu.sem_alloc : memref<!tpu.dma_semaphore, #tpu.memory_space<semaphore_mem>>
      %dma_start3A = tpu.memref_slice %arg9[%mul3A_4] : memref<102400xf32, #tpu.memory_space<vmem_shared>> -> memref<6400xf32, #tpu.memory_space<vmem_shared>>
      tpu.enqueue_dma source(%arg6 : memref<6400xf32, #tpu.memory_space<hbm>>) target(%dma_start3A : memref<6400xf32, #tpu.memory_space<vmem_shared>>) target_semaphore(%run_scoped3A_107 : memref<!tpu.dma_semaphore, #tpu.memory_space<semaphore_mem>>)
      %dma_wait3A = tpu.memref_slice %arg9[%mul3A_4] : memref<102400xf32, #tpu.memory_space<vmem_shared>> -> memref<6400xf32, #tpu.memory_space<vmem_shared>>
      tpu.wait_dma2 semaphore(%run_scoped3A_107 : memref<!tpu.dma_semaphore, #tpu.memory_space<semaphore_mem>>) src(%arg6 : memref<6400xf32, #tpu.memory_space<hbm>>) dst(%dma_wait3A : memref<6400xf32, #tpu.memory_space<vmem_shared>>)
      tpu.yield
    }) : () -> ()
    %mul3A_5 = arith.constant 6400 : i32
    %mul3A_6 = arith.muli %arg1, %mul3A_5 : i32
    "tpu.region"() ({
      %run_scoped3A_107 = tpu.sem_alloc : memref<!tpu.dma_semaphore, #tpu.memory_space<semaphore_mem>>
      %dma_start3A = tpu.memref_slice %arg10[%mul3A_6] : memref<102400xf32, #tpu.memory_space<vmem_shared>> -> memref<6400xf32, #tpu.memory_space<vmem_shared>>
      tpu.enqueue_dma source(%arg6 : memref<6400xf32, #tpu.memory_space<hbm>>) target(%dma_start3A : memref<6400xf32, #tpu.memory_space<vmem_shared>>) target_semaphore(%run_scoped3A_107 : memref<!tpu.dma_semaphore, #tpu.memory_space<semaphore_mem>>)
      %dma_wait3A = tpu.memref_slice %arg10[%mul3A_6] : memref<102400xf32, #tpu.memory_space<vmem_shared>> -> memref<6400xf32, #tpu.memory_space<vmem_shared>>
      tpu.wait_dma2 semaphore(%run_scoped3A_107 : memref<!tpu.dma_semaphore, #tpu.memory_space<semaphore_mem>>) src(%arg6 : memref<6400xf32, #tpu.memory_space<hbm>>) dst(%dma_wait3A : memref<6400xf32, #tpu.memory_space<vmem_shared>>)
      tpu.yield
    }) : () -> ()
    %mul3A_7 = arith.constant 6400 : i32
    %mul3A_8 = arith.muli %arg1, %mul3A_7 : i32
    "tpu.region"() ({
      %run_scoped3A_107 = tpu.sem_alloc : memref<!tpu.dma_semaphore, #tpu.memory_space<semaphore_mem>>
      %dma_start3A = tpu.memref_slice %arg11[%mul3A_8] : memref<102400xf32, #tpu.memory_space<vmem_shared>> -> memref<6400xf32, #tpu.memory_space<vmem_shared>>
      tpu.enqueue_dma source(%arg6 : memref<6400xf32, #tpu.memory_space<hbm>>) target(%dma_start3A : memref<6400xf32, #tpu.memory_space<vmem_shared>>) target_semaphore(%run_scoped3A_107 : memref<!tpu.dma_semaphore, #tpu.memory_space<semaphore_mem>>)
      %dma_wait3A = tpu.memref_slice %arg11[%mul3A_8] : memref<102400xf32, #tpu.memory_space<vmem_shared>> -> memref<6400xf32, #tpu.memory_space<vmem_shared>>
      tpu.wait_dma2 semaphore(%run_scoped3A_107 : memref<!tpu.dma_semaphore, #tpu.memory_space<semaphore_mem>>) src(%arg6 : memref<6400xf32, #tpu.memory_space<hbm>>) dst(%dma_wait3A : memref<6400xf32, #tpu.memory_space<vmem_shared>>)
      tpu.yield
    }) : () -> ()
    %broadcast_in_dim3A = arith.constant 1.000000e+00 : f32
    %broadcast_in_dim3A_9 = vector.broadcast %broadcast_in_dim3A : f32 to vector<16xf32>
    %swap3A = arith.constant 0 : index
    %swap3A_10 = tpu.vector_load %arg14[%swap3A] {strides = array<i32>} : memref<128xf32, #tpu.memory_space<vmem>>, vector<16xf32>,
    %swap3A_11 = vector.shape_cast %swap3A_10 : vector<16xf32> to vector<16xf32>
    %swap3A_12 = vector.shape_cast %broadcast_in_dim3A_9 : vector<16xf32> to vector<16xf32>
    tpu.vector_store %arg14[%swap3A], %swap3A_12 {strides = array<i32>} : memref<128xf32, #tpu.memory_space<vmem>>, vector<16xf32>,
    %broadcast_in_dim3A_13 = arith.constant 1.000000e+00 : f32
    %broadcast_in_dim3A_14 = vector.broadcast %broadcast_in_dim3A_13 : f32 to vector<16xf32>
    %swap3A_15 = arith.constant 16 : index
    %swap3A_16 = tpu.vector_load %arg14[%swap3A_15] {strides = array<i32>} : memref<128xf32, #tpu.memory_space<vmem>>, vector<16xf32>,
    %swap3A_17 = vector.shape_cast %swap3A_16 : vector<16xf32> to vector<16xf32>
    %swap3A_18 = vector.shape_cast %broadcast_in_dim3A_14 : vector<16xf32> to vector<16xf32>
    tpu.vector_store %arg14[%swap3A_15], %swap3A_18 {strides = array<i32>} : memref<128xf32, #tpu.memory_space<vmem>>, vector<16xf32>,
    %broadcast_in_dim3A_19 = arith.constant 1.000000e+00 : f32
    %broadcast_in_dim3A_20 = vector.broadcast %broadcast_in_dim3A_19 : f32 to vector<16xf32>
    %swap3A_21 = arith.constant 32 : index
    %swap3A_22 = tpu.vector_load %arg14[%swap3A_21] {strides = array<i32>} : memref<128xf32, #tpu.memory_space<vmem>>, vector<16xf32>,
    %swap3A_23 = vector.shape_cast %swap3A_22 : vector<16xf32> to vector<16xf32>
    %swap3A_24 = vector.shape_cast %broadcast_in_dim3A_20 : vector<16xf32> to vector<16xf32>
    tpu.vector_store %arg14[%swap3A_21], %swap3A_24 {strides = array<i32>} : memref<128xf32, #tpu.memory_space<vmem>>, vector<16xf32>,
    %broadcast_in_dim3A_25 = arith.constant 1.000000e+00 : f32
    %broadcast_in_dim3A_26 = vector.broadcast %broadcast_in_dim3A_25 : f32 to vector<16xf32>
    %swap3A_27 = arith.constant 48 : index
    %swap3A_28 = tpu.vector_load %arg14[%swap3A_27] {strides = array<i32>} : memref<128xf32, #tpu.memory_space<vmem>>, vector<16xf32>,
    %swap3A_29 = vector.shape_cast %swap3A_28 : vector<16xf32> to vector<16xf32>
    %swap3A_30 = vector.shape_cast %broadcast_in_dim3A_26 : vector<16xf32> to vector<16xf32>
    tpu.vector_store %arg14[%swap3A_27], %swap3A_30 {strides = array<i32>} : memref<128xf32, #tpu.memory_space<vmem>>, vector<16xf32>,
    %broadcast_in_dim3A_31 = arith.constant 1.000000e+00 : f32
    %broadcast_in_dim3A_32 = vector.broadcast %broadcast_in_dim3A_31 : f32 to vector<16xf32>
    %swap3A_33 = arith.constant 64 : index
    %swap3A_34 = tpu.vector_load %arg14[%swap3A_33] {strides = array<i32>} : memref<128xf32, #tpu.memory_space<vmem>>, vector<16xf32>,
    %swap3A_35 = vector.shape_cast %swap3A_34 : vector<16xf32> to vector<16xf32>
    %swap3A_36 = vector.shape_cast %broadcast_in_dim3A_32 : vector<16xf32> to vector<16xf32>
    tpu.vector_store %arg14[%swap3A_33], %swap3A_36 {strides = array<i32>} : memref<128xf32, #tpu.memory_space<vmem>>, vector<16xf32>,
    %broadcast_in_dim3A_37 = arith.constant 1.000000e+00 : f32
    %broadcast_in_dim3A_38 = vector.broadcast %broadcast_in_dim3A_37 : f32 to vector<16xf32>
    %swap3A_39 = arith.constant 80 : index
    %swap3A_40 = tpu.vector_load %arg14[%swap3A_39] {strides = array<i32>} : memref<128xf32, #tpu.memory_space<vmem>>, vector<16xf32>,
    %swap3A_41 = vector.shape_cast %swap3A_40 : vector<16xf32> to vector<16xf32>
    %swap3A_42 = vector.shape_cast %broadcast_in_dim3A_38 : vector<16xf32> to vector<16xf32>
    tpu.vector_store %arg14[%swap3A_39], %swap3A_42 {strides = array<i32>} : memref<128xf32, #tpu.memory_space<vmem>>, vector<16xf32>,
    %broadcast_in_dim3A_43 = arith.constant 1.000000e+00 : f32
    %broadcast_in_dim3A_44 = vector.broadcast %broadcast_in_dim3A_43 : f32 to vector<16xf32>
    %swap3A_45 = arith.constant 96 : index
    %swap3A_46 = tpu.vector_load %arg14[%swap3A_45] {strides = array<i32>} : memref<128xf32, #tpu.memory_space<vmem>>, vector<16xf32>,
    %swap3A_47 = vector.shape_cast %swap3A_46 : vector<16xf32> to vector<16xf32>
    %swap3A_48 = vector.shape_cast %broadcast_in_dim3A_44 : vector<16xf32> to vector<16xf32>
    tpu.vector_store %arg14[%swap3A_45], %swap3A_48 {strides = array<i32>} : memref<128xf32, #tpu.memory_space<vmem>>, vector<16xf32>,
    %broadcast_in_dim3A_49 = arith.constant 1.000000e+00 : f32
    %broadcast_in_dim3A_50 = vector.broadcast %broadcast_in_dim3A_49 : f32 to vector<16xf32>
    %swap3A_51 = arith.constant 112 : index
    %swap3A_52 = tpu.vector_load %arg14[%swap3A_51] {strides = array<i32>} : memref<128xf32, #tpu.memory_space<vmem>>, vector<16xf32>,
    %swap3A_53 = vector.shape_cast %swap3A_52 : vector<16xf32> to vector<16xf32>
    %swap3A_54 = vector.shape_cast %broadcast_in_dim3A_50 : vector<16xf32> to vector<16xf32>
    tpu.vector_store %arg14[%swap3A_51], %swap3A_54 {strides = array<i32>} : memref<128xf32, #tpu.memory_space<vmem>>, vector<16xf32>,
    %barrier3A = arith.constant 0 : index
    tpu.barrier barrier_id(%barrier3A)
    %mul3A_55 = arith.constant 784 : i32
    %mul3A_56 = arith.muli %add3A, %mul3A_55 : i32
    %sub3A = arith.constant 25000 : i32
    %sub3A_57 = arith.subi %sub3A, %mul3A_56 : i32
    %min3A = arith.constant 784 : i32
    %min3A_58 = arith.minsi %min3A, %sub3A_57 : i32
    %jit3A = arith.constant 8 : i32
    %div3A = arith.divsi %min3A_58, %jit3A : i32
    %sign3A = arith.constant 0 : i32
    %sign3A_59 = arith.cmpi sgt, %min3A_58, %sign3A : i32
    %sign3A_60 = arith.extui %sign3A_59 : i1 to i32
    %sign3A_61 = arith.constant 0 : i32
    %sign3A_62 = arith.cmpi slt, %min3A_58, %sign3A_61 : i32
    %sign3A_63 = arith.extui %sign3A_62 : i1 to i32
    %sign3A_64 = arith.subi %sign3A_60, %sign3A_63 : i32
    %sign3A_65 = arith.constant 0 : i32
    %sign3A_66 = arith.cmpi sgt, %jit3A, %sign3A_65 : i32
    %sign3A_67 = arith.extui %sign3A_66 : i1 to i32
    %sign3A_68 = arith.constant 0 : i32
    %sign3A_69 = arith.cmpi slt, %jit3A, %sign3A_68 : i32
    %sign3A_70 = arith.extui %sign3A_69 : i1 to i32
    %sign3A_71 = arith.subi %sign3A_67, %sign3A_70 : i32
    %ne3A = arith.cmpi ne, %sign3A_64, %sign3A_71 : i32
    %rem3A = arith.remsi %min3A_58, %jit3A : i32
    %ne3A_72 = arith.constant 0 : i32
    %ne3A_73 = arith.cmpi ne, %rem3A, %ne3A_72 : i32
    %and3A = arith.andi %ne3A, %ne3A_73 : i1
    %sub3A_74 = arith.constant 1 : i32
    %sub3A_75 = arith.subi %div3A, %sub3A_74 : i32
    %select_n3A = arith.select %and3A, %sub3A_75, %div3A : i32
    %while3A = arith.constant 0 : i32
    %while3A_76 = arith.constant 0 : i32
    %while3A_77 = arith.subi %select_n3A, %while3A_76 : i32
    %while3A_78 = arith.addi %while3A_76, %while3A_77 : i32
    %while3A_79 = arith.constant 1 : i32
    %while3A_80 = arith.divsi %while3A_77, %while3A_79 : i32
    %while3A_81 = arith.muli %while3A_80, %while3A_79 : i32
    %while3A_82 = arith.addi %while3A_76, %while3A_81 : i32
    %while3A_83 = arith.constant 1 : i32
    scf.for %while3A_107 = %while3A_76 to %while3A_82 step %while3A_83  : i32 {
      %mul3A_108 = arith.constant 8 : i32
      %mul3A_109 = arith.muli %while3A_107, %mul3A_108 : i32
      %add3A_110 = arith.addi %mul3A_56, %mul3A_109 : i32
      "tpu.region"() ({
        %run_scoped3A_303 = tpu.sem_alloc : memref<!tpu.dma_semaphore, #tpu.memory_space<semaphore_mem>>
        %dma_start3A_304 = arith.constant 0 : i32
        %dma_start3A_305 = tpu.memref_slice %arg2[%add3A_110, %dma_start3A_304] : memref<25000x128xf32, #tpu.memory_space<hbm>> -> memref<8x128xf32, #tpu.memory_space<hbm>>
        %dma_start3A_306 = arith.constant 0 : i32
        %dma_start3A_307 = tpu.memref_slice %arg2[%add3A_110, %dma_start3A_306] : memref<25000x128xf32, #tpu.memory_space<hbm>> -> memref<8x128xf32, #tpu.memory_space<hbm>>
        tpu.enqueue_dma source(%dma_start3A_307 : memref<8x128xf32, #tpu.memory_space<hbm>>) target(%arg12 : memref<8x128xf32, #tpu.memory_space<vmem>>) target_semaphore(%run_scoped3A_303 : memref<!tpu.dma_semaphore, #tpu.memory_space<semaphore_mem>>)
        %dma_wait3A_308 = arith.constant 0 : i32
        %dma_wait3A_309 = tpu.memref_slice %arg2[%add3A_110, %dma_wait3A_308] : memref<25000x128xf32, #tpu.memory_space<hbm>> -> memref<8x128xf32, #tpu.memory_space<hbm>>
        %dma_wait3A_310 = arith.constant 0 : i32
        %dma_wait3A_311 = tpu.memref_slice %arg2[%add3A_110, %dma_wait3A_310] : memref<25000x128xf32, #tpu.memory_space<hbm>> -> memref<8x128xf32, #tpu.memory_space<hbm>>
        tpu.wait_dma2 semaphore(%run_scoped3A_303 : memref<!tpu.dma_semaphore, #tpu.memory_space<semaphore_mem>>) src(%dma_wait3A_311 : memref<8x128xf32, #tpu.memory_space<hbm>>) dst(%arg12 : memref<8x128xf32, #tpu.memory_space<vmem>>)
        tpu.yield
      }) : () -> ()
      %mul3A_111 = arith.constant 128 : i32
      %mul3A_112 = arith.muli %add3A_110, %mul3A_111 : i32
      "tpu.region"() ({
        %run_scoped3A_303 = tpu.sem_alloc : memref<!tpu.dma_semaphore, #tpu.memory_space<semaphore_mem>>
        %dma_start3A_304 = tpu.memref_slice %arg3[%mul3A_112] : memref<3200000xi32, #tpu.memory_space<hbm>> -> memref<1024xi32, #tpu.memory_space<hbm>>
        %dma_start3A_305 = tpu.memref_slice %arg3[%mul3A_112] : memref<3200000xi32, #tpu.memory_space<hbm>> -> memref<1024xi32, #tpu.memory_space<hbm>>
        tpu.enqueue_dma source(%dma_start3A_305 : memref<1024xi32, #tpu.memory_space<hbm>>) target(%arg13 : memref<1024xi32, #tpu.memory_space<vmem>>) target_semaphore(%run_scoped3A_303 : memref<!tpu.dma_semaphore, #tpu.memory_space<semaphore_mem>>)
        %dma_wait3A_306 = tpu.memref_slice %arg3[%mul3A_112] : memref<3200000xi32, #tpu.memory_space<hbm>> -> memref<1024xi32, #tpu.memory_space<hbm>>
        %dma_wait3A_307 = tpu.memref_slice %arg3[%mul3A_112] : memref<3200000xi32, #tpu.memory_space<hbm>> -> memref<1024xi32, #tpu.memory_space<hbm>>
        tpu.wait_dma2 semaphore(%run_scoped3A_303 : memref<!tpu.dma_semaphore, #tpu.memory_space<semaphore_mem>>) src(%dma_wait3A_307 : memref<1024xi32, #tpu.memory_space<hbm>>) dst(%arg13 : memref<1024xi32, #tpu.memory_space<vmem>>)
        tpu.yield
      }) : () -> ()
      %dma_start3A = arith.constant 0 : i32
      %dma_start3A_113 = arith.constant 0 : i32
      %dma_start3A_114 = tpu.memref_slice %arg12[%dma_start3A, %dma_start3A_113] : memref<8x128xf32, #tpu.memory_space<vmem>> -> memref<1x128xf32, #tpu.memory_space<vmem>>
      %dma_start3A_115 = tpu.memref_squeeze %dma_start3A_114 : memref<1x128xf32, #tpu.memory_space<vmem>> -> memref<128xf32, #tpu.memory_space<vmem>>
      %dma_start3A_116 = arith.constant 0 : i32
      %dma_start3A_117 = tpu.memref_slice %arg13[%dma_start3A_116] : memref<1024xi32, #tpu.memory_space<vmem>> -> memref<128xi32, #tpu.memory_space<vmem>>
      %dma_start3A_118 = arith.constant 0 : i32
      %dma_start3A_119 = tpu.memref_slice %arg8[%dma_start3A_118] : memref<102400xf32, #tpu.memory_space<vmem_shared>> -> memref<102400xf32, #tpu.memory_space<vmem_shared>>
      tpu.enqueue_indirect_dma source(%dma_start3A_115 : memref<128xf32, #tpu.memory_space<vmem>>) target(%dma_start3A_119 : memref<102400xf32, #tpu.memory_space<vmem_shared>>) offsets(%dma_start3A_117 : memref<128xi32, #tpu.memory_space<vmem>>) semaphore(%arg15 : memref<!tpu.dma_semaphore, #tpu.memory_space<semaphore_mem>>) {add = true}
      %dma_start3A_120 = arith.constant 0 : i32
      %dma_start3A_121 = tpu.memref_slice %arg13[%dma_start3A_120] : memref<1024xi32, #tpu.memory_space<vmem>> -> memref<128xi32, #tpu.memory_space<vmem>>
      %dma_start3A_122 = arith.constant 0 : i32
      %dma_start3A_123 = tpu.memref_slice %arg9[%dma_start3A_122] : memref<102400xf32, #tpu.memory_space<vmem_shared>> -> memref<102400xf32, #tpu.memory_space<vmem_shared>>
      tpu.enqueue_indirect_dma source(%arg14 : memref<128xf32, #tpu.memory_space<vmem>>) target(%dma_start3A_123 : memref<102400xf32, #tpu.memory_space<vmem_shared>>) offsets(%dma_start3A_121 : memref<128xi32, #tpu.memory_space<vmem>>) semaphore(%arg15 : memref<!tpu.dma_semaphore, #tpu.memory_space<semaphore_mem>>) {add = true}
      %dma_start3A_124 = arith.constant 1 : i32
      %dma_start3A_125 = arith.constant 0 : i32
      %dma_start3A_126 = tpu.memref_slice %arg12[%dma_start3A_124, %dma_start3A_125] : memref<8x128xf32, #tpu.memory_space<vmem>> -> memref<1x128xf32, #tpu.memory_space<vmem>>
      %dma_start3A_127 = tpu.memref_squeeze %dma_start3A_126 : memref<1x128xf32, #tpu.memory_space<vmem>> -> memref<128xf32, #tpu.memory_space<vmem>>
      %dma_start3A_128 = arith.constant 128 : i32
      %dma_start3A_129 = tpu.memref_slice %arg13[%dma_start3A_128] : memref<1024xi32, #tpu.memory_space<vmem>> -> memref<128xi32, #tpu.memory_space<vmem>>
      %dma_start3A_130 = arith.constant 0 : i32
      %dma_start3A_131 = tpu.memref_slice %arg8[%dma_start3A_130] : memref<102400xf32, #tpu.memory_space<vmem_shared>> -> memref<102400xf32, #tpu.memory_space<vmem_shared>>
      tpu.enqueue_indirect_dma source(%dma_start3A_127 : memref<128xf32, #tpu.memory_space<vmem>>) target(%dma_start3A_131 : memref<102400xf32, #tpu.memory_space<vmem_shared>>) offsets(%dma_start3A_129 : memref<128xi32, #tpu.memory_space<vmem>>) semaphore(%arg15 : memref<!tpu.dma_semaphore, #tpu.memory_space<semaphore_mem>>) {add = true}
      %dma_start3A_132 = arith.constant 128 : i32
      %dma_start3A_133 = tpu.memref_slice %arg13[%dma_start3A_132] : memref<1024xi32, #tpu.memory_space<vmem>> -> memref<128xi32, #tpu.memory_space<vmem>>
      %dma_start3A_134 = arith.constant 0 : i32
      %dma_start3A_135 = tpu.memref_slice %arg9[%dma_start3A_134] : memref<102400xf32, #tpu.memory_space<vmem_shared>> -> memref<102400xf32, #tpu.memory_space<vmem_shared>>
      tpu.enqueue_indirect_dma source(%arg14 : memref<128xf32, #tpu.memory_space<vmem>>) target(%dma_start3A_135 : memref<102400xf32, #tpu.memory_space<vmem_shared>>) offsets(%dma_start3A_133 : memref<128xi32, #tpu.memory_space<vmem>>) semaphore(%arg15 : memref<!tpu.dma_semaphore, #tpu.memory_space<semaphore_mem>>) {add = true}
      %dma_start3A_136 = arith.constant 2 : i32
      %dma_start3A_137 = arith.constant 0 : i32
      %dma_start3A_138 = tpu.memref_slice %arg12[%dma_start3A_136, %dma_start3A_137] : memref<8x128xf32, #tpu.memory_space<vmem>> -> memref<1x128xf32, #tpu.memory_space<vmem>>
      %dma_start3A_139 = tpu.memref_squeeze %dma_start3A_138 : memref<1x128xf32, #tpu.memory_space<vmem>> -> memref<128xf32, #tpu.memory_space<vmem>>
      %dma_start3A_140 = arith.constant 256 : i32
      %dma_start3A_141 = tpu.memref_slice %arg13[%dma_start3A_140] : memref<1024xi32, #tpu.memory_space<vmem>> -> memref<128xi32, #tpu.memory_space<vmem>>
      %dma_start3A_142 = arith.constant 0 : i32
      %dma_start3A_143 = tpu.memref_slice %arg8[%dma_start3A_142] : memref<102400xf32, #tpu.memory_space<vmem_shared>> -> memref<102400xf32, #tpu.memory_space<vmem_shared>>
      tpu.enqueue_indirect_dma source(%dma_start3A_139 : memref<128xf32, #tpu.memory_space<vmem>>) target(%dma_start3A_143 : memref<102400xf32, #tpu.memory_space<vmem_shared>>) offsets(%dma_start3A_141 : memref<128xi32, #tpu.memory_space<vmem>>) semaphore(%arg15 : memref<!tpu.dma_semaphore, #tpu.memory_space<semaphore_mem>>) {add = true}
      %dma_start3A_144 = arith.constant 256 : i32
      %dma_start3A_145 = tpu.memref_slice %arg13[%dma_start3A_144] : memref<1024xi32, #tpu.memory_space<vmem>> -> memref<128xi32, #tpu.memory_space<vmem>>
      %dma_start3A_146 = arith.constant 0 : i32
      %dma_start3A_147 = tpu.memref_slice %arg9[%dma_start3A_146] : memref<102400xf32, #tpu.memory_space<vmem_shared>> -> memref<102400xf32, #tpu.memory_space<vmem_shared>>
      tpu.enqueue_indirect_dma source(%arg14 : memref<128xf32, #tpu.memory_space<vmem>>) target(%dma_start3A_147 : memref<102400xf32, #tpu.memory_space<vmem_shared>>) offsets(%dma_start3A_145 : memref<128xi32, #tpu.memory_space<vmem>>) semaphore(%arg15 : memref<!tpu.dma_semaphore, #tpu.memory_space<semaphore_mem>>) {add = true}
      %dma_start3A_148 = arith.constant 3 : i32
      %dma_start3A_149 = arith.constant 0 : i32
      %dma_start3A_150 = tpu.memref_slice %arg12[%dma_start3A_148, %dma_start3A_149] : memref<8x128xf32, #tpu.memory_space<vmem>> -> memref<1x128xf32, #tpu.memory_space<vmem>>
      %dma_start3A_151 = tpu.memref_squeeze %dma_start3A_150 : memref<1x128xf32, #tpu.memory_space<vmem>> -> memref<128xf32, #tpu.memory_space<vmem>>
      %dma_start3A_152 = arith.constant 384 : i32
      %dma_start3A_153 = tpu.memref_slice %arg13[%dma_start3A_152] : memref<1024xi32, #tpu.memory_space<vmem>> -> memref<128xi32, #tpu.memory_space<vmem>>
      %dma_start3A_154 = arith.constant 0 : i32
      %dma_start3A_155 = tpu.memref_slice %arg8[%dma_start3A_154] : memref<102400xf32, #tpu.memory_space<vmem_shared>> -> memref<102400xf32, #tpu.memory_space<vmem_shared>>
      tpu.enqueue_indirect_dma source(%dma_start3A_151 : memref<128xf32, #tpu.memory_space<vmem>>) target(%dma_start3A_155 : memref<102400xf32, #tpu.memory_space<vmem_shared>>) offsets(%dma_start3A_153 : memref<128xi32, #tpu.memory_space<vmem>>) semaphore(%arg15 : memref<!tpu.dma_semaphore, #tpu.memory_space<semaphore_mem>>) {add = true}
      %dma_start3A_156 = arith.constant 384 : i32
      %dma_start3A_157 = tpu.memref_slice %arg13[%dma_start3A_156] : memref<1024xi32, #tpu.memory_space<vmem>> -> memref<128xi32, #tpu.memory_space<vmem>>
      %dma_start3A_158 = arith.constant 0 : i32
      %dma_start3A_159 = tpu.memref_slice %arg9[%dma_start3A_158] : memref<102400xf32, #tpu.memory_space<vmem_shared>> -> memref<102400xf32, #tpu.memory_space<vmem_shared>>
      tpu.enqueue_indirect_dma source(%arg14 : memref<128xf32, #tpu.memory_space<vmem>>) target(%dma_start3A_159 : memref<102400xf32, #tpu.memory_space<vmem_shared>>) offsets(%dma_start3A_157 : memref<128xi32, #tpu.memory_space<vmem>>) semaphore(%arg15 : memref<!tpu.dma_semaphore, #tpu.memory_space<semaphore_mem>>) {add = true}
      %dma_start3A_160 = arith.constant 4 : i32
      %dma_start3A_161 = arith.constant 0 : i32
      %dma_start3A_162 = tpu.memref_slice %arg12[%dma_start3A_160, %dma_start3A_161] : memref<8x128xf32, #tpu.memory_space<vmem>> -> memref<1x128xf32, #tpu.memory_space<vmem>>
      %dma_start3A_163 = tpu.memref_squeeze %dma_start3A_162 : memref<1x128xf32, #tpu.memory_space<vmem>> -> memref<128xf32, #tpu.memory_space<vmem>>
      %dma_start3A_164 = arith.constant 512 : i32
      %dma_start3A_165 = tpu.memref_slice %arg13[%dma_start3A_164] : memref<1024xi32, #tpu.memory_space<vmem>> -> memref<128xi32, #tpu.memory_space<vmem>>
      %dma_start3A_166 = arith.constant 0 : i32
      %dma_start3A_167 = tpu.memref_slice %arg8[%dma_start3A_166] : memref<102400xf32, #tpu.memory_space<vmem_shared>> -> memref<102400xf32, #tpu.memory_space<vmem_shared>>
      tpu.enqueue_indirect_dma source(%dma_start3A_163 : memref<128xf32, #tpu.memory_space<vmem>>) target(%dma_start3A_167 : memref<102400xf32, #tpu.memory_space<vmem_shared>>) offsets(%dma_start3A_165 : memref<128xi32, #tpu.memory_space<vmem>>) semaphore(%arg15 : memref<!tpu.dma_semaphore, #tpu.memory_space<semaphore_mem>>) {add = true}
      %dma_start3A_168 = arith.constant 512 : i32
      %dma_start3A_169 = tpu.memref_slice %arg13[%dma_start3A_168] : memref<1024xi32, #tpu.memory_space<vmem>> -> memref<128xi32, #tpu.memory_space<vmem>>
      %dma_start3A_170 = arith.constant 0 : i32
      %dma_start3A_171 = tpu.memref_slice %arg9[%dma_start3A_170] : memref<102400xf32, #tpu.memory_space<vmem_shared>> -> memref<102400xf32, #tpu.memory_space<vmem_shared>>
      tpu.enqueue_indirect_dma source(%arg14 : memref<128xf32, #tpu.memory_space<vmem>>) target(%dma_start3A_171 : memref<102400xf32, #tpu.memory_space<vmem_shared>>) offsets(%dma_start3A_169 : memref<128xi32, #tpu.memory_space<vmem>>) semaphore(%arg15 : memref<!tpu.dma_semaphore, #tpu.memory_space<semaphore_mem>>) {add = true}
      %dma_start3A_172 = arith.constant 5 : i32
      %dma_start3A_173 = arith.constant 0 : i32
      %dma_start3A_174 = tpu.memref_slice %arg12[%dma_start3A_172, %dma_start3A_173] : memref<8x128xf32, #tpu.memory_space<vmem>> -> memref<1x128xf32, #tpu.memory_space<vmem>>
      %dma_start3A_175 = tpu.memref_squeeze %dma_start3A_174 : memref<1x128xf32, #tpu.memory_space<vmem>> -> memref<128xf32, #tpu.memory_space<vmem>>
      %dma_start3A_176 = arith.constant 640 : i32
      %dma_start3A_177 = tpu.memref_slice %arg13[%dma_start3A_176] : memref<1024xi32, #tpu.memory_space<vmem>> -> memref<128xi32, #tpu.memory_space<vmem>>
      %dma_start3A_178 = arith.constant 0 : i32
      %dma_start3A_179 = tpu.memref_slice %arg8[%dma_start3A_178] : memref<102400xf32, #tpu.memory_space<vmem_shared>> -> memref<102400xf32, #tpu.memory_space<vmem_shared>>
      tpu.enqueue_indirect_dma source(%dma_start3A_175 : memref<128xf32, #tpu.memory_space<vmem>>) target(%dma_start3A_179 : memref<102400xf32, #tpu.memory_space<vmem_shared>>) offsets(%dma_start3A_177 : memref<128xi32, #tpu.memory_space<vmem>>) semaphore(%arg15 : memref<!tpu.dma_semaphore, #tpu.memory_space<semaphore_mem>>) {add = true}
      %dma_start3A_180 = arith.constant 640 : i32
      %dma_start3A_181 = tpu.memref_slice %arg13[%dma_start3A_180] : memref<1024xi32, #tpu.memory_space<vmem>> -> memref<128xi32, #tpu.memory_space<vmem>>
      %dma_start3A_182 = arith.constant 0 : i32
      %dma_start3A_183 = tpu.memref_slice %arg9[%dma_start3A_182] : memref<102400xf32, #tpu.memory_space<vmem_shared>> -> memref<102400xf32, #tpu.memory_space<vmem_shared>>
      tpu.enqueue_indirect_dma source(%arg14 : memref<128xf32, #tpu.memory_space<vmem>>) target(%dma_start3A_183 : memref<102400xf32, #tpu.memory_space<vmem_shared>>) offsets(%dma_start3A_181 : memref<128xi32, #tpu.memory_space<vmem>>) semaphore(%arg15 : memref<!tpu.dma_semaphore, #tpu.memory_space<semaphore_mem>>) {add = true}
      %dma_start3A_184 = arith.constant 6 : i32
      %dma_start3A_185 = arith.constant 0 : i32
      %dma_start3A_186 = tpu.memref_slice %arg12[%dma_start3A_184, %dma_start3A_185] : memref<8x128xf32, #tpu.memory_space<vmem>> -> memref<1x128xf32, #tpu.memory_space<vmem>>
      %dma_start3A_187 = tpu.memref_squeeze %dma_start3A_186 : memref<1x128xf32, #tpu.memory_space<vmem>> -> memref<128xf32, #tpu.memory_space<vmem>>
      %dma_start3A_188 = arith.constant 768 : i32
      %dma_start3A_189 = tpu.memref_slice %arg13[%dma_start3A_188] : memref<1024xi32, #tpu.memory_space<vmem>> -> memref<128xi32, #tpu.memory_space<vmem>>
      %dma_start3A_190 = arith.constant 0 : i32
      %dma_start3A_191 = tpu.memref_slice %arg8[%dma_start3A_190] : memref<102400xf32, #tpu.memory_space<vmem_shared>> -> memref<102400xf32, #tpu.memory_space<vmem_shared>>
      tpu.enqueue_indirect_dma source(%dma_start3A_187 : memref<128xf32, #tpu.memory_space<vmem>>) target(%dma_start3A_191 : memref<102400xf32, #tpu.memory_space<vmem_shared>>) offsets(%dma_start3A_189 : memref<128xi32, #tpu.memory_space<vmem>>) semaphore(%arg15 : memref<!tpu.dma_semaphore, #tpu.memory_space<semaphore_mem>>) {add = true}
      %dma_start3A_192 = arith.constant 768 : i32
      %dma_start3A_193 = tpu.memref_slice %arg13[%dma_start3A_192] : memref<1024xi32, #tpu.memory_space<vmem>> -> memref<128xi32, #tpu.memory_space<vmem>>
      %dma_start3A_194 = arith.constant 0 : i32
      %dma_start3A_195 = tpu.memref_slice %arg9[%dma_start3A_194] : memref<102400xf32, #tpu.memory_space<vmem_shared>> -> memref<102400xf32, #tpu.memory_space<vmem_shared>>
      tpu.enqueue_indirect_dma source(%arg14 : memref<128xf32, #tpu.memory_space<vmem>>) target(%dma_start3A_195 : memref<102400xf32, #tpu.memory_space<vmem_shared>>) offsets(%dma_start3A_193 : memref<128xi32, #tpu.memory_space<vmem>>) semaphore(%arg15 : memref<!tpu.dma_semaphore, #tpu.memory_space<semaphore_mem>>) {add = true}
      %dma_start3A_196 = arith.constant 7 : i32
      %dma_start3A_197 = arith.constant 0 : i32
      %dma_start3A_198 = tpu.memref_slice %arg12[%dma_start3A_196, %dma_start3A_197] : memref<8x128xf32, #tpu.memory_space<vmem>> -> memref<1x128xf32, #tpu.memory_space<vmem>>
      %dma_start3A_199 = tpu.memref_squeeze %dma_start3A_198 : memref<1x128xf32, #tpu.memory_space<vmem>> -> memref<128xf32, #tpu.memory_space<vmem>>
      %dma_start3A_200 = arith.constant 896 : i32
      %dma_start3A_201 = tpu.memref_slice %arg13[%dma_start3A_200] : memref<1024xi32, #tpu.memory_space<vmem>> -> memref<128xi32, #tpu.memory_space<vmem>>
      %dma_start3A_202 = arith.constant 0 : i32
      %dma_start3A_203 = tpu.memref_slice %arg8[%dma_start3A_202] : memref<102400xf32, #tpu.memory_space<vmem_shared>> -> memref<102400xf32, #tpu.memory_space<vmem_shared>>
      tpu.enqueue_indirect_dma source(%dma_start3A_199 : memref<128xf32, #tpu.memory_space<vmem>>) target(%dma_start3A_203 : memref<102400xf32, #tpu.memory_space<vmem_shared>>) offsets(%dma_start3A_201 : memref<128xi32, #tpu.memory_space<vmem>>) semaphore(%arg15 : memref<!tpu.dma_semaphore, #tpu.memory_space<semaphore_mem>>) {add = true}
      %dma_start3A_204 = arith.constant 896 : i32
      %dma_start3A_205 = tpu.memref_slice %arg13[%dma_start3A_204] : memref<1024xi32, #tpu.memory_space<vmem>> -> memref<128xi32, #tpu.memory_space<vmem>>
      %dma_start3A_206 = arith.constant 0 : i32
      %dma_start3A_207 = tpu.memref_slice %arg9[%dma_start3A_206] : memref<102400xf32, #tpu.memory_space<vmem_shared>> -> memref<102400xf32, #tpu.memory_space<vmem_shared>>
      tpu.enqueue_indirect_dma source(%arg14 : memref<128xf32, #tpu.memory_space<vmem>>) target(%dma_start3A_207 : memref<102400xf32, #tpu.memory_space<vmem_shared>>) offsets(%dma_start3A_205 : memref<128xi32, #tpu.memory_space<vmem>>) semaphore(%arg15 : memref<!tpu.dma_semaphore, #tpu.memory_space<semaphore_mem>>) {add = true}
      %dma_wait3A = arith.constant 0 : i32
      %dma_wait3A_208 = arith.constant 0 : i32
      %dma_wait3A_209 = tpu.memref_slice %arg12[%dma_wait3A, %dma_wait3A_208] : memref<8x128xf32, #tpu.memory_space<vmem>> -> memref<1x128xf32, #tpu.memory_space<vmem>>
      %dma_wait3A_210 = tpu.memref_squeeze %dma_wait3A_209 : memref<1x128xf32, #tpu.memory_space<vmem>> -> memref<128xf32, #tpu.memory_space<vmem>>
      %dma_wait3A_211 = arith.constant 0 : i32
      %dma_wait3A_212 = tpu.memref_slice %arg13[%dma_wait3A_211] : memref<1024xi32, #tpu.memory_space<vmem>> -> memref<128xi32, #tpu.memory_space<vmem>>
      %dma_wait3A_213 = arith.constant 0 : i32
      %dma_wait3A_214 = tpu.memref_slice %arg8[%dma_wait3A_213] : memref<102400xf32, #tpu.memory_space<vmem_shared>> -> memref<102400xf32, #tpu.memory_space<vmem_shared>>
      tpu.wait_indirect_dma semaphore(%arg15 : memref<!tpu.dma_semaphore, #tpu.memory_space<semaphore_mem>>) src(%dma_wait3A_210 : memref<128xf32, #tpu.memory_space<vmem>>) dst(%dma_wait3A_214 : memref<102400xf32, #tpu.memory_space<vmem_shared>>)
      %dma_wait3A_215 = arith.constant 0 : i32
      %dma_wait3A_216 = tpu.memref_slice %arg13[%dma_wait3A_215] : memref<1024xi32, #tpu.memory_space<vmem>> -> memref<128xi32, #tpu.memory_space<vmem>>
      %dma_wait3A_217 = arith.constant 0 : i32
      %dma_wait3A_218 = tpu.memref_slice %arg9[%dma_wait3A_217] : memref<102400xf32, #tpu.memory_space<vmem_shared>> -> memref<102400xf32, #tpu.memory_space<vmem_shared>>
      tpu.wait_indirect_dma semaphore(%arg15 : memref<!tpu.dma_semaphore, #tpu.memory_space<semaphore_mem>>) src(%arg14 : memref<128xf32, #tpu.memory_space<vmem>>) dst(%dma_wait3A_218 : memref<102400xf32, #tpu.memory_space<vmem_shared>>)
      %dma_wait3A_219 = arith.constant 1 : i32
      %dma_wait3A_220 = arith.constant 0 : i32
      %dma_wait3A_221 = tpu.memref_slice %arg12[%dma_wait3A_219, %dma_wait3A_220] : memref<8x128xf32, #tpu.memory_space<vmem>> -> memref<1x128xf32, #tpu.memory_space<vmem>>
      %dma_wait3A_222 = tpu.memref_squeeze %dma_wait3A_221 : memref<1x128xf32, #tpu.memory_space<vmem>> -> memref<128xf32, #tpu.memory_space<vmem>>
      %dma_wait3A_223 = arith.constant 128 : i32
      %dma_wait3A_224 = tpu.memref_slice %arg13[%dma_wait3A_223] : memref<1024xi32, #tpu.memory_space<vmem>> -> memref<128xi32, #tpu.memory_space<vmem>>
      %dma_wait3A_225 = arith.constant 0 : i32
      %dma_wait3A_226 = tpu.memref_slice %arg8[%dma_wait3A_225] : memref<102400xf32, #tpu.memory_space<vmem_shared>> -> memref<102400xf32, #tpu.memory_space<vmem_shared>>
      tpu.wait_indirect_dma semaphore(%arg15 : memref<!tpu.dma_semaphore, #tpu.memory_space<semaphore_mem>>) src(%dma_wait3A_222 : memref<128xf32, #tpu.memory_space<vmem>>) dst(%dma_wait3A_226 : memref<102400xf32, #tpu.memory_space<vmem_shared>>)
      %dma_wait3A_227 = arith.constant 128 : i32
      %dma_wait3A_228 = tpu.memref_slice %arg13[%dma_wait3A_227] : memref<1024xi32, #tpu.memory_space<vmem>> -> memref<128xi32, #tpu.memory_space<vmem>>
      %dma_wait3A_229 = arith.constant 0 : i32
      %dma_wait3A_230 = tpu.memref_slice %arg9[%dma_wait3A_229] : memref<102400xf32, #tpu.memory_space<vmem_shared>> -> memref<102400xf32, #tpu.memory_space<vmem_shared>>
      tpu.wait_indirect_dma semaphore(%arg15 : memref<!tpu.dma_semaphore, #tpu.memory_space<semaphore_mem>>) src(%arg14 : memref<128xf32, #tpu.memory_space<vmem>>) dst(%dma_wait3A_230 : memref<102400xf32, #tpu.memory_space<vmem_shared>>)
      %dma_wait3A_231 = arith.constant 2 : i32
      %dma_wait3A_232 = arith.constant 0 : i32
      %dma_wait3A_233 = tpu.memref_slice %arg12[%dma_wait3A_231, %dma_wait3A_232] : memref<8x128xf32, #tpu.memory_space<vmem>> -> memref<1x128xf32, #tpu.memory_space<vmem>>
      %dma_wait3A_234 = tpu.memref_squeeze %dma_wait3A_233 : memref<1x128xf32, #tpu.memory_space<vmem>> -> memref<128xf32, #tpu.memory_space<vmem>>
      %dma_wait3A_235 = arith.constant 256 : i32
      %dma_wait3A_236 = tpu.memref_slice %arg13[%dma_wait3A_235] : memref<1024xi32, #tpu.memory_space<vmem>> -> memref<128xi32, #tpu.memory_space<vmem>>
      %dma_wait3A_237 = arith.constant 0 : i32
      %dma_wait3A_238 = tpu.memref_slice %arg8[%dma_wait3A_237] : memref<102400xf32, #tpu.memory_space<vmem_shared>> -> memref<102400xf32, #tpu.memory_space<vmem_shared>>
      tpu.wait_indirect_dma semaphore(%arg15 : memref<!tpu.dma_semaphore, #tpu.memory_space<semaphore_mem>>) src(%dma_wait3A_234 : memref<128xf32, #tpu.memory_space<vmem>>) dst(%dma_wait3A_238 : memref<102400xf32, #tpu.memory_space<vmem_shared>>)
      %dma_wait3A_239 = arith.constant 256 : i32
      %dma_wait3A_240 = tpu.memref_slice %arg13[%dma_wait3A_239] : memref<1024xi32, #tpu.memory_space<vmem>> -> memref<128xi32, #tpu.memory_space<vmem>>
      %dma_wait3A_241 = arith.constant 0 : i32
      %dma_wait3A_242 = tpu.memref_slice %arg9[%dma_wait3A_241] : memref<102400xf32, #tpu.memory_space<vmem_shared>> -> memref<102400xf32, #tpu.memory_space<vmem_shared>>
      tpu.wait_indirect_dma semaphore(%arg15 : memref<!tpu.dma_semaphore, #tpu.memory_space<semaphore_mem>>) src(%arg14 : memref<128xf32, #tpu.memory_space<vmem>>) dst(%dma_wait3A_242 : memref<102400xf32, #tpu.memory_space<vmem_shared>>)
      %dma_wait3A_243 = arith.constant 3 : i32
      %dma_wait3A_244 = arith.constant 0 : i32
      %dma_wait3A_245 = tpu.memref_slice %arg12[%dma_wait3A_243, %dma_wait3A_244] : memref<8x128xf32, #tpu.memory_space<vmem>> -> memref<1x128xf32, #tpu.memory_space<vmem>>
      %dma_wait3A_246 = tpu.memref_squeeze %dma_wait3A_245 : memref<1x128xf32, #tpu.memory_space<vmem>> -> memref<128xf32, #tpu.memory_space<vmem>>
      %dma_wait3A_247 = arith.constant 384 : i32
      %dma_wait3A_248 = tpu.memref_slice %arg13[%dma_wait3A_247] : memref<1024xi32, #tpu.memory_space<vmem>> -> memref<128xi32, #tpu.memory_space<vmem>>
      %dma_wait3A_249 = arith.constant 0 : i32
      %dma_wait3A_250 = tpu.memref_slice %arg8[%dma_wait3A_249] : memref<102400xf32, #tpu.memory_space<vmem_shared>> -> memref<102400xf32, #tpu.memory_space<vmem_shared>>
      tpu.wait_indirect_dma semaphore(%arg15 : memref<!tpu.dma_semaphore, #tpu.memory_space<semaphore_mem>>) src(%dma_wait3A_246 : memref<128xf32, #tpu.memory_space<vmem>>) dst(%dma_wait3A_250 : memref<102400xf32, #tpu.memory_space<vmem_shared>>)
      %dma_wait3A_251 = arith.constant 384 : i32
      %dma_wait3A_252 = tpu.memref_slice %arg13[%dma_wait3A_251] : memref<1024xi32, #tpu.memory_space<vmem>> -> memref<128xi32, #tpu.memory_space<vmem>>
      %dma_wait3A_253 = arith.constant 0 : i32
      %dma_wait3A_254 = tpu.memref_slice %arg9[%dma_wait3A_253] : memref<102400xf32, #tpu.memory_space<vmem_shared>> -> memref<102400xf32, #tpu.memory_space<vmem_shared>>
      tpu.wait_indirect_dma semaphore(%arg15 : memref<!tpu.dma_semaphore, #tpu.memory_space<semaphore_mem>>) src(%arg14 : memref<128xf32, #tpu.memory_space<vmem>>) dst(%dma_wait3A_254 : memref<102400xf32, #tpu.memory_space<vmem_shared>>)
      %dma_wait3A_255 = arith.constant 4 : i32
      %dma_wait3A_256 = arith.constant 0 : i32
      %dma_wait3A_257 = tpu.memref_slice %arg12[%dma_wait3A_255, %dma_wait3A_256] : memref<8x128xf32, #tpu.memory_space<vmem>> -> memref<1x128xf32, #tpu.memory_space<vmem>>
      %dma_wait3A_258 = tpu.memref_squeeze %dma_wait3A_257 : memref<1x128xf32, #tpu.memory_space<vmem>> -> memref<128xf32, #tpu.memory_space<vmem>>
      %dma_wait3A_259 = arith.constant 512 : i32
      %dma_wait3A_260 = tpu.memref_slice %arg13[%dma_wait3A_259] : memref<1024xi32, #tpu.memory_space<vmem>> -> memref<128xi32, #tpu.memory_space<vmem>>
      %dma_wait3A_261 = arith.constant 0 : i32
      %dma_wait3A_262 = tpu.memref_slice %arg8[%dma_wait3A_261] : memref<102400xf32, #tpu.memory_space<vmem_shared>> -> memref<102400xf32, #tpu.memory_space<vmem_shared>>
      tpu.wait_indirect_dma semaphore(%arg15 : memref<!tpu.dma_semaphore, #tpu.memory_space<semaphore_mem>>) src(%dma_wait3A_258 : memref<128xf32, #tpu.memory_space<vmem>>) dst(%dma_wait3A_262 : memref<102400xf32, #tpu.memory_space<vmem_shared>>)
      %dma_wait3A_263 = arith.constant 512 : i32
      %dma_wait3A_264 = tpu.memref_slice %arg13[%dma_wait3A_263] : memref<1024xi32, #tpu.memory_space<vmem>> -> memref<128xi32, #tpu.memory_space<vmem>>
      %dma_wait3A_265 = arith.constant 0 : i32
      %dma_wait3A_266 = tpu.memref_slice %arg9[%dma_wait3A_265] : memref<102400xf32, #tpu.memory_space<vmem_shared>> -> memref<102400xf32, #tpu.memory_space<vmem_shared>>
      tpu.wait_indirect_dma semaphore(%arg15 : memref<!tpu.dma_semaphore, #tpu.memory_space<semaphore_mem>>) src(%arg14 : memref<128xf32, #tpu.memory_space<vmem>>) dst(%dma_wait3A_266 : memref<102400xf32, #tpu.memory_space<vmem_shared>>)
      %dma_wait3A_267 = arith.constant 5 : i32
      %dma_wait3A_268 = arith.constant 0 : i32
      %dma_wait3A_269 = tpu.memref_slice %arg12[%dma_wait3A_267, %dma_wait3A_268] : memref<8x128xf32, #tpu.memory_space<vmem>> -> memref<1x128xf32, #tpu.memory_space<vmem>>
      %dma_wait3A_270 = tpu.memref_squeeze %dma_wait3A_269 : memref<1x128xf32, #tpu.memory_space<vmem>> -> memref<128xf32, #tpu.memory_space<vmem>>
      %dma_wait3A_271 = arith.constant 640 : i32
      %dma_wait3A_272 = tpu.memref_slice %arg13[%dma_wait3A_271] : memref<1024xi32, #tpu.memory_space<vmem>> -> memref<128xi32, #tpu.memory_space<vmem>>
      %dma_wait3A_273 = arith.constant 0 : i32
      %dma_wait3A_274 = tpu.memref_slice %arg8[%dma_wait3A_273] : memref<102400xf32, #tpu.memory_space<vmem_shared>> -> memref<102400xf32, #tpu.memory_space<vmem_shared>>
      tpu.wait_indirect_dma semaphore(%arg15 : memref<!tpu.dma_semaphore, #tpu.memory_space<semaphore_mem>>) src(%dma_wait3A_270 : memref<128xf32, #tpu.memory_space<vmem>>) dst(%dma_wait3A_274 : memref<102400xf32, #tpu.memory_space<vmem_shared>>)
      %dma_wait3A_275 = arith.constant 640 : i32
      %dma_wait3A_276 = tpu.memref_slice %arg13[%dma_wait3A_275] : memref<1024xi32, #tpu.memory_space<vmem>> -> memref<128xi32, #tpu.memory_space<vmem>>
      %dma_wait3A_277 = arith.constant 0 : i32
      %dma_wait3A_278 = tpu.memref_slice %arg9[%dma_wait3A_277] : memref<102400xf32, #tpu.memory_space<vmem_shared>> -> memref<102400xf32, #tpu.memory_space<vmem_shared>>
      tpu.wait_indirect_dma semaphore(%arg15 : memref<!tpu.dma_semaphore, #tpu.memory_space<semaphore_mem>>) src(%arg14 : memref<128xf32, #tpu.memory_space<vmem>>) dst(%dma_wait3A_278 : memref<102400xf32, #tpu.memory_space<vmem_shared>>)
      %dma_wait3A_279 = arith.constant 6 : i32
      %dma_wait3A_280 = arith.constant 0 : i32
      %dma_wait3A_281 = tpu.memref_slice %arg12[%dma_wait3A_279, %dma_wait3A_280] : memref<8x128xf32, #tpu.memory_space<vmem>> -> memref<1x128xf32, #tpu.memory_space<vmem>>
      %dma_wait3A_282 = tpu.memref_squeeze %dma_wait3A_281 : memref<1x128xf32, #tpu.memory_space<vmem>> -> memref<128xf32, #tpu.memory_space<vmem>>
      %dma_wait3A_283 = arith.constant 768 : i32
      %dma_wait3A_284 = tpu.memref_slice %arg13[%dma_wait3A_283] : memref<1024xi32, #tpu.memory_space<vmem>> -> memref<128xi32, #tpu.memory_space<vmem>>
      %dma_wait3A_285 = arith.constant 0 : i32
      %dma_wait3A_286 = tpu.memref_slice %arg8[%dma_wait3A_285] : memref<102400xf32, #tpu.memory_space<vmem_shared>> -> memref<102400xf32, #tpu.memory_space<vmem_shared>>
      tpu.wait_indirect_dma semaphore(%arg15 : memref<!tpu.dma_semaphore, #tpu.memory_space<semaphore_mem>>) src(%dma_wait3A_282 : memref<128xf32, #tpu.memory_space<vmem>>) dst(%dma_wait3A_286 : memref<102400xf32, #tpu.memory_space<vmem_shared>>)
      %dma_wait3A_287 = arith.constant 768 : i32
      %dma_wait3A_288 = tpu.memref_slice %arg13[%dma_wait3A_287] : memref<1024xi32, #tpu.memory_space<vmem>> -> memref<128xi32, #tpu.memory_space<vmem>>
      %dma_wait3A_289 = arith.constant 0 : i32
      %dma_wait3A_290 = tpu.memref_slice %arg9[%dma_wait3A_289] : memref<102400xf32, #tpu.memory_space<vmem_shared>> -> memref<102400xf32, #tpu.memory_space<vmem_shared>>
      tpu.wait_indirect_dma semaphore(%arg15 : memref<!tpu.dma_semaphore, #tpu.memory_space<semaphore_mem>>) src(%arg14 : memref<128xf32, #tpu.memory_space<vmem>>) dst(%dma_wait3A_290 : memref<102400xf32, #tpu.memory_space<vmem_shared>>)
      %dma_wait3A_291 = arith.constant 7 : i32
      %dma_wait3A_292 = arith.constant 0 : i32
      %dma_wait3A_293 = tpu.memref_slice %arg12[%dma_wait3A_291, %dma_wait3A_292] : memref<8x128xf32, #tpu.memory_space<vmem>> -> memref<1x128xf32, #tpu.memory_space<vmem>>
      %dma_wait3A_294 = tpu.memref_squeeze %dma_wait3A_293 : memref<1x128xf32, #tpu.memory_space<vmem>> -> memref<128xf32, #tpu.memory_space<vmem>>
      %dma_wait3A_295 = arith.constant 896 : i32
      %dma_wait3A_296 = tpu.memref_slice %arg13[%dma_wait3A_295] : memref<1024xi32, #tpu.memory_space<vmem>> -> memref<128xi32, #tpu.memory_space<vmem>>
      %dma_wait3A_297 = arith.constant 0 : i32
      %dma_wait3A_298 = tpu.memref_slice %arg8[%dma_wait3A_297] : memref<102400xf32, #tpu.memory_space<vmem_shared>> -> memref<102400xf32, #tpu.memory_space<vmem_shared>>
      tpu.wait_indirect_dma semaphore(%arg15 : memref<!tpu.dma_semaphore, #tpu.memory_space<semaphore_mem>>) src(%dma_wait3A_294 : memref<128xf32, #tpu.memory_space<vmem>>) dst(%dma_wait3A_298 : memref<102400xf32, #tpu.memory_space<vmem_shared>>)
      %dma_wait3A_299 = arith.constant 896 : i32
      %dma_wait3A_300 = tpu.memref_slice %arg13[%dma_wait3A_299] : memref<1024xi32, #tpu.memory_space<vmem>> -> memref<128xi32, #tpu.memory_space<vmem>>
      %dma_wait3A_301 = arith.constant 0 : i32
      %dma_wait3A_302 = tpu.memref_slice %arg9[%dma_wait3A_301] : memref<102400xf32, #tpu.memory_space<vmem_shared>> -> memref<102400xf32, #tpu.memory_space<vmem_shared>>
      tpu.wait_indirect_dma semaphore(%arg15 : memref<!tpu.dma_semaphore, #tpu.memory_space<semaphore_mem>>) src(%arg14 : memref<128xf32, #tpu.memory_space<vmem>>) dst(%dma_wait3A_302 : memref<102400xf32, #tpu.memory_space<vmem_shared>>)
    }
    %while3A_84 = arith.constant 1 : i32
    scf.for %while3A_107 = %while3A_82 to %while3A_78 step %while3A_84  : i32 {
      %mul3A_108 = arith.constant 8 : i32
      %mul3A_109 = arith.muli %while3A_107, %mul3A_108 : i32
      %add3A_110 = arith.addi %mul3A_56, %mul3A_109 : i32
      "tpu.region"() ({
        %run_scoped3A_303 = tpu.sem_alloc : memref<!tpu.dma_semaphore, #tpu.memory_space<semaphore_mem>>
        %dma_start3A_304 = arith.constant 0 : i32
        %dma_start3A_305 = tpu.memref_slice %arg2[%add3A_110, %dma_start3A_304] : memref<25000x128xf32, #tpu.memory_space<hbm>> -> memref<8x128xf32, #tpu.memory_space<hbm>>
        %dma_start3A_306 = arith.constant 0 : i32
        %dma_start3A_307 = tpu.memref_slice %arg2[%add3A_110, %dma_start3A_306] : memref<25000x128xf32, #tpu.memory_space<hbm>> -> memref<8x128xf32, #tpu.memory_space<hbm>>
        tpu.enqueue_dma source(%dma_start3A_307 : memref<8x128xf32, #tpu.memory_space<hbm>>) target(%arg12 : memref<8x128xf32, #tpu.memory_space<vmem>>) target_semaphore(%run_scoped3A_303 : memref<!tpu.dma_semaphore, #tpu.memory_space<semaphore_mem>>)
        %dma_wait3A_308 = arith.constant 0 : i32
        %dma_wait3A_309 = tpu.memref_slice %arg2[%add3A_110, %dma_wait3A_308] : memref<25000x128xf32, #tpu.memory_space<hbm>> -> memref<8x128xf32, #tpu.memory_space<hbm>>
        %dma_wait3A_310 = arith.constant 0 : i32
        %dma_wait3A_311 = tpu.memref_slice %arg2[%add3A_110, %dma_wait3A_310] : memref<25000x128xf32, #tpu.memory_space<hbm>> -> memref<8x128xf32, #tpu.memory_space<hbm>>
        tpu.wait_dma2 semaphore(%run_scoped3A_303 : memref<!tpu.dma_semaphore, #tpu.memory_space<semaphore_mem>>) src(%dma_wait3A_311 : memref<8x128xf32, #tpu.memory_space<hbm>>) dst(%arg12 : memref<8x128xf32, #tpu.memory_space<vmem>>)
        tpu.yield
      }) : () -> ()
      %mul3A_111 = arith.constant 128 : i32
      %mul3A_112 = arith.muli %add3A_110, %mul3A_111 : i32
      "tpu.region"() ({
        %run_scoped3A_303 = tpu.sem_alloc : memref<!tpu.dma_semaphore, #tpu.memory_space<semaphore_mem>>
        %dma_start3A_304 = tpu.memref_slice %arg3[%mul3A_112] : memref<3200000xi32, #tpu.memory_space<hbm>> -> memref<1024xi32, #tpu.memory_space<hbm>>
        %dma_start3A_305 = tpu.memref_slice %arg3[%mul3A_112] : memref<3200000xi32, #tpu.memory_space<hbm>> -> memref<1024xi32, #tpu.memory_space<hbm>>
        tpu.enqueue_dma source(%dma_start3A_305 : memref<1024xi32, #tpu.memory_space<hbm>>) target(%arg13 : memref<1024xi32, #tpu.memory_space<vmem>>) target_semaphore(%run_scoped3A_303 : memref<!tpu.dma_semaphore, #tpu.memory_space<semaphore_mem>>)
        %dma_wait3A_306 = tpu.memref_slice %arg3[%mul3A_112] : memref<3200000xi32, #tpu.memory_space<hbm>> -> memref<1024xi32, #tpu.memory_space<hbm>>
        %dma_wait3A_307 = tpu.memref_slice %arg3[%mul3A_112] : memref<3200000xi32, #tpu.memory_space<hbm>> -> memref<1024xi32, #tpu.memory_space<hbm>>
        tpu.wait_dma2 semaphore(%run_scoped3A_303 : memref<!tpu.dma_semaphore, #tpu.memory_space<semaphore_mem>>) src(%dma_wait3A_307 : memref<1024xi32, #tpu.memory_space<hbm>>) dst(%arg13 : memref<1024xi32, #tpu.memory_space<vmem>>)
        tpu.yield
      }) : () -> ()
      %dma_start3A = arith.constant 0 : i32
      %dma_start3A_113 = arith.constant 0 : i32
      %dma_start3A_114 = tpu.memref_slice %arg12[%dma_start3A, %dma_start3A_113] : memref<8x128xf32, #tpu.memory_space<vmem>> -> memref<1x128xf32, #tpu.memory_space<vmem>>
      %dma_start3A_115 = tpu.memref_squeeze %dma_start3A_114 : memref<1x128xf32, #tpu.memory_space<vmem>> -> memref<128xf32, #tpu.memory_space<vmem>>
      %dma_start3A_116 = arith.constant 0 : i32
      %dma_start3A_117 = tpu.memref_slice %arg13[%dma_start3A_116] : memref<1024xi32, #tpu.memory_space<vmem>> -> memref<128xi32, #tpu.memory_space<vmem>>
      %dma_start3A_118 = arith.constant 0 : i32
      %dma_start3A_119 = tpu.memref_slice %arg8[%dma_start3A_118] : memref<102400xf32, #tpu.memory_space<vmem_shared>> -> memref<102400xf32, #tpu.memory_space<vmem_shared>>
      tpu.enqueue_indirect_dma source(%dma_start3A_115 : memref<128xf32, #tpu.memory_space<vmem>>) target(%dma_start3A_119 : memref<102400xf32, #tpu.memory_space<vmem_shared>>) offsets(%dma_start3A_117 : memref<128xi32, #tpu.memory_space<vmem>>) semaphore(%arg15 : memref<!tpu.dma_semaphore, #tpu.memory_space<semaphore_mem>>) {add = true}
      %dma_start3A_120 = arith.constant 0 : i32
      %dma_start3A_121 = tpu.memref_slice %arg13[%dma_start3A_120] : memref<1024xi32, #tpu.memory_space<vmem>> -> memref<128xi32, #tpu.memory_space<vmem>>
      %dma_start3A_122 = arith.constant 0 : i32
      %dma_start3A_123 = tpu.memref_slice %arg9[%dma_start3A_122] : memref<102400xf32, #tpu.memory_space<vmem_shared>> -> memref<102400xf32, #tpu.memory_space<vmem_shared>>
      tpu.enqueue_indirect_dma source(%arg14 : memref<128xf32, #tpu.memory_space<vmem>>) target(%dma_start3A_123 : memref<102400xf32, #tpu.memory_space<vmem_shared>>) offsets(%dma_start3A_121 : memref<128xi32, #tpu.memory_space<vmem>>) semaphore(%arg15 : memref<!tpu.dma_semaphore, #tpu.memory_space<semaphore_mem>>) {add = true}
      %dma_start3A_124 = arith.constant 1 : i32
      %dma_start3A_125 = arith.constant 0 : i32
      %dma_start3A_126 = tpu.memref_slice %arg12[%dma_start3A_124, %dma_start3A_125] : memref<8x128xf32, #tpu.memory_space<vmem>> -> memref<1x128xf32, #tpu.memory_space<vmem>>
      %dma_start3A_127 = tpu.memref_squeeze %dma_start3A_126 : memref<1x128xf32, #tpu.memory_space<vmem>> -> memref<128xf32, #tpu.memory_space<vmem>>
      %dma_start3A_128 = arith.constant 128 : i32
      %dma_start3A_129 = tpu.memref_slice %arg13[%dma_start3A_128] : memref<1024xi32, #tpu.memory_space<vmem>> -> memref<128xi32, #tpu.memory_space<vmem>>
      %dma_start3A_130 = arith.constant 0 : i32
      %dma_start3A_131 = tpu.memref_slice %arg8[%dma_start3A_130] : memref<102400xf32, #tpu.memory_space<vmem_shared>> -> memref<102400xf32, #tpu.memory_space<vmem_shared>>
      tpu.enqueue_indirect_dma source(%dma_start3A_127 : memref<128xf32, #tpu.memory_space<vmem>>) target(%dma_start3A_131 : memref<102400xf32, #tpu.memory_space<vmem_shared>>) offsets(%dma_start3A_129 : memref<128xi32, #tpu.memory_space<vmem>>) semaphore(%arg15 : memref<!tpu.dma_semaphore, #tpu.memory_space<semaphore_mem>>) {add = true}
      %dma_start3A_132 = arith.constant 128 : i32
      %dma_start3A_133 = tpu.memref_slice %arg13[%dma_start3A_132] : memref<1024xi32, #tpu.memory_space<vmem>> -> memref<128xi32, #tpu.memory_space<vmem>>
      %dma_start3A_134 = arith.constant 0 : i32
      %dma_start3A_135 = tpu.memref_slice %arg9[%dma_start3A_134] : memref<102400xf32, #tpu.memory_space<vmem_shared>> -> memref<102400xf32, #tpu.memory_space<vmem_shared>>
      tpu.enqueue_indirect_dma source(%arg14 : memref<128xf32, #tpu.memory_space<vmem>>) target(%dma_start3A_135 : memref<102400xf32, #tpu.memory_space<vmem_shared>>) offsets(%dma_start3A_133 : memref<128xi32, #tpu.memory_space<vmem>>) semaphore(%arg15 : memref<!tpu.dma_semaphore, #tpu.memory_space<semaphore_mem>>) {add = true}
      %dma_start3A_136 = arith.constant 2 : i32
      %dma_start3A_137 = arith.constant 0 : i32
      %dma_start3A_138 = tpu.memref_slice %arg12[%dma_start3A_136, %dma_start3A_137] : memref<8x128xf32, #tpu.memory_space<vmem>> -> memref<1x128xf32, #tpu.memory_space<vmem>>
      %dma_start3A_139 = tpu.memref_squeeze %dma_start3A_138 : memref<1x128xf32, #tpu.memory_space<vmem>> -> memref<128xf32, #tpu.memory_space<vmem>>
      %dma_start3A_140 = arith.constant 256 : i32
      %dma_start3A_141 = tpu.memref_slice %arg13[%dma_start3A_140] : memref<1024xi32, #tpu.memory_space<vmem>> -> memref<128xi32, #tpu.memory_space<vmem>>
      %dma_start3A_142 = arith.constant 0 : i32
      %dma_start3A_143 = tpu.memref_slice %arg8[%dma_start3A_142] : memref<102400xf32, #tpu.memory_space<vmem_shared>> -> memref<102400xf32, #tpu.memory_space<vmem_shared>>
      tpu.enqueue_indirect_dma source(%dma_start3A_139 : memref<128xf32, #tpu.memory_space<vmem>>) target(%dma_start3A_143 : memref<102400xf32, #tpu.memory_space<vmem_shared>>) offsets(%dma_start3A_141 : memref<128xi32, #tpu.memory_space<vmem>>) semaphore(%arg15 : memref<!tpu.dma_semaphore, #tpu.memory_space<semaphore_mem>>) {add = true}
      %dma_start3A_144 = arith.constant 256 : i32
      %dma_start3A_145 = tpu.memref_slice %arg13[%dma_start3A_144] : memref<1024xi32, #tpu.memory_space<vmem>> -> memref<128xi32, #tpu.memory_space<vmem>>
      %dma_start3A_146 = arith.constant 0 : i32
      %dma_start3A_147 = tpu.memref_slice %arg9[%dma_start3A_146] : memref<102400xf32, #tpu.memory_space<vmem_shared>> -> memref<102400xf32, #tpu.memory_space<vmem_shared>>
      tpu.enqueue_indirect_dma source(%arg14 : memref<128xf32, #tpu.memory_space<vmem>>) target(%dma_start3A_147 : memref<102400xf32, #tpu.memory_space<vmem_shared>>) offsets(%dma_start3A_145 : memref<128xi32, #tpu.memory_space<vmem>>) semaphore(%arg15 : memref<!tpu.dma_semaphore, #tpu.memory_space<semaphore_mem>>) {add = true}
      %dma_start3A_148 = arith.constant 3 : i32
      %dma_start3A_149 = arith.constant 0 : i32
      %dma_start3A_150 = tpu.memref_slice %arg12[%dma_start3A_148, %dma_start3A_149] : memref<8x128xf32, #tpu.memory_space<vmem>> -> memref<1x128xf32, #tpu.memory_space<vmem>>
      %dma_start3A_151 = tpu.memref_squeeze %dma_start3A_150 : memref<1x128xf32, #tpu.memory_space<vmem>> -> memref<128xf32, #tpu.memory_space<vmem>>
      %dma_start3A_152 = arith.constant 384 : i32
      %dma_start3A_153 = tpu.memref_slice %arg13[%dma_start3A_152] : memref<1024xi32, #tpu.memory_space<vmem>> -> memref<128xi32, #tpu.memory_space<vmem>>
      %dma_start3A_154 = arith.constant 0 : i32
      %dma_start3A_155 = tpu.memref_slice %arg8[%dma_start3A_154] : memref<102400xf32, #tpu.memory_space<vmem_shared>> -> memref<102400xf32, #tpu.memory_space<vmem_shared>>
      tpu.enqueue_indirect_dma source(%dma_start3A_151 : memref<128xf32, #tpu.memory_space<vmem>>) target(%dma_start3A_155 : memref<102400xf32, #tpu.memory_space<vmem_shared>>) offsets(%dma_start3A_153 : memref<128xi32, #tpu.memory_space<vmem>>) semaphore(%arg15 : memref<!tpu.dma_semaphore, #tpu.memory_space<semaphore_mem>>) {add = true}
      %dma_start3A_156 = arith.constant 384 : i32
      %dma_start3A_157 = tpu.memref_slice %arg13[%dma_start3A_156] : memref<1024xi32, #tpu.memory_space<vmem>> -> memref<128xi32, #tpu.memory_space<vmem>>
      %dma_start3A_158 = arith.constant 0 : i32
      %dma_start3A_159 = tpu.memref_slice %arg9[%dma_start3A_158] : memref<102400xf32, #tpu.memory_space<vmem_shared>> -> memref<102400xf32, #tpu.memory_space<vmem_shared>>
      tpu.enqueue_indirect_dma source(%arg14 : memref<128xf32, #tpu.memory_space<vmem>>) target(%dma_start3A_159 : memref<102400xf32, #tpu.memory_space<vmem_shared>>) offsets(%dma_start3A_157 : memref<128xi32, #tpu.memory_space<vmem>>) semaphore(%arg15 : memref<!tpu.dma_semaphore, #tpu.memory_space<semaphore_mem>>) {add = true}
      %dma_start3A_160 = arith.constant 4 : i32
      %dma_start3A_161 = arith.constant 0 : i32
      %dma_start3A_162 = tpu.memref_slice %arg12[%dma_start3A_160, %dma_start3A_161] : memref<8x128xf32, #tpu.memory_space<vmem>> -> memref<1x128xf32, #tpu.memory_space<vmem>>
      %dma_start3A_163 = tpu.memref_squeeze %dma_start3A_162 : memref<1x128xf32, #tpu.memory_space<vmem>> -> memref<128xf32, #tpu.memory_space<vmem>>
      %dma_start3A_164 = arith.constant 512 : i32
      %dma_start3A_165 = tpu.memref_slice %arg13[%dma_start3A_164] : memref<1024xi32, #tpu.memory_space<vmem>> -> memref<128xi32, #tpu.memory_space<vmem>>
      %dma_start3A_166 = arith.constant 0 : i32
      %dma_start3A_167 = tpu.memref_slice %arg8[%dma_start3A_166] : memref<102400xf32, #tpu.memory_space<vmem_shared>> -> memref<102400xf32, #tpu.memory_space<vmem_shared>>
      tpu.enqueue_indirect_dma source(%dma_start3A_163 : memref<128xf32, #tpu.memory_space<vmem>>) target(%dma_start3A_167 : memref<102400xf32, #tpu.memory_space<vmem_shared>>) offsets(%dma_start3A_165 : memref<128xi32, #tpu.memory_space<vmem>>) semaphore(%arg15 : memref<!tpu.dma_semaphore, #tpu.memory_space<semaphore_mem>>) {add = true}
      %dma_start3A_168 = arith.constant 512 : i32
      %dma_start3A_169 = tpu.memref_slice %arg13[%dma_start3A_168] : memref<1024xi32, #tpu.memory_space<vmem>> -> memref<128xi32, #tpu.memory_space<vmem>>
      %dma_start3A_170 = arith.constant 0 : i32
      %dma_start3A_171 = tpu.memref_slice %arg9[%dma_start3A_170] : memref<102400xf32, #tpu.memory_space<vmem_shared>> -> memref<102400xf32, #tpu.memory_space<vmem_shared>>
      tpu.enqueue_indirect_dma source(%arg14 : memref<128xf32, #tpu.memory_space<vmem>>) target(%dma_start3A_171 : memref<102400xf32, #tpu.memory_space<vmem_shared>>) offsets(%dma_start3A_169 : memref<128xi32, #tpu.memory_space<vmem>>) semaphore(%arg15 : memref<!tpu.dma_semaphore, #tpu.memory_space<semaphore_mem>>) {add = true}
      %dma_start3A_172 = arith.constant 5 : i32
      %dma_start3A_173 = arith.constant 0 : i32
      %dma_start3A_174 = tpu.memref_slice %arg12[%dma_start3A_172, %dma_start3A_173] : memref<8x128xf32, #tpu.memory_space<vmem>> -> memref<1x128xf32, #tpu.memory_space<vmem>>
      %dma_start3A_175 = tpu.memref_squeeze %dma_start3A_174 : memref<1x128xf32, #tpu.memory_space<vmem>> -> memref<128xf32, #tpu.memory_space<vmem>>
      %dma_start3A_176 = arith.constant 640 : i32
      %dma_start3A_177 = tpu.memref_slice %arg13[%dma_start3A_176] : memref<1024xi32, #tpu.memory_space<vmem>> -> memref<128xi32, #tpu.memory_space<vmem>>
      %dma_start3A_178 = arith.constant 0 : i32
      %dma_start3A_179 = tpu.memref_slice %arg8[%dma_start3A_178] : memref<102400xf32, #tpu.memory_space<vmem_shared>> -> memref<102400xf32, #tpu.memory_space<vmem_shared>>
      tpu.enqueue_indirect_dma source(%dma_start3A_175 : memref<128xf32, #tpu.memory_space<vmem>>) target(%dma_start3A_179 : memref<102400xf32, #tpu.memory_space<vmem_shared>>) offsets(%dma_start3A_177 : memref<128xi32, #tpu.memory_space<vmem>>) semaphore(%arg15 : memref<!tpu.dma_semaphore, #tpu.memory_space<semaphore_mem>>) {add = true}
      %dma_start3A_180 = arith.constant 640 : i32
      %dma_start3A_181 = tpu.memref_slice %arg13[%dma_start3A_180] : memref<1024xi32, #tpu.memory_space<vmem>> -> memref<128xi32, #tpu.memory_space<vmem>>
      %dma_start3A_182 = arith.constant 0 : i32
      %dma_start3A_183 = tpu.memref_slice %arg9[%dma_start3A_182] : memref<102400xf32, #tpu.memory_space<vmem_shared>> -> memref<102400xf32, #tpu.memory_space<vmem_shared>>
      tpu.enqueue_indirect_dma source(%arg14 : memref<128xf32, #tpu.memory_space<vmem>>) target(%dma_start3A_183 : memref<102400xf32, #tpu.memory_space<vmem_shared>>) offsets(%dma_start3A_181 : memref<128xi32, #tpu.memory_space<vmem>>) semaphore(%arg15 : memref<!tpu.dma_semaphore, #tpu.memory_space<semaphore_mem>>) {add = true}
      %dma_start3A_184 = arith.constant 6 : i32
      %dma_start3A_185 = arith.constant 0 : i32
      %dma_start3A_186 = tpu.memref_slice %arg12[%dma_start3A_184, %dma_start3A_185] : memref<8x128xf32, #tpu.memory_space<vmem>> -> memref<1x128xf32, #tpu.memory_space<vmem>>
      %dma_start3A_187 = tpu.memref_squeeze %dma_start3A_186 : memref<1x128xf32, #tpu.memory_space<vmem>> -> memref<128xf32, #tpu.memory_space<vmem>>
      %dma_start3A_188 = arith.constant 768 : i32
      %dma_start3A_189 = tpu.memref_slice %arg13[%dma_start3A_188] : memref<1024xi32, #tpu.memory_space<vmem>> -> memref<128xi32, #tpu.memory_space<vmem>>
      %dma_start3A_190 = arith.constant 0 : i32
      %dma_start3A_191 = tpu.memref_slice %arg8[%dma_start3A_190] : memref<102400xf32, #tpu.memory_space<vmem_shared>> -> memref<102400xf32, #tpu.memory_space<vmem_shared>>
      tpu.enqueue_indirect_dma source(%dma_start3A_187 : memref<128xf32, #tpu.memory_space<vmem>>) target(%dma_start3A_191 : memref<102400xf32, #tpu.memory_space<vmem_shared>>) offsets(%dma_start3A_189 : memref<128xi32, #tpu.memory_space<vmem>>) semaphore(%arg15 : memref<!tpu.dma_semaphore, #tpu.memory_space<semaphore_mem>>) {add = true}
      %dma_start3A_192 = arith.constant 768 : i32
      %dma_start3A_193 = tpu.memref_slice %arg13[%dma_start3A_192] : memref<1024xi32, #tpu.memory_space<vmem>> -> memref<128xi32, #tpu.memory_space<vmem>>
      %dma_start3A_194 = arith.constant 0 : i32
      %dma_start3A_195 = tpu.memref_slice %arg9[%dma_start3A_194] : memref<102400xf32, #tpu.memory_space<vmem_shared>> -> memref<102400xf32, #tpu.memory_space<vmem_shared>>
      tpu.enqueue_indirect_dma source(%arg14 : memref<128xf32, #tpu.memory_space<vmem>>) target(%dma_start3A_195 : memref<102400xf32, #tpu.memory_space<vmem_shared>>) offsets(%dma_start3A_193 : memref<128xi32, #tpu.memory_space<vmem>>) semaphore(%arg15 : memref<!tpu.dma_semaphore, #tpu.memory_space<semaphore_mem>>) {add = true}
      %dma_start3A_196 = arith.constant 7 : i32
      %dma_start3A_197 = arith.constant 0 : i32
      %dma_start3A_198 = tpu.memref_slice %arg12[%dma_start3A_196, %dma_start3A_197] : memref<8x128xf32, #tpu.memory_space<vmem>> -> memref<1x128xf32, #tpu.memory_space<vmem>>
      %dma_start3A_199 = tpu.memref_squeeze %dma_start3A_198 : memref<1x128xf32, #tpu.memory_space<vmem>> -> memref<128xf32, #tpu.memory_space<vmem>>
      %dma_start3A_200 = arith.constant 896 : i32
      %dma_start3A_201 = tpu.memref_slice %arg13[%dma_start3A_200] : memref<1024xi32, #tpu.memory_space<vmem>> -> memref<128xi32, #tpu.memory_space<vmem>>
      %dma_start3A_202 = arith.constant 0 : i32
      %dma_start3A_203 = tpu.memref_slice %arg8[%dma_start3A_202] : memref<102400xf32, #tpu.memory_space<vmem_shared>> -> memref<102400xf32, #tpu.memory_space<vmem_shared>>
      tpu.enqueue_indirect_dma source(%dma_start3A_199 : memref<128xf32, #tpu.memory_space<vmem>>) target(%dma_start3A_203 : memref<102400xf32, #tpu.memory_space<vmem_shared>>) offsets(%dma_start3A_201 : memref<128xi32, #tpu.memory_space<vmem>>) semaphore(%arg15 : memref<!tpu.dma_semaphore, #tpu.memory_space<semaphore_mem>>) {add = true}
      %dma_start3A_204 = arith.constant 896 : i32
      %dma_start3A_205 = tpu.memref_slice %arg13[%dma_start3A_204] : memref<1024xi32, #tpu.memory_space<vmem>> -> memref<128xi32, #tpu.memory_space<vmem>>
      %dma_start3A_206 = arith.constant 0 : i32
      %dma_start3A_207 = tpu.memref_slice %arg9[%dma_start3A_206] : memref<102400xf32, #tpu.memory_space<vmem_shared>> -> memref<102400xf32, #tpu.memory_space<vmem_shared>>
      tpu.enqueue_indirect_dma source(%arg14 : memref<128xf32, #tpu.memory_space<vmem>>) target(%dma_start3A_207 : memref<102400xf32, #tpu.memory_space<vmem_shared>>) offsets(%dma_start3A_205 : memref<128xi32, #tpu.memory_space<vmem>>) semaphore(%arg15 : memref<!tpu.dma_semaphore, #tpu.memory_space<semaphore_mem>>) {add = true}
      %dma_wait3A = arith.constant 0 : i32
      %dma_wait3A_208 = arith.constant 0 : i32
      %dma_wait3A_209 = tpu.memref_slice %arg12[%dma_wait3A, %dma_wait3A_208] : memref<8x128xf32, #tpu.memory_space<vmem>> -> memref<1x128xf32, #tpu.memory_space<vmem>>
      %dma_wait3A_210 = tpu.memref_squeeze %dma_wait3A_209 : memref<1x128xf32, #tpu.memory_space<vmem>> -> memref<128xf32, #tpu.memory_space<vmem>>
      %dma_wait3A_211 = arith.constant 0 : i32
      %dma_wait3A_212 = tpu.memref_slice %arg13[%dma_wait3A_211] : memref<1024xi32, #tpu.memory_space<vmem>> -> memref<128xi32, #tpu.memory_space<vmem>>
      %dma_wait3A_213 = arith.constant 0 : i32
      %dma_wait3A_214 = tpu.memref_slice %arg8[%dma_wait3A_213] : memref<102400xf32, #tpu.memory_space<vmem_shared>> -> memref<102400xf32, #tpu.memory_space<vmem_shared>>
      tpu.wait_indirect_dma semaphore(%arg15 : memref<!tpu.dma_semaphore, #tpu.memory_space<semaphore_mem>>) src(%dma_wait3A_210 : memref<128xf32, #tpu.memory_space<vmem>>) dst(%dma_wait3A_214 : memref<102400xf32, #tpu.memory_space<vmem_shared>>)
      %dma_wait3A_215 = arith.constant 0 : i32
      %dma_wait3A_216 = tpu.memref_slice %arg13[%dma_wait3A_215] : memref<1024xi32, #tpu.memory_space<vmem>> -> memref<128xi32, #tpu.memory_space<vmem>>
      %dma_wait3A_217 = arith.constant 0 : i32
      %dma_wait3A_218 = tpu.memref_slice %arg9[%dma_wait3A_217] : memref<102400xf32, #tpu.memory_space<vmem_shared>> -> memref<102400xf32, #tpu.memory_space<vmem_shared>>
      tpu.wait_indirect_dma semaphore(%arg15 : memref<!tpu.dma_semaphore, #tpu.memory_space<semaphore_mem>>) src(%arg14 : memref<128xf32, #tpu.memory_space<vmem>>) dst(%dma_wait3A_218 : memref<102400xf32, #tpu.memory_space<vmem_shared>>)
      %dma_wait3A_219 = arith.constant 1 : i32
      %dma_wait3A_220 = arith.constant 0 : i32
      %dma_wait3A_221 = tpu.memref_slice %arg12[%dma_wait3A_219, %dma_wait3A_220] : memref<8x128xf32, #tpu.memory_space<vmem>> -> memref<1x128xf32, #tpu.memory_space<vmem>>
      %dma_wait3A_222 = tpu.memref_squeeze %dma_wait3A_221 : memref<1x128xf32, #tpu.memory_space<vmem>> -> memref<128xf32, #tpu.memory_space<vmem>>
      %dma_wait3A_223 = arith.constant 128 : i32
      %dma_wait3A_224 = tpu.memref_slice %arg13[%dma_wait3A_223] : memref<1024xi32, #tpu.memory_space<vmem>> -> memref<128xi32, #tpu.memory_space<vmem>>
      %dma_wait3A_225 = arith.constant 0 : i32
      %dma_wait3A_226 = tpu.memref_slice %arg8[%dma_wait3A_225] : memref<102400xf32, #tpu.memory_space<vmem_shared>> -> memref<102400xf32, #tpu.memory_space<vmem_shared>>
      tpu.wait_indirect_dma semaphore(%arg15 : memref<!tpu.dma_semaphore, #tpu.memory_space<semaphore_mem>>) src(%dma_wait3A_222 : memref<128xf32, #tpu.memory_space<vmem>>) dst(%dma_wait3A_226 : memref<102400xf32, #tpu.memory_space<vmem_shared>>)
      %dma_wait3A_227 = arith.constant 128 : i32
      %dma_wait3A_228 = tpu.memref_slice %arg13[%dma_wait3A_227] : memref<1024xi32, #tpu.memory_space<vmem>> -> memref<128xi32, #tpu.memory_space<vmem>>
      %dma_wait3A_229 = arith.constant 0 : i32
      %dma_wait3A_230 = tpu.memref_slice %arg9[%dma_wait3A_229] : memref<102400xf32, #tpu.memory_space<vmem_shared>> -> memref<102400xf32, #tpu.memory_space<vmem_shared>>
      tpu.wait_indirect_dma semaphore(%arg15 : memref<!tpu.dma_semaphore, #tpu.memory_space<semaphore_mem>>) src(%arg14 : memref<128xf32, #tpu.memory_space<vmem>>) dst(%dma_wait3A_230 : memref<102400xf32, #tpu.memory_space<vmem_shared>>)
      %dma_wait3A_231 = arith.constant 2 : i32
      %dma_wait3A_232 = arith.constant 0 : i32
      %dma_wait3A_233 = tpu.memref_slice %arg12[%dma_wait3A_231, %dma_wait3A_232] : memref<8x128xf32, #tpu.memory_space<vmem>> -> memref<1x128xf32, #tpu.memory_space<vmem>>
      %dma_wait3A_234 = tpu.memref_squeeze %dma_wait3A_233 : memref<1x128xf32, #tpu.memory_space<vmem>> -> memref<128xf32, #tpu.memory_space<vmem>>
      %dma_wait3A_235 = arith.constant 256 : i32
      %dma_wait3A_236 = tpu.memref_slice %arg13[%dma_wait3A_235] : memref<1024xi32, #tpu.memory_space<vmem>> -> memref<128xi32, #tpu.memory_space<vmem>>
      %dma_wait3A_237 = arith.constant 0 : i32
      %dma_wait3A_238 = tpu.memref_slice %arg8[%dma_wait3A_237] : memref<102400xf32, #tpu.memory_space<vmem_shared>> -> memref<102400xf32, #tpu.memory_space<vmem_shared>>
      tpu.wait_indirect_dma semaphore(%arg15 : memref<!tpu.dma_semaphore, #tpu.memory_space<semaphore_mem>>) src(%dma_wait3A_234 : memref<128xf32, #tpu.memory_space<vmem>>) dst(%dma_wait3A_238 : memref<102400xf32, #tpu.memory_space<vmem_shared>>)
      %dma_wait3A_239 = arith.constant 256 : i32
      %dma_wait3A_240 = tpu.memref_slice %arg13[%dma_wait3A_239] : memref<1024xi32, #tpu.memory_space<vmem>> -> memref<128xi32, #tpu.memory_space<vmem>>
      %dma_wait3A_241 = arith.constant 0 : i32
      %dma_wait3A_242 = tpu.memref_slice %arg9[%dma_wait3A_241] : memref<102400xf32, #tpu.memory_space<vmem_shared>> -> memref<102400xf32, #tpu.memory_space<vmem_shared>>
      tpu.wait_indirect_dma semaphore(%arg15 : memref<!tpu.dma_semaphore, #tpu.memory_space<semaphore_mem>>) src(%arg14 : memref<128xf32, #tpu.memory_space<vmem>>) dst(%dma_wait3A_242 : memref<102400xf32, #tpu.memory_space<vmem_shared>>)
      %dma_wait3A_243 = arith.constant 3 : i32
      %dma_wait3A_244 = arith.constant 0 : i32
      %dma_wait3A_245 = tpu.memref_slice %arg12[%dma_wait3A_243, %dma_wait3A_244] : memref<8x128xf32, #tpu.memory_space<vmem>> -> memref<1x128xf32, #tpu.memory_space<vmem>>
      %dma_wait3A_246 = tpu.memref_squeeze %dma_wait3A_245 : memref<1x128xf32, #tpu.memory_space<vmem>> -> memref<128xf32, #tpu.memory_space<vmem>>
      %dma_wait3A_247 = arith.constant 384 : i32
      %dma_wait3A_248 = tpu.memref_slice %arg13[%dma_wait3A_247] : memref<1024xi32, #tpu.memory_space<vmem>> -> memref<128xi32, #tpu.memory_space<vmem>>
      %dma_wait3A_249 = arith.constant 0 : i32
      %dma_wait3A_250 = tpu.memref_slice %arg8[%dma_wait3A_249] : memref<102400xf32, #tpu.memory_space<vmem_shared>> -> memref<102400xf32, #tpu.memory_space<vmem_shared>>
      tpu.wait_indirect_dma semaphore(%arg15 : memref<!tpu.dma_semaphore, #tpu.memory_space<semaphore_mem>>) src(%dma_wait3A_246 : memref<128xf32, #tpu.memory_space<vmem>>) dst(%dma_wait3A_250 : memref<102400xf32, #tpu.memory_space<vmem_shared>>)
      %dma_wait3A_251 = arith.constant 384 : i32
      %dma_wait3A_252 = tpu.memref_slice %arg13[%dma_wait3A_251] : memref<1024xi32, #tpu.memory_space<vmem>> -> memref<128xi32, #tpu.memory_space<vmem>>
      %dma_wait3A_253 = arith.constant 0 : i32
      %dma_wait3A_254 = tpu.memref_slice %arg9[%dma_wait3A_253] : memref<102400xf32, #tpu.memory_space<vmem_shared>> -> memref<102400xf32, #tpu.memory_space<vmem_shared>>
      tpu.wait_indirect_dma semaphore(%arg15 : memref<!tpu.dma_semaphore, #tpu.memory_space<semaphore_mem>>) src(%arg14 : memref<128xf32, #tpu.memory_space<vmem>>) dst(%dma_wait3A_254 : memref<102400xf32, #tpu.memory_space<vmem_shared>>)
      %dma_wait3A_255 = arith.constant 4 : i32
      %dma_wait3A_256 = arith.constant 0 : i32
      %dma_wait3A_257 = tpu.memref_slice %arg12[%dma_wait3A_255, %dma_wait3A_256] : memref<8x128xf32, #tpu.memory_space<vmem>> -> memref<1x128xf32, #tpu.memory_space<vmem>>
      %dma_wait3A_258 = tpu.memref_squeeze %dma_wait3A_257 : memref<1x128xf32, #tpu.memory_space<vmem>> -> memref<128xf32, #tpu.memory_space<vmem>>
      %dma_wait3A_259 = arith.constant 512 : i32
      %dma_wait3A_260 = tpu.memref_slice %arg13[%dma_wait3A_259] : memref<1024xi32, #tpu.memory_space<vmem>> -> memref<128xi32, #tpu.memory_space<vmem>>
      %dma_wait3A_261 = arith.constant 0 : i32
      %dma_wait3A_262 = tpu.memref_slice %arg8[%dma_wait3A_261] : memref<102400xf32, #tpu.memory_space<vmem_shared>> -> memref<102400xf32, #tpu.memory_space<vmem_shared>>
      tpu.wait_indirect_dma semaphore(%arg15 : memref<!tpu.dma_semaphore, #tpu.memory_space<semaphore_mem>>) src(%dma_wait3A_258 : memref<128xf32, #tpu.memory_space<vmem>>) dst(%dma_wait3A_262 : memref<102400xf32, #tpu.memory_space<vmem_shared>>)
      %dma_wait3A_263 = arith.constant 512 : i32
      %dma_wait3A_264 = tpu.memref_slice %arg13[%dma_wait3A_263] : memref<1024xi32, #tpu.memory_space<vmem>> -> memref<128xi32, #tpu.memory_space<vmem>>
      %dma_wait3A_265 = arith.constant 0 : i32
      %dma_wait3A_266 = tpu.memref_slice %arg9[%dma_wait3A_265] : memref<102400xf32, #tpu.memory_space<vmem_shared>> -> memref<102400xf32, #tpu.memory_space<vmem_shared>>
      tpu.wait_indirect_dma semaphore(%arg15 : memref<!tpu.dma_semaphore, #tpu.memory_space<semaphore_mem>>) src(%arg14 : memref<128xf32, #tpu.memory_space<vmem>>) dst(%dma_wait3A_266 : memref<102400xf32, #tpu.memory_space<vmem_shared>>)
      %dma_wait3A_267 = arith.constant 5 : i32
      %dma_wait3A_268 = arith.constant 0 : i32
      %dma_wait3A_269 = tpu.memref_slice %arg12[%dma_wait3A_267, %dma_wait3A_268] : memref<8x128xf32, #tpu.memory_space<vmem>> -> memref<1x128xf32, #tpu.memory_space<vmem>>
      %dma_wait3A_270 = tpu.memref_squeeze %dma_wait3A_269 : memref<1x128xf32, #tpu.memory_space<vmem>> -> memref<128xf32, #tpu.memory_space<vmem>>
      %dma_wait3A_271 = arith.constant 640 : i32
      %dma_wait3A_272 = tpu.memref_slice %arg13[%dma_wait3A_271] : memref<1024xi32, #tpu.memory_space<vmem>> -> memref<128xi32, #tpu.memory_space<vmem>>
      %dma_wait3A_273 = arith.constant 0 : i32
      %dma_wait3A_274 = tpu.memref_slice %arg8[%dma_wait3A_273] : memref<102400xf32, #tpu.memory_space<vmem_shared>> -> memref<102400xf32, #tpu.memory_space<vmem_shared>>
      tpu.wait_indirect_dma semaphore(%arg15 : memref<!tpu.dma_semaphore, #tpu.memory_space<semaphore_mem>>) src(%dma_wait3A_270 : memref<128xf32, #tpu.memory_space<vmem>>) dst(%dma_wait3A_274 : memref<102400xf32, #tpu.memory_space<vmem_shared>>)
      %dma_wait3A_275 = arith.constant 640 : i32
      %dma_wait3A_276 = tpu.memref_slice %arg13[%dma_wait3A_275] : memref<1024xi32, #tpu.memory_space<vmem>> -> memref<128xi32, #tpu.memory_space<vmem>>
      %dma_wait3A_277 = arith.constant 0 : i32
      %dma_wait3A_278 = tpu.memref_slice %arg9[%dma_wait3A_277] : memref<102400xf32, #tpu.memory_space<vmem_shared>> -> memref<102400xf32, #tpu.memory_space<vmem_shared>>
      tpu.wait_indirect_dma semaphore(%arg15 : memref<!tpu.dma_semaphore, #tpu.memory_space<semaphore_mem>>) src(%arg14 : memref<128xf32, #tpu.memory_space<vmem>>) dst(%dma_wait3A_278 : memref<102400xf32, #tpu.memory_space<vmem_shared>>)
      %dma_wait3A_279 = arith.constant 6 : i32
      %dma_wait3A_280 = arith.constant 0 : i32
      %dma_wait3A_281 = tpu.memref_slice %arg12[%dma_wait3A_279, %dma_wait3A_280] : memref<8x128xf32, #tpu.memory_space<vmem>> -> memref<1x128xf32, #tpu.memory_space<vmem>>
      %dma_wait3A_282 = tpu.memref_squeeze %dma_wait3A_281 : memref<1x128xf32, #tpu.memory_space<vmem>> -> memref<128xf32, #tpu.memory_space<vmem>>
      %dma_wait3A_283 = arith.constant 768 : i32
      %dma_wait3A_284 = tpu.memref_slice %arg13[%dma_wait3A_283] : memref<1024xi32, #tpu.memory_space<vmem>> -> memref<128xi32, #tpu.memory_space<vmem>>
      %dma_wait3A_285 = arith.constant 0 : i32
      %dma_wait3A_286 = tpu.memref_slice %arg8[%dma_wait3A_285] : memref<102400xf32, #tpu.memory_space<vmem_shared>> -> memref<102400xf32, #tpu.memory_space<vmem_shared>>
      tpu.wait_indirect_dma semaphore(%arg15 : memref<!tpu.dma_semaphore, #tpu.memory_space<semaphore_mem>>) src(%dma_wait3A_282 : memref<128xf32, #tpu.memory_space<vmem>>) dst(%dma_wait3A_286 : memref<102400xf32, #tpu.memory_space<vmem_shared>>)
      %dma_wait3A_287 = arith.constant 768 : i32
      %dma_wait3A_288 = tpu.memref_slice %arg13[%dma_wait3A_287] : memref<1024xi32, #tpu.memory_space<vmem>> -> memref<128xi32, #tpu.memory_space<vmem>>
      %dma_wait3A_289 = arith.constant 0 : i32
      %dma_wait3A_290 = tpu.memref_slice %arg9[%dma_wait3A_289] : memref<102400xf32, #tpu.memory_space<vmem_shared>> -> memref<102400xf32, #tpu.memory_space<vmem_shared>>
      tpu.wait_indirect_dma semaphore(%arg15 : memref<!tpu.dma_semaphore, #tpu.memory_space<semaphore_mem>>) src(%arg14 : memref<128xf32, #tpu.memory_space<vmem>>) dst(%dma_wait3A_290 : memref<102400xf32, #tpu.memory_space<vmem_shared>>)
      %dma_wait3A_291 = arith.constant 7 : i32
      %dma_wait3A_292 = arith.constant 0 : i32
      %dma_wait3A_293 = tpu.memref_slice %arg12[%dma_wait3A_291, %dma_wait3A_292] : memref<8x128xf32, #tpu.memory_space<vmem>> -> memref<1x128xf32, #tpu.memory_space<vmem>>
      %dma_wait3A_294 = tpu.memref_squeeze %dma_wait3A_293 : memref<1x128xf32, #tpu.memory_space<vmem>> -> memref<128xf32, #tpu.memory_space<vmem>>
      %dma_wait3A_295 = arith.constant 896 : i32
      %dma_wait3A_296 = tpu.memref_slice %arg13[%dma_wait3A_295] : memref<1024xi32, #tpu.memory_space<vmem>> -> memref<128xi32, #tpu.memory_space<vmem>>
      %dma_wait3A_297 = arith.constant 0 : i32
      %dma_wait3A_298 = tpu.memref_slice %arg8[%dma_wait3A_297] : memref<102400xf32, #tpu.memory_space<vmem_shared>> -> memref<102400xf32, #tpu.memory_space<vmem_shared>>
      tpu.wait_indirect_dma semaphore(%arg15 : memref<!tpu.dma_semaphore, #tpu.memory_space<semaphore_mem>>) src(%dma_wait3A_294 : memref<128xf32, #tpu.memory_space<vmem>>) dst(%dma_wait3A_298 : memref<102400xf32, #tpu.memory_space<vmem_shared>>)
      %dma_wait3A_299 = arith.constant 896 : i32
      %dma_wait3A_300 = tpu.memref_slice %arg13[%dma_wait3A_299] : memref<1024xi32, #tpu.memory_space<vmem>> -> memref<128xi32, #tpu.memory_space<vmem>>
      %dma_wait3A_301 = arith.constant 0 : i32
      %dma_wait3A_302 = tpu.memref_slice %arg9[%dma_wait3A_301] : memref<102400xf32, #tpu.memory_space<vmem_shared>> -> memref<102400xf32, #tpu.memory_space<vmem_shared>>
      tpu.wait_indirect_dma semaphore(%arg15 : memref<!tpu.dma_semaphore, #tpu.memory_space<semaphore_mem>>) src(%arg14 : memref<128xf32, #tpu.memory_space<vmem>>) dst(%dma_wait3A_302 : memref<102400xf32, #tpu.memory_space<vmem_shared>>)
    }
    %while3A_85 = arith.constant 0 : i32
    %while3A_86 = arith.constant 0 : i32
    %while3A_87 = arith.subi %select_n3A, %while3A_86 : i32
    %while3A_88 = arith.addi %while3A_86, %while3A_87 : i32
    %while3A_89 = arith.constant 1 : i32
    %while3A_90 = arith.divsi %while3A_87, %while3A_89 : i32
    %while3A_91 = arith.muli %while3A_90, %while3A_89 : i32
    %while3A_92 = arith.addi %while3A_86, %while3A_91 : i32
    %while3A_93 = arith.constant 1 : i32
    scf.for %while3A_107 = %while3A_86 to %while3A_92 step %while3A_93  : i32 {
      %mul3A_108 = arith.constant 8 : i32
      %mul3A_109 = arith.muli %while3A_107, %mul3A_108 : i32
      %add3A_110 = arith.addi %mul3A_56, %mul3A_109 : i32
      "tpu.region"() ({
        %run_scoped3A_303 = tpu.sem_alloc : memref<!tpu.dma_semaphore, #tpu.memory_space<semaphore_mem>>
        %dma_start3A_304 = arith.constant 0 : i32
        %dma_start3A_305 = tpu.memref_slice %arg4[%add3A_110, %dma_start3A_304] : memref<25000x128xf32, #tpu.memory_space<hbm>> -> memref<8x128xf32, #tpu.memory_space<hbm>>
        %dma_start3A_306 = arith.constant 0 : i32
        %dma_start3A_307 = tpu.memref_slice %arg4[%add3A_110, %dma_start3A_306] : memref<25000x128xf32, #tpu.memory_space<hbm>> -> memref<8x128xf32, #tpu.memory_space<hbm>>
        tpu.enqueue_dma source(%dma_start3A_307 : memref<8x128xf32, #tpu.memory_space<hbm>>) target(%arg12 : memref<8x128xf32, #tpu.memory_space<vmem>>) target_semaphore(%run_scoped3A_303 : memref<!tpu.dma_semaphore, #tpu.memory_space<semaphore_mem>>)
        %dma_wait3A_308 = arith.constant 0 : i32
        %dma_wait3A_309 = tpu.memref_slice %arg4[%add3A_110, %dma_wait3A_308] : memref<25000x128xf32, #tpu.memory_space<hbm>> -> memref<8x128xf32, #tpu.memory_space<hbm>>
        %dma_wait3A_310 = arith.constant 0 : i32
        %dma_wait3A_311 = tpu.memref_slice %arg4[%add3A_110, %dma_wait3A_310] : memref<25000x128xf32, #tpu.memory_space<hbm>> -> memref<8x128xf32, #tpu.memory_space<hbm>>
        tpu.wait_dma2 semaphore(%run_scoped3A_303 : memref<!tpu.dma_semaphore, #tpu.memory_space<semaphore_mem>>) src(%dma_wait3A_311 : memref<8x128xf32, #tpu.memory_space<hbm>>) dst(%arg12 : memref<8x128xf32, #tpu.memory_space<vmem>>)
        tpu.yield
      }) : () -> ()
      %mul3A_111 = arith.constant 128 : i32
      %mul3A_112 = arith.muli %add3A_110, %mul3A_111 : i32
      "tpu.region"() ({
        %run_scoped3A_303 = tpu.sem_alloc : memref<!tpu.dma_semaphore, #tpu.memory_space<semaphore_mem>>
        %dma_start3A_304 = tpu.memref_slice %arg5[%mul3A_112] : memref<3200000xi32, #tpu.memory_space<hbm>> -> memref<1024xi32, #tpu.memory_space<hbm>>
        %dma_start3A_305 = tpu.memref_slice %arg5[%mul3A_112] : memref<3200000xi32, #tpu.memory_space<hbm>> -> memref<1024xi32, #tpu.memory_space<hbm>>
        tpu.enqueue_dma source(%dma_start3A_305 : memref<1024xi32, #tpu.memory_space<hbm>>) target(%arg13 : memref<1024xi32, #tpu.memory_space<vmem>>) target_semaphore(%run_scoped3A_303 : memref<!tpu.dma_semaphore, #tpu.memory_space<semaphore_mem>>)
        %dma_wait3A_306 = tpu.memref_slice %arg5[%mul3A_112] : memref<3200000xi32, #tpu.memory_space<hbm>> -> memref<1024xi32, #tpu.memory_space<hbm>>
        %dma_wait3A_307 = tpu.memref_slice %arg5[%mul3A_112] : memref<3200000xi32, #tpu.memory_space<hbm>> -> memref<1024xi32, #tpu.memory_space<hbm>>
        tpu.wait_dma2 semaphore(%run_scoped3A_303 : memref<!tpu.dma_semaphore, #tpu.memory_space<semaphore_mem>>) src(%dma_wait3A_307 : memref<1024xi32, #tpu.memory_space<hbm>>) dst(%arg13 : memref<1024xi32, #tpu.memory_space<vmem>>)
        tpu.yield
      }) : () -> ()
      %dma_start3A = arith.constant 0 : i32
      %dma_start3A_113 = arith.constant 0 : i32
      %dma_start3A_114 = tpu.memref_slice %arg12[%dma_start3A, %dma_start3A_113] : memref<8x128xf32, #tpu.memory_space<vmem>> -> memref<1x128xf32, #tpu.memory_space<vmem>>
      %dma_start3A_115 = tpu.memref_squeeze %dma_start3A_114 : memref<1x128xf32, #tpu.memory_space<vmem>> -> memref<128xf32, #tpu.memory_space<vmem>>
      %dma_start3A_116 = arith.constant 0 : i32
      %dma_start3A_117 = tpu.memref_slice %arg13[%dma_start3A_116] : memref<1024xi32, #tpu.memory_space<vmem>> -> memref<128xi32, #tpu.memory_space<vmem>>
      %dma_start3A_118 = arith.constant 0 : i32
      %dma_start3A_119 = tpu.memref_slice %arg10[%dma_start3A_118] : memref<102400xf32, #tpu.memory_space<vmem_shared>> -> memref<102400xf32, #tpu.memory_space<vmem_shared>>
      tpu.enqueue_indirect_dma source(%dma_start3A_115 : memref<128xf32, #tpu.memory_space<vmem>>) target(%dma_start3A_119 : memref<102400xf32, #tpu.memory_space<vmem_shared>>) offsets(%dma_start3A_117 : memref<128xi32, #tpu.memory_space<vmem>>) semaphore(%arg15 : memref<!tpu.dma_semaphore, #tpu.memory_space<semaphore_mem>>) {add = true}
      %dma_start3A_120 = arith.constant 0 : i32
      %dma_start3A_121 = tpu.memref_slice %arg13[%dma_start3A_120] : memref<1024xi32, #tpu.memory_space<vmem>> -> memref<128xi32, #tpu.memory_space<vmem>>
      %dma_start3A_122 = arith.constant 0 : i32
      %dma_start3A_123 = tpu.memref_slice %arg11[%dma_start3A_122] : memref<102400xf32, #tpu.memory_space<vmem_shared>> -> memref<102400xf32, #tpu.memory_space<vmem_shared>>
      tpu.enqueue_indirect_dma source(%arg14 : memref<128xf32, #tpu.memory_space<vmem>>) target(%dma_start3A_123 : memref<102400xf32, #tpu.memory_space<vmem_shared>>) offsets(%dma_start3A_121 : memref<128xi32, #tpu.memory_space<vmem>>) semaphore(%arg15 : memref<!tpu.dma_semaphore, #tpu.memory_space<semaphore_mem>>) {add = true}
      %dma_start3A_124 = arith.constant 1 : i32
      %dma_start3A_125 = arith.constant 0 : i32
      %dma_start3A_126 = tpu.memref_slice %arg12[%dma_start3A_124, %dma_start3A_125] : memref<8x128xf32, #tpu.memory_space<vmem>> -> memref<1x128xf32, #tpu.memory_space<vmem>>
      %dma_start3A_127 = tpu.memref_squeeze %dma_start3A_126 : memref<1x128xf32, #tpu.memory_space<vmem>> -> memref<128xf32, #tpu.memory_space<vmem>>
      %dma_start3A_128 = arith.constant 128 : i32
      %dma_start3A_129 = tpu.memref_slice %arg13[%dma_start3A_128] : memref<1024xi32, #tpu.memory_space<vmem>> -> memref<128xi32, #tpu.memory_space<vmem>>
      %dma_start3A_130 = arith.constant 0 : i32
      %dma_start3A_131 = tpu.memref_slice %arg10[%dma_start3A_130] : memref<102400xf32, #tpu.memory_space<vmem_shared>> -> memref<102400xf32, #tpu.memory_space<vmem_shared>>
      tpu.enqueue_indirect_dma source(%dma_start3A_127 : memref<128xf32, #tpu.memory_space<vmem>>) target(%dma_start3A_131 : memref<102400xf32, #tpu.memory_space<vmem_shared>>) offsets(%dma_start3A_129 : memref<128xi32, #tpu.memory_space<vmem>>) semaphore(%arg15 : memref<!tpu.dma_semaphore, #tpu.memory_space<semaphore_mem>>) {add = true}
      %dma_start3A_132 = arith.constant 128 : i32
      %dma_start3A_133 = tpu.memref_slice %arg13[%dma_start3A_132] : memref<1024xi32, #tpu.memory_space<vmem>> -> memref<128xi32, #tpu.memory_space<vmem>>
      %dma_start3A_134 = arith.constant 0 : i32
      %dma_start3A_135 = tpu.memref_slice %arg11[%dma_start3A_134] : memref<102400xf32, #tpu.memory_space<vmem_shared>> -> memref<102400xf32, #tpu.memory_space<vmem_shared>>
      tpu.enqueue_indirect_dma source(%arg14 : memref<128xf32, #tpu.memory_space<vmem>>) target(%dma_start3A_135 : memref<102400xf32, #tpu.memory_space<vmem_shared>>) offsets(%dma_start3A_133 : memref<128xi32, #tpu.memory_space<vmem>>) semaphore(%arg15 : memref<!tpu.dma_semaphore, #tpu.memory_space<semaphore_mem>>) {add = true}
      %dma_start3A_136 = arith.constant 2 : i32
      %dma_start3A_137 = arith.constant 0 : i32
      %dma_start3A_138 = tpu.memref_slice %arg12[%dma_start3A_136, %dma_start3A_137] : memref<8x128xf32, #tpu.memory_space<vmem>> -> memref<1x128xf32, #tpu.memory_space<vmem>>
      %dma_start3A_139 = tpu.memref_squeeze %dma_start3A_138 : memref<1x128xf32, #tpu.memory_space<vmem>> -> memref<128xf32, #tpu.memory_space<vmem>>
      %dma_start3A_140 = arith.constant 256 : i32
      %dma_start3A_141 = tpu.memref_slice %arg13[%dma_start3A_140] : memref<1024xi32, #tpu.memory_space<vmem>> -> memref<128xi32, #tpu.memory_space<vmem>>
      %dma_start3A_142 = arith.constant 0 : i32
      %dma_start3A_143 = tpu.memref_slice %arg10[%dma_start3A_142] : memref<102400xf32, #tpu.memory_space<vmem_shared>> -> memref<102400xf32, #tpu.memory_space<vmem_shared>>
      tpu.enqueue_indirect_dma source(%dma_start3A_139 : memref<128xf32, #tpu.memory_space<vmem>>) target(%dma_start3A_143 : memref<102400xf32, #tpu.memory_space<vmem_shared>>) offsets(%dma_start3A_141 : memref<128xi32, #tpu.memory_space<vmem>>) semaphore(%arg15 : memref<!tpu.dma_semaphore, #tpu.memory_space<semaphore_mem>>) {add = true}
      %dma_start3A_144 = arith.constant 256 : i32
      %dma_start3A_145 = tpu.memref_slice %arg13[%dma_start3A_144] : memref<1024xi32, #tpu.memory_space<vmem>> -> memref<128xi32, #tpu.memory_space<vmem>>
      %dma_start3A_146 = arith.constant 0 : i32
      %dma_start3A_147 = tpu.memref_slice %arg11[%dma_start3A_146] : memref<102400xf32, #tpu.memory_space<vmem_shared>> -> memref<102400xf32, #tpu.memory_space<vmem_shared>>
      tpu.enqueue_indirect_dma source(%arg14 : memref<128xf32, #tpu.memory_space<vmem>>) target(%dma_start3A_147 : memref<102400xf32, #tpu.memory_space<vmem_shared>>) offsets(%dma_start3A_145 : memref<128xi32, #tpu.memory_space<vmem>>) semaphore(%arg15 : memref<!tpu.dma_semaphore, #tpu.memory_space<semaphore_mem>>) {add = true}
      %dma_start3A_148 = arith.constant 3 : i32
      %dma_start3A_149 = arith.constant 0 : i32
      %dma_start3A_150 = tpu.memref_slice %arg12[%dma_start3A_148, %dma_start3A_149] : memref<8x128xf32, #tpu.memory_space<vmem>> -> memref<1x128xf32, #tpu.memory_space<vmem>>
      %dma_start3A_151 = tpu.memref_squeeze %dma_start3A_150 : memref<1x128xf32, #tpu.memory_space<vmem>> -> memref<128xf32, #tpu.memory_space<vmem>>
      %dma_start3A_152 = arith.constant 384 : i32
      %dma_start3A_153 = tpu.memref_slice %arg13[%dma_start3A_152] : memref<1024xi32, #tpu.memory_space<vmem>> -> memref<128xi32, #tpu.memory_space<vmem>>
      %dma_start3A_154 = arith.constant 0 : i32
      %dma_start3A_155 = tpu.memref_slice %arg10[%dma_start3A_154] : memref<102400xf32, #tpu.memory_space<vmem_shared>> -> memref<102400xf32, #tpu.memory_space<vmem_shared>>
      tpu.enqueue_indirect_dma source(%dma_start3A_151 : memref<128xf32, #tpu.memory_space<vmem>>) target(%dma_start3A_155 : memref<102400xf32, #tpu.memory_space<vmem_shared>>) offsets(%dma_start3A_153 : memref<128xi32, #tpu.memory_space<vmem>>) semaphore(%arg15 : memref<!tpu.dma_semaphore, #tpu.memory_space<semaphore_mem>>) {add = true}
      %dma_start3A_156 = arith.constant 384 : i32
      %dma_start3A_157 = tpu.memref_slice %arg13[%dma_start3A_156] : memref<1024xi32, #tpu.memory_space<vmem>> -> memref<128xi32, #tpu.memory_space<vmem>>
      %dma_start3A_158 = arith.constant 0 : i32
      %dma_start3A_159 = tpu.memref_slice %arg11[%dma_start3A_158] : memref<102400xf32, #tpu.memory_space<vmem_shared>> -> memref<102400xf32, #tpu.memory_space<vmem_shared>>
      tpu.enqueue_indirect_dma source(%arg14 : memref<128xf32, #tpu.memory_space<vmem>>) target(%dma_start3A_159 : memref<102400xf32, #tpu.memory_space<vmem_shared>>) offsets(%dma_start3A_157 : memref<128xi32, #tpu.memory_space<vmem>>) semaphore(%arg15 : memref<!tpu.dma_semaphore, #tpu.memory_space<semaphore_mem>>) {add = true}
      %dma_start3A_160 = arith.constant 4 : i32
      %dma_start3A_161 = arith.constant 0 : i32
      %dma_start3A_162 = tpu.memref_slice %arg12[%dma_start3A_160, %dma_start3A_161] : memref<8x128xf32, #tpu.memory_space<vmem>> -> memref<1x128xf32, #tpu.memory_space<vmem>>
      %dma_start3A_163 = tpu.memref_squeeze %dma_start3A_162 : memref<1x128xf32, #tpu.memory_space<vmem>> -> memref<128xf32, #tpu.memory_space<vmem>>
      %dma_start3A_164 = arith.constant 512 : i32
      %dma_start3A_165 = tpu.memref_slice %arg13[%dma_start3A_164] : memref<1024xi32, #tpu.memory_space<vmem>> -> memref<128xi32, #tpu.memory_space<vmem>>
      %dma_start3A_166 = arith.constant 0 : i32
      %dma_start3A_167 = tpu.memref_slice %arg10[%dma_start3A_166] : memref<102400xf32, #tpu.memory_space<vmem_shared>> -> memref<102400xf32, #tpu.memory_space<vmem_shared>>
      tpu.enqueue_indirect_dma source(%dma_start3A_163 : memref<128xf32, #tpu.memory_space<vmem>>) target(%dma_start3A_167 : memref<102400xf32, #tpu.memory_space<vmem_shared>>) offsets(%dma_start3A_165 : memref<128xi32, #tpu.memory_space<vmem>>) semaphore(%arg15 : memref<!tpu.dma_semaphore, #tpu.memory_space<semaphore_mem>>) {add = true}
      %dma_start3A_168 = arith.constant 512 : i32
      %dma_start3A_169 = tpu.memref_slice %arg13[%dma_start3A_168] : memref<1024xi32, #tpu.memory_space<vmem>> -> memref<128xi32, #tpu.memory_space<vmem>>
      %dma_start3A_170 = arith.constant 0 : i32
      %dma_start3A_171 = tpu.memref_slice %arg11[%dma_start3A_170] : memref<102400xf32, #tpu.memory_space<vmem_shared>> -> memref<102400xf32, #tpu.memory_space<vmem_shared>>
      tpu.enqueue_indirect_dma source(%arg14 : memref<128xf32, #tpu.memory_space<vmem>>) target(%dma_start3A_171 : memref<102400xf32, #tpu.memory_space<vmem_shared>>) offsets(%dma_start3A_169 : memref<128xi32, #tpu.memory_space<vmem>>) semaphore(%arg15 : memref<!tpu.dma_semaphore, #tpu.memory_space<semaphore_mem>>) {add = true}
      %dma_start3A_172 = arith.constant 5 : i32
      %dma_start3A_173 = arith.constant 0 : i32
      %dma_start3A_174 = tpu.memref_slice %arg12[%dma_start3A_172, %dma_start3A_173] : memref<8x128xf32, #tpu.memory_space<vmem>> -> memref<1x128xf32, #tpu.memory_space<vmem>>
      %dma_start3A_175 = tpu.memref_squeeze %dma_start3A_174 : memref<1x128xf32, #tpu.memory_space<vmem>> -> memref<128xf32, #tpu.memory_space<vmem>>
      %dma_start3A_176 = arith.constant 640 : i32
      %dma_start3A_177 = tpu.memref_slice %arg13[%dma_start3A_176] : memref<1024xi32, #tpu.memory_space<vmem>> -> memref<128xi32, #tpu.memory_space<vmem>>
      %dma_start3A_178 = arith.constant 0 : i32
      %dma_start3A_179 = tpu.memref_slice %arg10[%dma_start3A_178] : memref<102400xf32, #tpu.memory_space<vmem_shared>> -> memref<102400xf32, #tpu.memory_space<vmem_shared>>
      tpu.enqueue_indirect_dma source(%dma_start3A_175 : memref<128xf32, #tpu.memory_space<vmem>>) target(%dma_start3A_179 : memref<102400xf32, #tpu.memory_space<vmem_shared>>) offsets(%dma_start3A_177 : memref<128xi32, #tpu.memory_space<vmem>>) semaphore(%arg15 : memref<!tpu.dma_semaphore, #tpu.memory_space<semaphore_mem>>) {add = true}
      %dma_start3A_180 = arith.constant 640 : i32
      %dma_start3A_181 = tpu.memref_slice %arg13[%dma_start3A_180] : memref<1024xi32, #tpu.memory_space<vmem>> -> memref<128xi32, #tpu.memory_space<vmem>>
      %dma_start3A_182 = arith.constant 0 : i32
      %dma_start3A_183 = tpu.memref_slice %arg11[%dma_start3A_182] : memref<102400xf32, #tpu.memory_space<vmem_shared>> -> memref<102400xf32, #tpu.memory_space<vmem_shared>>
      tpu.enqueue_indirect_dma source(%arg14 : memref<128xf32, #tpu.memory_space<vmem>>) target(%dma_start3A_183 : memref<102400xf32, #tpu.memory_space<vmem_shared>>) offsets(%dma_start3A_181 : memref<128xi32, #tpu.memory_space<vmem>>) semaphore(%arg15 : memref<!tpu.dma_semaphore, #tpu.memory_space<semaphore_mem>>) {add = true}
      %dma_start3A_184 = arith.constant 6 : i32
      %dma_start3A_185 = arith.constant 0 : i32
      %dma_start3A_186 = tpu.memref_slice %arg12[%dma_start3A_184, %dma_start3A_185] : memref<8x128xf32, #tpu.memory_space<vmem>> -> memref<1x128xf32, #tpu.memory_space<vmem>>
      %dma_start3A_187 = tpu.memref_squeeze %dma_start3A_186 : memref<1x128xf32, #tpu.memory_space<vmem>> -> memref<128xf32, #tpu.memory_space<vmem>>
      %dma_start3A_188 = arith.constant 768 : i32
      %dma_start3A_189 = tpu.memref_slice %arg13[%dma_start3A_188] : memref<1024xi32, #tpu.memory_space<vmem>> -> memref<128xi32, #tpu.memory_space<vmem>>
      %dma_start3A_190 = arith.constant 0 : i32
      %dma_start3A_191 = tpu.memref_slice %arg10[%dma_start3A_190] : memref<102400xf32, #tpu.memory_space<vmem_shared>> -> memref<102400xf32, #tpu.memory_space<vmem_shared>>
      tpu.enqueue_indirect_dma source(%dma_start3A_187 : memref<128xf32, #tpu.memory_space<vmem>>) target(%dma_start3A_191 : memref<102400xf32, #tpu.memory_space<vmem_shared>>) offsets(%dma_start3A_189 : memref<128xi32, #tpu.memory_space<vmem>>) semaphore(%arg15 : memref<!tpu.dma_semaphore, #tpu.memory_space<semaphore_mem>>) {add = true}
      %dma_start3A_192 = arith.constant 768 : i32
      %dma_start3A_193 = tpu.memref_slice %arg13[%dma_start3A_192] : memref<1024xi32, #tpu.memory_space<vmem>> -> memref<128xi32, #tpu.memory_space<vmem>>
      %dma_start3A_194 = arith.constant 0 : i32
      %dma_start3A_195 = tpu.memref_slice %arg11[%dma_start3A_194] : memref<102400xf32, #tpu.memory_space<vmem_shared>> -> memref<102400xf32, #tpu.memory_space<vmem_shared>>
      tpu.enqueue_indirect_dma source(%arg14 : memref<128xf32, #tpu.memory_space<vmem>>) target(%dma_start3A_195 : memref<102400xf32, #tpu.memory_space<vmem_shared>>) offsets(%dma_start3A_193 : memref<128xi32, #tpu.memory_space<vmem>>) semaphore(%arg15 : memref<!tpu.dma_semaphore, #tpu.memory_space<semaphore_mem>>) {add = true}
      %dma_start3A_196 = arith.constant 7 : i32
      %dma_start3A_197 = arith.constant 0 : i32
      %dma_start3A_198 = tpu.memref_slice %arg12[%dma_start3A_196, %dma_start3A_197] : memref<8x128xf32, #tpu.memory_space<vmem>> -> memref<1x128xf32, #tpu.memory_space<vmem>>
      %dma_start3A_199 = tpu.memref_squeeze %dma_start3A_198 : memref<1x128xf32, #tpu.memory_space<vmem>> -> memref<128xf32, #tpu.memory_space<vmem>>
      %dma_start3A_200 = arith.constant 896 : i32
      %dma_start3A_201 = tpu.memref_slice %arg13[%dma_start3A_200] : memref<1024xi32, #tpu.memory_space<vmem>> -> memref<128xi32, #tpu.memory_space<vmem>>
      %dma_start3A_202 = arith.constant 0 : i32
      %dma_start3A_203 = tpu.memref_slice %arg10[%dma_start3A_202] : memref<102400xf32, #tpu.memory_space<vmem_shared>> -> memref<102400xf32, #tpu.memory_space<vmem_shared>>
      tpu.enqueue_indirect_dma source(%dma_start3A_199 : memref<128xf32, #tpu.memory_space<vmem>>) target(%dma_start3A_203 : memref<102400xf32, #tpu.memory_space<vmem_shared>>) offsets(%dma_start3A_201 : memref<128xi32, #tpu.memory_space<vmem>>) semaphore(%arg15 : memref<!tpu.dma_semaphore, #tpu.memory_space<semaphore_mem>>) {add = true}
      %dma_start3A_204 = arith.constant 896 : i32
      %dma_start3A_205 = tpu.memref_slice %arg13[%dma_start3A_204] : memref<1024xi32, #tpu.memory_space<vmem>> -> memref<128xi32, #tpu.memory_space<vmem>>
      %dma_start3A_206 = arith.constant 0 : i32
      %dma_start3A_207 = tpu.memref_slice %arg11[%dma_start3A_206] : memref<102400xf32, #tpu.memory_space<vmem_shared>> -> memref<102400xf32, #tpu.memory_space<vmem_shared>>
      tpu.enqueue_indirect_dma source(%arg14 : memref<128xf32, #tpu.memory_space<vmem>>) target(%dma_start3A_207 : memref<102400xf32, #tpu.memory_space<vmem_shared>>) offsets(%dma_start3A_205 : memref<128xi32, #tpu.memory_space<vmem>>) semaphore(%arg15 : memref<!tpu.dma_semaphore, #tpu.memory_space<semaphore_mem>>) {add = true}
      %dma_wait3A = arith.constant 0 : i32
      %dma_wait3A_208 = arith.constant 0 : i32
      %dma_wait3A_209 = tpu.memref_slice %arg12[%dma_wait3A, %dma_wait3A_208] : memref<8x128xf32, #tpu.memory_space<vmem>> -> memref<1x128xf32, #tpu.memory_space<vmem>>
      %dma_wait3A_210 = tpu.memref_squeeze %dma_wait3A_209 : memref<1x128xf32, #tpu.memory_space<vmem>> -> memref<128xf32, #tpu.memory_space<vmem>>
      %dma_wait3A_211 = arith.constant 0 : i32
      %dma_wait3A_212 = tpu.memref_slice %arg13[%dma_wait3A_211] : memref<1024xi32, #tpu.memory_space<vmem>> -> memref<128xi32, #tpu.memory_space<vmem>>
      %dma_wait3A_213 = arith.constant 0 : i32
      %dma_wait3A_214 = tpu.memref_slice %arg10[%dma_wait3A_213] : memref<102400xf32, #tpu.memory_space<vmem_shared>> -> memref<102400xf32, #tpu.memory_space<vmem_shared>>
      tpu.wait_indirect_dma semaphore(%arg15 : memref<!tpu.dma_semaphore, #tpu.memory_space<semaphore_mem>>) src(%dma_wait3A_210 : memref<128xf32, #tpu.memory_space<vmem>>) dst(%dma_wait3A_214 : memref<102400xf32, #tpu.memory_space<vmem_shared>>)
      %dma_wait3A_215 = arith.constant 0 : i32
      %dma_wait3A_216 = tpu.memref_slice %arg13[%dma_wait3A_215] : memref<1024xi32, #tpu.memory_space<vmem>> -> memref<128xi32, #tpu.memory_space<vmem>>
      %dma_wait3A_217 = arith.constant 0 : i32
      %dma_wait3A_218 = tpu.memref_slice %arg11[%dma_wait3A_217] : memref<102400xf32, #tpu.memory_space<vmem_shared>> -> memref<102400xf32, #tpu.memory_space<vmem_shared>>
      tpu.wait_indirect_dma semaphore(%arg15 : memref<!tpu.dma_semaphore, #tpu.memory_space<semaphore_mem>>) src(%arg14 : memref<128xf32, #tpu.memory_space<vmem>>) dst(%dma_wait3A_218 : memref<102400xf32, #tpu.memory_space<vmem_shared>>)
      %dma_wait3A_219 = arith.constant 1 : i32
      %dma_wait3A_220 = arith.constant 0 : i32
      %dma_wait3A_221 = tpu.memref_slice %arg12[%dma_wait3A_219, %dma_wait3A_220] : memref<8x128xf32, #tpu.memory_space<vmem>> -> memref<1x128xf32, #tpu.memory_space<vmem>>
      %dma_wait3A_222 = tpu.memref_squeeze %dma_wait3A_221 : memref<1x128xf32, #tpu.memory_space<vmem>> -> memref<128xf32, #tpu.memory_space<vmem>>
      %dma_wait3A_223 = arith.constant 128 : i32
      %dma_wait3A_224 = tpu.memref_slice %arg13[%dma_wait3A_223] : memref<1024xi32, #tpu.memory_space<vmem>> -> memref<128xi32, #tpu.memory_space<vmem>>
      %dma_wait3A_225 = arith.constant 0 : i32
      %dma_wait3A_226 = tpu.memref_slice %arg10[%dma_wait3A_225] : memref<102400xf32, #tpu.memory_space<vmem_shared>> -> memref<102400xf32, #tpu.memory_space<vmem_shared>>
      tpu.wait_indirect_dma semaphore(%arg15 : memref<!tpu.dma_semaphore, #tpu.memory_space<semaphore_mem>>) src(%dma_wait3A_222 : memref<128xf32, #tpu.memory_space<vmem>>) dst(%dma_wait3A_226 : memref<102400xf32, #tpu.memory_space<vmem_shared>>)
      %dma_wait3A_227 = arith.constant 128 : i32
      %dma_wait3A_228 = tpu.memref_slice %arg13[%dma_wait3A_227] : memref<1024xi32, #tpu.memory_space<vmem>> -> memref<128xi32, #tpu.memory_space<vmem>>
      %dma_wait3A_229 = arith.constant 0 : i32
      %dma_wait3A_230 = tpu.memref_slice %arg11[%dma_wait3A_229] : memref<102400xf32, #tpu.memory_space<vmem_shared>> -> memref<102400xf32, #tpu.memory_space<vmem_shared>>
      tpu.wait_indirect_dma semaphore(%arg15 : memref<!tpu.dma_semaphore, #tpu.memory_space<semaphore_mem>>) src(%arg14 : memref<128xf32, #tpu.memory_space<vmem>>) dst(%dma_wait3A_230 : memref<102400xf32, #tpu.memory_space<vmem_shared>>)
      %dma_wait3A_231 = arith.constant 2 : i32
      %dma_wait3A_232 = arith.constant 0 : i32
      %dma_wait3A_233 = tpu.memref_slice %arg12[%dma_wait3A_231, %dma_wait3A_232] : memref<8x128xf32, #tpu.memory_space<vmem>> -> memref<1x128xf32, #tpu.memory_space<vmem>>
      %dma_wait3A_234 = tpu.memref_squeeze %dma_wait3A_233 : memref<1x128xf32, #tpu.memory_space<vmem>> -> memref<128xf32, #tpu.memory_space<vmem>>
      %dma_wait3A_235 = arith.constant 256 : i32
      %dma_wait3A_236 = tpu.memref_slice %arg13[%dma_wait3A_235] : memref<1024xi32, #tpu.memory_space<vmem>> -> memref<128xi32, #tpu.memory_space<vmem>>
      %dma_wait3A_237 = arith.constant 0 : i32
      %dma_wait3A_238 = tpu.memref_slice %arg10[%dma_wait3A_237] : memref<102400xf32, #tpu.memory_space<vmem_shared>> -> memref<102400xf32, #tpu.memory_space<vmem_shared>>
      tpu.wait_indirect_dma semaphore(%arg15 : memref<!tpu.dma_semaphore, #tpu.memory_space<semaphore_mem>>) src(%dma_wait3A_234 : memref<128xf32, #tpu.memory_space<vmem>>) dst(%dma_wait3A_238 : memref<102400xf32, #tpu.memory_space<vmem_shared>>)
      %dma_wait3A_239 = arith.constant 256 : i32
      %dma_wait3A_240 = tpu.memref_slice %arg13[%dma_wait3A_239] : memref<1024xi32, #tpu.memory_space<vmem>> -> memref<128xi32, #tpu.memory_space<vmem>>
      %dma_wait3A_241 = arith.constant 0 : i32
      %dma_wait3A_242 = tpu.memref_slice %arg11[%dma_wait3A_241] : memref<102400xf32, #tpu.memory_space<vmem_shared>> -> memref<102400xf32, #tpu.memory_space<vmem_shared>>
      tpu.wait_indirect_dma semaphore(%arg15 : memref<!tpu.dma_semaphore, #tpu.memory_space<semaphore_mem>>) src(%arg14 : memref<128xf32, #tpu.memory_space<vmem>>) dst(%dma_wait3A_242 : memref<102400xf32, #tpu.memory_space<vmem_shared>>)
      %dma_wait3A_243 = arith.constant 3 : i32
      %dma_wait3A_244 = arith.constant 0 : i32
      %dma_wait3A_245 = tpu.memref_slice %arg12[%dma_wait3A_243, %dma_wait3A_244] : memref<8x128xf32, #tpu.memory_space<vmem>> -> memref<1x128xf32, #tpu.memory_space<vmem>>
      %dma_wait3A_246 = tpu.memref_squeeze %dma_wait3A_245 : memref<1x128xf32, #tpu.memory_space<vmem>> -> memref<128xf32, #tpu.memory_space<vmem>>
      %dma_wait3A_247 = arith.constant 384 : i32
      %dma_wait3A_248 = tpu.memref_slice %arg13[%dma_wait3A_247] : memref<1024xi32, #tpu.memory_space<vmem>> -> memref<128xi32, #tpu.memory_space<vmem>>
      %dma_wait3A_249 = arith.constant 0 : i32
      %dma_wait3A_250 = tpu.memref_slice %arg10[%dma_wait3A_249] : memref<102400xf32, #tpu.memory_space<vmem_shared>> -> memref<102400xf32, #tpu.memory_space<vmem_shared>>
      tpu.wait_indirect_dma semaphore(%arg15 : memref<!tpu.dma_semaphore, #tpu.memory_space<semaphore_mem>>) src(%dma_wait3A_246 : memref<128xf32, #tpu.memory_space<vmem>>) dst(%dma_wait3A_250 : memref<102400xf32, #tpu.memory_space<vmem_shared>>)
      %dma_wait3A_251 = arith.constant 384 : i32
      %dma_wait3A_252 = tpu.memref_slice %arg13[%dma_wait3A_251] : memref<1024xi32, #tpu.memory_space<vmem>> -> memref<128xi32, #tpu.memory_space<vmem>>
      %dma_wait3A_253 = arith.constant 0 : i32
      %dma_wait3A_254 = tpu.memref_slice %arg11[%dma_wait3A_253] : memref<102400xf32, #tpu.memory_space<vmem_shared>> -> memref<102400xf32, #tpu.memory_space<vmem_shared>>
      tpu.wait_indirect_dma semaphore(%arg15 : memref<!tpu.dma_semaphore, #tpu.memory_space<semaphore_mem>>) src(%arg14 : memref<128xf32, #tpu.memory_space<vmem>>) dst(%dma_wait3A_254 : memref<102400xf32, #tpu.memory_space<vmem_shared>>)
      %dma_wait3A_255 = arith.constant 4 : i32
      %dma_wait3A_256 = arith.constant 0 : i32
      %dma_wait3A_257 = tpu.memref_slice %arg12[%dma_wait3A_255, %dma_wait3A_256] : memref<8x128xf32, #tpu.memory_space<vmem>> -> memref<1x128xf32, #tpu.memory_space<vmem>>
      %dma_wait3A_258 = tpu.memref_squeeze %dma_wait3A_257 : memref<1x128xf32, #tpu.memory_space<vmem>> -> memref<128xf32, #tpu.memory_space<vmem>>
      %dma_wait3A_259 = arith.constant 512 : i32
      %dma_wait3A_260 = tpu.memref_slice %arg13[%dma_wait3A_259] : memref<1024xi32, #tpu.memory_space<vmem>> -> memref<128xi32, #tpu.memory_space<vmem>>
      %dma_wait3A_261 = arith.constant 0 : i32
      %dma_wait3A_262 = tpu.memref_slice %arg10[%dma_wait3A_261] : memref<102400xf32, #tpu.memory_space<vmem_shared>> -> memref<102400xf32, #tpu.memory_space<vmem_shared>>
      tpu.wait_indirect_dma semaphore(%arg15 : memref<!tpu.dma_semaphore, #tpu.memory_space<semaphore_mem>>) src(%dma_wait3A_258 : memref<128xf32, #tpu.memory_space<vmem>>) dst(%dma_wait3A_262 : memref<102400xf32, #tpu.memory_space<vmem_shared>>)
      %dma_wait3A_263 = arith.constant 512 : i32
      %dma_wait3A_264 = tpu.memref_slice %arg13[%dma_wait3A_263] : memref<1024xi32, #tpu.memory_space<vmem>> -> memref<128xi32, #tpu.memory_space<vmem>>
      %dma_wait3A_265 = arith.constant 0 : i32
      %dma_wait3A_266 = tpu.memref_slice %arg11[%dma_wait3A_265] : memref<102400xf32, #tpu.memory_space<vmem_shared>> -> memref<102400xf32, #tpu.memory_space<vmem_shared>>
      tpu.wait_indirect_dma semaphore(%arg15 : memref<!tpu.dma_semaphore, #tpu.memory_space<semaphore_mem>>) src(%arg14 : memref<128xf32, #tpu.memory_space<vmem>>) dst(%dma_wait3A_266 : memref<102400xf32, #tpu.memory_space<vmem_shared>>)
      %dma_wait3A_267 = arith.constant 5 : i32
      %dma_wait3A_268 = arith.constant 0 : i32
      %dma_wait3A_269 = tpu.memref_slice %arg12[%dma_wait3A_267, %dma_wait3A_268] : memref<8x128xf32, #tpu.memory_space<vmem>> -> memref<1x128xf32, #tpu.memory_space<vmem>>
      %dma_wait3A_270 = tpu.memref_squeeze %dma_wait3A_269 : memref<1x128xf32, #tpu.memory_space<vmem>> -> memref<128xf32, #tpu.memory_space<vmem>>
      %dma_wait3A_271 = arith.constant 640 : i32
      %dma_wait3A_272 = tpu.memref_slice %arg13[%dma_wait3A_271] : memref<1024xi32, #tpu.memory_space<vmem>> -> memref<128xi32, #tpu.memory_space<vmem>>
      %dma_wait3A_273 = arith.constant 0 : i32
      %dma_wait3A_274 = tpu.memref_slice %arg10[%dma_wait3A_273] : memref<102400xf32, #tpu.memory_space<vmem_shared>> -> memref<102400xf32, #tpu.memory_space<vmem_shared>>
      tpu.wait_indirect_dma semaphore(%arg15 : memref<!tpu.dma_semaphore, #tpu.memory_space<semaphore_mem>>) src(%dma_wait3A_270 : memref<128xf32, #tpu.memory_space<vmem>>) dst(%dma_wait3A_274 : memref<102400xf32, #tpu.memory_space<vmem_shared>>)
      %dma_wait3A_275 = arith.constant 640 : i32
      %dma_wait3A_276 = tpu.memref_slice %arg13[%dma_wait3A_275] : memref<1024xi32, #tpu.memory_space<vmem>> -> memref<128xi32, #tpu.memory_space<vmem>>
      %dma_wait3A_277 = arith.constant 0 : i32
      %dma_wait3A_278 = tpu.memref_slice %arg11[%dma_wait3A_277] : memref<102400xf32, #tpu.memory_space<vmem_shared>> -> memref<102400xf32, #tpu.memory_space<vmem_shared>>
      tpu.wait_indirect_dma semaphore(%arg15 : memref<!tpu.dma_semaphore, #tpu.memory_space<semaphore_mem>>) src(%arg14 : memref<128xf32, #tpu.memory_space<vmem>>) dst(%dma_wait3A_278 : memref<102400xf32, #tpu.memory_space<vmem_shared>>)
      %dma_wait3A_279 = arith.constant 6 : i32
      %dma_wait3A_280 = arith.constant 0 : i32
      %dma_wait3A_281 = tpu.memref_slice %arg12[%dma_wait3A_279, %dma_wait3A_280] : memref<8x128xf32, #tpu.memory_space<vmem>> -> memref<1x128xf32, #tpu.memory_space<vmem>>
      %dma_wait3A_282 = tpu.memref_squeeze %dma_wait3A_281 : memref<1x128xf32, #tpu.memory_space<vmem>> -> memref<128xf32, #tpu.memory_space<vmem>>
      %dma_wait3A_283 = arith.constant 768 : i32
      %dma_wait3A_284 = tpu.memref_slice %arg13[%dma_wait3A_283] : memref<1024xi32, #tpu.memory_space<vmem>> -> memref<128xi32, #tpu.memory_space<vmem>>
      %dma_wait3A_285 = arith.constant 0 : i32
      %dma_wait3A_286 = tpu.memref_slice %arg10[%dma_wait3A_285] : memref<102400xf32, #tpu.memory_space<vmem_shared>> -> memref<102400xf32, #tpu.memory_space<vmem_shared>>
      tpu.wait_indirect_dma semaphore(%arg15 : memref<!tpu.dma_semaphore, #tpu.memory_space<semaphore_mem>>) src(%dma_wait3A_282 : memref<128xf32, #tpu.memory_space<vmem>>) dst(%dma_wait3A_286 : memref<102400xf32, #tpu.memory_space<vmem_shared>>)
      %dma_wait3A_287 = arith.constant 768 : i32
      %dma_wait3A_288 = tpu.memref_slice %arg13[%dma_wait3A_287] : memref<1024xi32, #tpu.memory_space<vmem>> -> memref<128xi32, #tpu.memory_space<vmem>>
      %dma_wait3A_289 = arith.constant 0 : i32
      %dma_wait3A_290 = tpu.memref_slice %arg11[%dma_wait3A_289] : memref<102400xf32, #tpu.memory_space<vmem_shared>> -> memref<102400xf32, #tpu.memory_space<vmem_shared>>
      tpu.wait_indirect_dma semaphore(%arg15 : memref<!tpu.dma_semaphore, #tpu.memory_space<semaphore_mem>>) src(%arg14 : memref<128xf32, #tpu.memory_space<vmem>>) dst(%dma_wait3A_290 : memref<102400xf32, #tpu.memory_space<vmem_shared>>)
      %dma_wait3A_291 = arith.constant 7 : i32
      %dma_wait3A_292 = arith.constant 0 : i32
      %dma_wait3A_293 = tpu.memref_slice %arg12[%dma_wait3A_291, %dma_wait3A_292] : memref<8x128xf32, #tpu.memory_space<vmem>> -> memref<1x128xf32, #tpu.memory_space<vmem>>
      %dma_wait3A_294 = tpu.memref_squeeze %dma_wait3A_293 : memref<1x128xf32, #tpu.memory_space<vmem>> -> memref<128xf32, #tpu.memory_space<vmem>>
      %dma_wait3A_295 = arith.constant 896 : i32
      %dma_wait3A_296 = tpu.memref_slice %arg13[%dma_wait3A_295] : memref<1024xi32, #tpu.memory_space<vmem>> -> memref<128xi32, #tpu.memory_space<vmem>>
      %dma_wait3A_297 = arith.constant 0 : i32
      %dma_wait3A_298 = tpu.memref_slice %arg10[%dma_wait3A_297] : memref<102400xf32, #tpu.memory_space<vmem_shared>> -> memref<102400xf32, #tpu.memory_space<vmem_shared>>
      tpu.wait_indirect_dma semaphore(%arg15 : memref<!tpu.dma_semaphore, #tpu.memory_space<semaphore_mem>>) src(%dma_wait3A_294 : memref<128xf32, #tpu.memory_space<vmem>>) dst(%dma_wait3A_298 : memref<102400xf32, #tpu.memory_space<vmem_shared>>)
      %dma_wait3A_299 = arith.constant 896 : i32
      %dma_wait3A_300 = tpu.memref_slice %arg13[%dma_wait3A_299] : memref<1024xi32, #tpu.memory_space<vmem>> -> memref<128xi32, #tpu.memory_space<vmem>>
      %dma_wait3A_301 = arith.constant 0 : i32
      %dma_wait3A_302 = tpu.memref_slice %arg11[%dma_wait3A_301] : memref<102400xf32, #tpu.memory_space<vmem_shared>> -> memref<102400xf32, #tpu.memory_space<vmem_shared>>
      tpu.wait_indirect_dma semaphore(%arg15 : memref<!tpu.dma_semaphore, #tpu.memory_space<semaphore_mem>>) src(%arg14 : memref<128xf32, #tpu.memory_space<vmem>>) dst(%dma_wait3A_302 : memref<102400xf32, #tpu.memory_space<vmem_shared>>)
    }
    %while3A_94 = arith.constant 1 : i32
    scf.for %while3A_107 = %while3A_92 to %while3A_88 step %while3A_94  : i32 {
      %mul3A_108 = arith.constant 8 : i32
      %mul3A_109 = arith.muli %while3A_107, %mul3A_108 : i32
      %add3A_110 = arith.addi %mul3A_56, %mul3A_109 : i32
      "tpu.region"() ({
        %run_scoped3A_303 = tpu.sem_alloc : memref<!tpu.dma_semaphore, #tpu.memory_space<semaphore_mem>>
        %dma_start3A_304 = arith.constant 0 : i32
        %dma_start3A_305 = tpu.memref_slice %arg4[%add3A_110, %dma_start3A_304] : memref<25000x128xf32, #tpu.memory_space<hbm>> -> memref<8x128xf32, #tpu.memory_space<hbm>>
        %dma_start3A_306 = arith.constant 0 : i32
        %dma_start3A_307 = tpu.memref_slice %arg4[%add3A_110, %dma_start3A_306] : memref<25000x128xf32, #tpu.memory_space<hbm>> -> memref<8x128xf32, #tpu.memory_space<hbm>>
        tpu.enqueue_dma source(%dma_start3A_307 : memref<8x128xf32, #tpu.memory_space<hbm>>) target(%arg12 : memref<8x128xf32, #tpu.memory_space<vmem>>) target_semaphore(%run_scoped3A_303 : memref<!tpu.dma_semaphore, #tpu.memory_space<semaphore_mem>>)
        %dma_wait3A_308 = arith.constant 0 : i32
        %dma_wait3A_309 = tpu.memref_slice %arg4[%add3A_110, %dma_wait3A_308] : memref<25000x128xf32, #tpu.memory_space<hbm>> -> memref<8x128xf32, #tpu.memory_space<hbm>>
        %dma_wait3A_310 = arith.constant 0 : i32
        %dma_wait3A_311 = tpu.memref_slice %arg4[%add3A_110, %dma_wait3A_310] : memref<25000x128xf32, #tpu.memory_space<hbm>> -> memref<8x128xf32, #tpu.memory_space<hbm>>
        tpu.wait_dma2 semaphore(%run_scoped3A_303 : memref<!tpu.dma_semaphore, #tpu.memory_space<semaphore_mem>>) src(%dma_wait3A_311 : memref<8x128xf32, #tpu.memory_space<hbm>>) dst(%arg12 : memref<8x128xf32, #tpu.memory_space<vmem>>)
        tpu.yield
      }) : () -> ()
      %mul3A_111 = arith.constant 128 : i32
      %mul3A_112 = arith.muli %add3A_110, %mul3A_111 : i32
      "tpu.region"() ({
        %run_scoped3A_303 = tpu.sem_alloc : memref<!tpu.dma_semaphore, #tpu.memory_space<semaphore_mem>>
        %dma_start3A_304 = tpu.memref_slice %arg5[%mul3A_112] : memref<3200000xi32, #tpu.memory_space<hbm>> -> memref<1024xi32, #tpu.memory_space<hbm>>
        %dma_start3A_305 = tpu.memref_slice %arg5[%mul3A_112] : memref<3200000xi32, #tpu.memory_space<hbm>> -> memref<1024xi32, #tpu.memory_space<hbm>>
        tpu.enqueue_dma source(%dma_start3A_305 : memref<1024xi32, #tpu.memory_space<hbm>>) target(%arg13 : memref<1024xi32, #tpu.memory_space<vmem>>) target_semaphore(%run_scoped3A_303 : memref<!tpu.dma_semaphore, #tpu.memory_space<semaphore_mem>>)
        %dma_wait3A_306 = tpu.memref_slice %arg5[%mul3A_112] : memref<3200000xi32, #tpu.memory_space<hbm>> -> memref<1024xi32, #tpu.memory_space<hbm>>
        %dma_wait3A_307 = tpu.memref_slice %arg5[%mul3A_112] : memref<3200000xi32, #tpu.memory_space<hbm>> -> memref<1024xi32, #tpu.memory_space<hbm>>
        tpu.wait_dma2 semaphore(%run_scoped3A_303 : memref<!tpu.dma_semaphore, #tpu.memory_space<semaphore_mem>>) src(%dma_wait3A_307 : memref<1024xi32, #tpu.memory_space<hbm>>) dst(%arg13 : memref<1024xi32, #tpu.memory_space<vmem>>)
        tpu.yield
      }) : () -> ()
      %dma_start3A = arith.constant 0 : i32
      %dma_start3A_113 = arith.constant 0 : i32
      %dma_start3A_114 = tpu.memref_slice %arg12[%dma_start3A, %dma_start3A_113] : memref<8x128xf32, #tpu.memory_space<vmem>> -> memref<1x128xf32, #tpu.memory_space<vmem>>
      %dma_start3A_115 = tpu.memref_squeeze %dma_start3A_114 : memref<1x128xf32, #tpu.memory_space<vmem>> -> memref<128xf32, #tpu.memory_space<vmem>>
      %dma_start3A_116 = arith.constant 0 : i32
      %dma_start3A_117 = tpu.memref_slice %arg13[%dma_start3A_116] : memref<1024xi32, #tpu.memory_space<vmem>> -> memref<128xi32, #tpu.memory_space<vmem>>
      %dma_start3A_118 = arith.constant 0 : i32
      %dma_start3A_119 = tpu.memref_slice %arg10[%dma_start3A_118] : memref<102400xf32, #tpu.memory_space<vmem_shared>> -> memref<102400xf32, #tpu.memory_space<vmem_shared>>
      tpu.enqueue_indirect_dma source(%dma_start3A_115 : memref<128xf32, #tpu.memory_space<vmem>>) target(%dma_start3A_119 : memref<102400xf32, #tpu.memory_space<vmem_shared>>) offsets(%dma_start3A_117 : memref<128xi32, #tpu.memory_space<vmem>>) semaphore(%arg15 : memref<!tpu.dma_semaphore, #tpu.memory_space<semaphore_mem>>) {add = true}
      %dma_start3A_120 = arith.constant 0 : i32
      %dma_start3A_121 = tpu.memref_slice %arg13[%dma_start3A_120] : memref<1024xi32, #tpu.memory_space<vmem>> -> memref<128xi32, #tpu.memory_space<vmem>>
      %dma_start3A_122 = arith.constant 0 : i32
      %dma_start3A_123 = tpu.memref_slice %arg11[%dma_start3A_122] : memref<102400xf32, #tpu.memory_space<vmem_shared>> -> memref<102400xf32, #tpu.memory_space<vmem_shared>>
      tpu.enqueue_indirect_dma source(%arg14 : memref<128xf32, #tpu.memory_space<vmem>>) target(%dma_start3A_123 : memref<102400xf32, #tpu.memory_space<vmem_shared>>) offsets(%dma_start3A_121 : memref<128xi32, #tpu.memory_space<vmem>>) semaphore(%arg15 : memref<!tpu.dma_semaphore, #tpu.memory_space<semaphore_mem>>) {add = true}
      %dma_start3A_124 = arith.constant 1 : i32
      %dma_start3A_125 = arith.constant 0 : i32
      %dma_start3A_126 = tpu.memref_slice %arg12[%dma_start3A_124, %dma_start3A_125] : memref<8x128xf32, #tpu.memory_space<vmem>> -> memref<1x128xf32, #tpu.memory_space<vmem>>
      %dma_start3A_127 = tpu.memref_squeeze %dma_start3A_126 : memref<1x128xf32, #tpu.memory_space<vmem>> -> memref<128xf32, #tpu.memory_space<vmem>>
      %dma_start3A_128 = arith.constant 128 : i32
      %dma_start3A_129 = tpu.memref_slice %arg13[%dma_start3A_128] : memref<1024xi32, #tpu.memory_space<vmem>> -> memref<128xi32, #tpu.memory_space<vmem>>
      %dma_start3A_130 = arith.constant 0 : i32
      %dma_start3A_131 = tpu.memref_slice %arg10[%dma_start3A_130] : memref<102400xf32, #tpu.memory_space<vmem_shared>> -> memref<102400xf32, #tpu.memory_space<vmem_shared>>
      tpu.enqueue_indirect_dma source(%dma_start3A_127 : memref<128xf32, #tpu.memory_space<vmem>>) target(%dma_start3A_131 : memref<102400xf32, #tpu.memory_space<vmem_shared>>) offsets(%dma_start3A_129 : memref<128xi32, #tpu.memory_space<vmem>>) semaphore(%arg15 : memref<!tpu.dma_semaphore, #tpu.memory_space<semaphore_mem>>) {add = true}
      %dma_start3A_132 = arith.constant 128 : i32
      %dma_start3A_133 = tpu.memref_slice %arg13[%dma_start3A_132] : memref<1024xi32, #tpu.memory_space<vmem>> -> memref<128xi32, #tpu.memory_space<vmem>>
      %dma_start3A_134 = arith.constant 0 : i32
      %dma_start3A_135 = tpu.memref_slice %arg11[%dma_start3A_134] : memref<102400xf32, #tpu.memory_space<vmem_shared>> -> memref<102400xf32, #tpu.memory_space<vmem_shared>>
      tpu.enqueue_indirect_dma source(%arg14 : memref<128xf32, #tpu.memory_space<vmem>>) target(%dma_start3A_135 : memref<102400xf32, #tpu.memory_space<vmem_shared>>) offsets(%dma_start3A_133 : memref<128xi32, #tpu.memory_space<vmem>>) semaphore(%arg15 : memref<!tpu.dma_semaphore, #tpu.memory_space<semaphore_mem>>) {add = true}
      %dma_start3A_136 = arith.constant 2 : i32
      %dma_start3A_137 = arith.constant 0 : i32
      %dma_start3A_138 = tpu.memref_slice %arg12[%dma_start3A_136, %dma_start3A_137] : memref<8x128xf32, #tpu.memory_space<vmem>> -> memref<1x128xf32, #tpu.memory_space<vmem>>
      %dma_start3A_139 = tpu.memref_squeeze %dma_start3A_138 : memref<1x128xf32, #tpu.memory_space<vmem>> -> memref<128xf32, #tpu.memory_space<vmem>>
      %dma_start3A_140 = arith.constant 256 : i32
      %dma_start3A_141 = tpu.memref_slice %arg13[%dma_start3A_140] : memref<1024xi32, #tpu.memory_space<vmem>> -> memref<128xi32, #tpu.memory_space<vmem>>
      %dma_start3A_142 = arith.constant 0 : i32
      %dma_start3A_143 = tpu.memref_slice %arg10[%dma_start3A_142] : memref<102400xf32, #tpu.memory_space<vmem_shared>> -> memref<102400xf32, #tpu.memory_space<vmem_shared>>
      tpu.enqueue_indirect_dma source(%dma_start3A_139 : memref<128xf32, #tpu.memory_space<vmem>>) target(%dma_start3A_143 : memref<102400xf32, #tpu.memory_space<vmem_shared>>) offsets(%dma_start3A_141 : memref<128xi32, #tpu.memory_space<vmem>>) semaphore(%arg15 : memref<!tpu.dma_semaphore, #tpu.memory_space<semaphore_mem>>) {add = true}
      %dma_start3A_144 = arith.constant 256 : i32
      %dma_start3A_145 = tpu.memref_slice %arg13[%dma_start3A_144] : memref<1024xi32, #tpu.memory_space<vmem>> -> memref<128xi32, #tpu.memory_space<vmem>>
      %dma_start3A_146 = arith.constant 0 : i32
      %dma_start3A_147 = tpu.memref_slice %arg11[%dma_start3A_146] : memref<102400xf32, #tpu.memory_space<vmem_shared>> -> memref<102400xf32, #tpu.memory_space<vmem_shared>>
      tpu.enqueue_indirect_dma source(%arg14 : memref<128xf32, #tpu.memory_space<vmem>>) target(%dma_start3A_147 : memref<102400xf32, #tpu.memory_space<vmem_shared>>) offsets(%dma_start3A_145 : memref<128xi32, #tpu.memory_space<vmem>>) semaphore(%arg15 : memref<!tpu.dma_semaphore, #tpu.memory_space<semaphore_mem>>) {add = true}
      %dma_start3A_148 = arith.constant 3 : i32
      %dma_start3A_149 = arith.constant 0 : i32
      %dma_start3A_150 = tpu.memref_slice %arg12[%dma_start3A_148, %dma_start3A_149] : memref<8x128xf32, #tpu.memory_space<vmem>> -> memref<1x128xf32, #tpu.memory_space<vmem>>
      %dma_start3A_151 = tpu.memref_squeeze %dma_start3A_150 : memref<1x128xf32, #tpu.memory_space<vmem>> -> memref<128xf32, #tpu.memory_space<vmem>>
      %dma_start3A_152 = arith.constant 384 : i32
      %dma_start3A_153 = tpu.memref_slice %arg13[%dma_start3A_152] : memref<1024xi32, #tpu.memory_space<vmem>> -> memref<128xi32, #tpu.memory_space<vmem>>
      %dma_start3A_154 = arith.constant 0 : i32
      %dma_start3A_155 = tpu.memref_slice %arg10[%dma_start3A_154] : memref<102400xf32, #tpu.memory_space<vmem_shared>> -> memref<102400xf32, #tpu.memory_space<vmem_shared>>
      tpu.enqueue_indirect_dma source(%dma_start3A_151 : memref<128xf32, #tpu.memory_space<vmem>>) target(%dma_start3A_155 : memref<102400xf32, #tpu.memory_space<vmem_shared>>) offsets(%dma_start3A_153 : memref<128xi32, #tpu.memory_space<vmem>>) semaphore(%arg15 : memref<!tpu.dma_semaphore, #tpu.memory_space<semaphore_mem>>) {add = true}
      %dma_start3A_156 = arith.constant 384 : i32
      %dma_start3A_157 = tpu.memref_slice %arg13[%dma_start3A_156] : memref<1024xi32, #tpu.memory_space<vmem>> -> memref<128xi32, #tpu.memory_space<vmem>>
      %dma_start3A_158 = arith.constant 0 : i32
      %dma_start3A_159 = tpu.memref_slice %arg11[%dma_start3A_158] : memref<102400xf32, #tpu.memory_space<vmem_shared>> -> memref<102400xf32, #tpu.memory_space<vmem_shared>>
      tpu.enqueue_indirect_dma source(%arg14 : memref<128xf32, #tpu.memory_space<vmem>>) target(%dma_start3A_159 : memref<102400xf32, #tpu.memory_space<vmem_shared>>) offsets(%dma_start3A_157 : memref<128xi32, #tpu.memory_space<vmem>>) semaphore(%arg15 : memref<!tpu.dma_semaphore, #tpu.memory_space<semaphore_mem>>) {add = true}
      %dma_start3A_160 = arith.constant 4 : i32
      %dma_start3A_161 = arith.constant 0 : i32
      %dma_start3A_162 = tpu.memref_slice %arg12[%dma_start3A_160, %dma_start3A_161] : memref<8x128xf32, #tpu.memory_space<vmem>> -> memref<1x128xf32, #tpu.memory_space<vmem>>
      %dma_start3A_163 = tpu.memref_squeeze %dma_start3A_162 : memref<1x128xf32, #tpu.memory_space<vmem>> -> memref<128xf32, #tpu.memory_space<vmem>>
      %dma_start3A_164 = arith.constant 512 : i32
      %dma_start3A_165 = tpu.memref_slice %arg13[%dma_start3A_164] : memref<1024xi32, #tpu.memory_space<vmem>> -> memref<128xi32, #tpu.memory_space<vmem>>
      %dma_start3A_166 = arith.constant 0 : i32
      %dma_start3A_167 = tpu.memref_slice %arg10[%dma_start3A_166] : memref<102400xf32, #tpu.memory_space<vmem_shared>> -> memref<102400xf32, #tpu.memory_space<vmem_shared>>
      tpu.enqueue_indirect_dma source(%dma_start3A_163 : memref<128xf32, #tpu.memory_space<vmem>>) target(%dma_start3A_167 : memref<102400xf32, #tpu.memory_space<vmem_shared>>) offsets(%dma_start3A_165 : memref<128xi32, #tpu.memory_space<vmem>>) semaphore(%arg15 : memref<!tpu.dma_semaphore, #tpu.memory_space<semaphore_mem>>) {add = true}
      %dma_start3A_168 = arith.constant 512 : i32
      %dma_start3A_169 = tpu.memref_slice %arg13[%dma_start3A_168] : memref<1024xi32, #tpu.memory_space<vmem>> -> memref<128xi32, #tpu.memory_space<vmem>>
      %dma_start3A_170 = arith.constant 0 : i32
      %dma_start3A_171 = tpu.memref_slice %arg11[%dma_start3A_170] : memref<102400xf32, #tpu.memory_space<vmem_shared>> -> memref<102400xf32, #tpu.memory_space<vmem_shared>>
      tpu.enqueue_indirect_dma source(%arg14 : memref<128xf32, #tpu.memory_space<vmem>>) target(%dma_start3A_171 : memref<102400xf32, #tpu.memory_space<vmem_shared>>) offsets(%dma_start3A_169 : memref<128xi32, #tpu.memory_space<vmem>>) semaphore(%arg15 : memref<!tpu.dma_semaphore, #tpu.memory_space<semaphore_mem>>) {add = true}
      %dma_start3A_172 = arith.constant 5 : i32
      %dma_start3A_173 = arith.constant 0 : i32
      %dma_start3A_174 = tpu.memref_slice %arg12[%dma_start3A_172, %dma_start3A_173] : memref<8x128xf32, #tpu.memory_space<vmem>> -> memref<1x128xf32, #tpu.memory_space<vmem>>
      %dma_start3A_175 = tpu.memref_squeeze %dma_start3A_174 : memref<1x128xf32, #tpu.memory_space<vmem>> -> memref<128xf32, #tpu.memory_space<vmem>>
      %dma_start3A_176 = arith.constant 640 : i32
      %dma_start3A_177 = tpu.memref_slice %arg13[%dma_start3A_176] : memref<1024xi32, #tpu.memory_space<vmem>> -> memref<128xi32, #tpu.memory_space<vmem>>
      %dma_start3A_178 = arith.constant 0 : i32
      %dma_start3A_179 = tpu.memref_slice %arg10[%dma_start3A_178] : memref<102400xf32, #tpu.memory_space<vmem_shared>> -> memref<102400xf32, #tpu.memory_space<vmem_shared>>
      tpu.enqueue_indirect_dma source(%dma_start3A_175 : memref<128xf32, #tpu.memory_space<vmem>>) target(%dma_start3A_179 : memref<102400xf32, #tpu.memory_space<vmem_shared>>) offsets(%dma_start3A_177 : memref<128xi32, #tpu.memory_space<vmem>>) semaphore(%arg15 : memref<!tpu.dma_semaphore, #tpu.memory_space<semaphore_mem>>) {add = true}
      %dma_start3A_180 = arith.constant 640 : i32
      %dma_start3A_181 = tpu.memref_slice %arg13[%dma_start3A_180] : memref<1024xi32, #tpu.memory_space<vmem>> -> memref<128xi32, #tpu.memory_space<vmem>>
      %dma_start3A_182 = arith.constant 0 : i32
      %dma_start3A_183 = tpu.memref_slice %arg11[%dma_start3A_182] : memref<102400xf32, #tpu.memory_space<vmem_shared>> -> memref<102400xf32, #tpu.memory_space<vmem_shared>>
      tpu.enqueue_indirect_dma source(%arg14 : memref<128xf32, #tpu.memory_space<vmem>>) target(%dma_start3A_183 : memref<102400xf32, #tpu.memory_space<vmem_shared>>) offsets(%dma_start3A_181 : memref<128xi32, #tpu.memory_space<vmem>>) semaphore(%arg15 : memref<!tpu.dma_semaphore, #tpu.memory_space<semaphore_mem>>) {add = true}
      %dma_start3A_184 = arith.constant 6 : i32
      %dma_start3A_185 = arith.constant 0 : i32
      %dma_start3A_186 = tpu.memref_slice %arg12[%dma_start3A_184, %dma_start3A_185] : memref<8x128xf32, #tpu.memory_space<vmem>> -> memref<1x128xf32, #tpu.memory_space<vmem>>
      %dma_start3A_187 = tpu.memref_squeeze %dma_start3A_186 : memref<1x128xf32, #tpu.memory_space<vmem>> -> memref<128xf32, #tpu.memory_space<vmem>>
      %dma_start3A_188 = arith.constant 768 : i32
      %dma_start3A_189 = tpu.memref_slice %arg13[%dma_start3A_188] : memref<1024xi32, #tpu.memory_space<vmem>> -> memref<128xi32, #tpu.memory_space<vmem>>
      %dma_start3A_190 = arith.constant 0 : i32
      %dma_start3A_191 = tpu.memref_slice %arg10[%dma_start3A_190] : memref<102400xf32, #tpu.memory_space<vmem_shared>> -> memref<102400xf32, #tpu.memory_space<vmem_shared>>
      tpu.enqueue_indirect_dma source(%dma_start3A_187 : memref<128xf32, #tpu.memory_space<vmem>>) target(%dma_start3A_191 : memref<102400xf32, #tpu.memory_space<vmem_shared>>) offsets(%dma_start3A_189 : memref<128xi32, #tpu.memory_space<vmem>>) semaphore(%arg15 : memref<!tpu.dma_semaphore, #tpu.memory_space<semaphore_mem>>) {add = true}
      %dma_start3A_192 = arith.constant 768 : i32
      %dma_start3A_193 = tpu.memref_slice %arg13[%dma_start3A_192] : memref<1024xi32, #tpu.memory_space<vmem>> -> memref<128xi32, #tpu.memory_space<vmem>>
      %dma_start3A_194 = arith.constant 0 : i32
      %dma_start3A_195 = tpu.memref_slice %arg11[%dma_start3A_194] : memref<102400xf32, #tpu.memory_space<vmem_shared>> -> memref<102400xf32, #tpu.memory_space<vmem_shared>>
      tpu.enqueue_indirect_dma source(%arg14 : memref<128xf32, #tpu.memory_space<vmem>>) target(%dma_start3A_195 : memref<102400xf32, #tpu.memory_space<vmem_shared>>) offsets(%dma_start3A_193 : memref<128xi32, #tpu.memory_space<vmem>>) semaphore(%arg15 : memref<!tpu.dma_semaphore, #tpu.memory_space<semaphore_mem>>) {add = true}
      %dma_start3A_196 = arith.constant 7 : i32
      %dma_start3A_197 = arith.constant 0 : i32
      %dma_start3A_198 = tpu.memref_slice %arg12[%dma_start3A_196, %dma_start3A_197] : memref<8x128xf32, #tpu.memory_space<vmem>> -> memref<1x128xf32, #tpu.memory_space<vmem>>
      %dma_start3A_199 = tpu.memref_squeeze %dma_start3A_198 : memref<1x128xf32, #tpu.memory_space<vmem>> -> memref<128xf32, #tpu.memory_space<vmem>>
      %dma_start3A_200 = arith.constant 896 : i32
      %dma_start3A_201 = tpu.memref_slice %arg13[%dma_start3A_200] : memref<1024xi32, #tpu.memory_space<vmem>> -> memref<128xi32, #tpu.memory_space<vmem>>
      %dma_start3A_202 = arith.constant 0 : i32
      %dma_start3A_203 = tpu.memref_slice %arg10[%dma_start3A_202] : memref<102400xf32, #tpu.memory_space<vmem_shared>> -> memref<102400xf32, #tpu.memory_space<vmem_shared>>
      tpu.enqueue_indirect_dma source(%dma_start3A_199 : memref<128xf32, #tpu.memory_space<vmem>>) target(%dma_start3A_203 : memref<102400xf32, #tpu.memory_space<vmem_shared>>) offsets(%dma_start3A_201 : memref<128xi32, #tpu.memory_space<vmem>>) semaphore(%arg15 : memref<!tpu.dma_semaphore, #tpu.memory_space<semaphore_mem>>) {add = true}
      %dma_start3A_204 = arith.constant 896 : i32
      %dma_start3A_205 = tpu.memref_slice %arg13[%dma_start3A_204] : memref<1024xi32, #tpu.memory_space<vmem>> -> memref<128xi32, #tpu.memory_space<vmem>>
      %dma_start3A_206 = arith.constant 0 : i32
      %dma_start3A_207 = tpu.memref_slice %arg11[%dma_start3A_206] : memref<102400xf32, #tpu.memory_space<vmem_shared>> -> memref<102400xf32, #tpu.memory_space<vmem_shared>>
      tpu.enqueue_indirect_dma source(%arg14 : memref<128xf32, #tpu.memory_space<vmem>>) target(%dma_start3A_207 : memref<102400xf32, #tpu.memory_space<vmem_shared>>) offsets(%dma_start3A_205 : memref<128xi32, #tpu.memory_space<vmem>>) semaphore(%arg15 : memref<!tpu.dma_semaphore, #tpu.memory_space<semaphore_mem>>) {add = true}
      %dma_wait3A = arith.constant 0 : i32
      %dma_wait3A_208 = arith.constant 0 : i32
      %dma_wait3A_209 = tpu.memref_slice %arg12[%dma_wait3A, %dma_wait3A_208] : memref<8x128xf32, #tpu.memory_space<vmem>> -> memref<1x128xf32, #tpu.memory_space<vmem>>
      %dma_wait3A_210 = tpu.memref_squeeze %dma_wait3A_209 : memref<1x128xf32, #tpu.memory_space<vmem>> -> memref<128xf32, #tpu.memory_space<vmem>>
      %dma_wait3A_211 = arith.constant 0 : i32
      %dma_wait3A_212 = tpu.memref_slice %arg13[%dma_wait3A_211] : memref<1024xi32, #tpu.memory_space<vmem>> -> memref<128xi32, #tpu.memory_space<vmem>>
      %dma_wait3A_213 = arith.constant 0 : i32
      %dma_wait3A_214 = tpu.memref_slice %arg10[%dma_wait3A_213] : memref<102400xf32, #tpu.memory_space<vmem_shared>> -> memref<102400xf32, #tpu.memory_space<vmem_shared>>
      tpu.wait_indirect_dma semaphore(%arg15 : memref<!tpu.dma_semaphore, #tpu.memory_space<semaphore_mem>>) src(%dma_wait3A_210 : memref<128xf32, #tpu.memory_space<vmem>>) dst(%dma_wait3A_214 : memref<102400xf32, #tpu.memory_space<vmem_shared>>)
      %dma_wait3A_215 = arith.constant 0 : i32
      %dma_wait3A_216 = tpu.memref_slice %arg13[%dma_wait3A_215] : memref<1024xi32, #tpu.memory_space<vmem>> -> memref<128xi32, #tpu.memory_space<vmem>>
      %dma_wait3A_217 = arith.constant 0 : i32
      %dma_wait3A_218 = tpu.memref_slice %arg11[%dma_wait3A_217] : memref<102400xf32, #tpu.memory_space<vmem_shared>> -> memref<102400xf32, #tpu.memory_space<vmem_shared>>
      tpu.wait_indirect_dma semaphore(%arg15 : memref<!tpu.dma_semaphore, #tpu.memory_space<semaphore_mem>>) src(%arg14 : memref<128xf32, #tpu.memory_space<vmem>>) dst(%dma_wait3A_218 : memref<102400xf32, #tpu.memory_space<vmem_shared>>)
      %dma_wait3A_219 = arith.constant 1 : i32
      %dma_wait3A_220 = arith.constant 0 : i32
      %dma_wait3A_221 = tpu.memref_slice %arg12[%dma_wait3A_219, %dma_wait3A_220] : memref<8x128xf32, #tpu.memory_space<vmem>> -> memref<1x128xf32, #tpu.memory_space<vmem>>
      %dma_wait3A_222 = tpu.memref_squeeze %dma_wait3A_221 : memref<1x128xf32, #tpu.memory_space<vmem>> -> memref<128xf32, #tpu.memory_space<vmem>>
      %dma_wait3A_223 = arith.constant 128 : i32
      %dma_wait3A_224 = tpu.memref_slice %arg13[%dma_wait3A_223] : memref<1024xi32, #tpu.memory_space<vmem>> -> memref<128xi32, #tpu.memory_space<vmem>>
      %dma_wait3A_225 = arith.constant 0 : i32
      %dma_wait3A_226 = tpu.memref_slice %arg10[%dma_wait3A_225] : memref<102400xf32, #tpu.memory_space<vmem_shared>> -> memref<102400xf32, #tpu.memory_space<vmem_shared>>
      tpu.wait_indirect_dma semaphore(%arg15 : memref<!tpu.dma_semaphore, #tpu.memory_space<semaphore_mem>>) src(%dma_wait3A_222 : memref<128xf32, #tpu.memory_space<vmem>>) dst(%dma_wait3A_226 : memref<102400xf32, #tpu.memory_space<vmem_shared>>)
      %dma_wait3A_227 = arith.constant 128 : i32
      %dma_wait3A_228 = tpu.memref_slice %arg13[%dma_wait3A_227] : memref<1024xi32, #tpu.memory_space<vmem>> -> memref<128xi32, #tpu.memory_space<vmem>>
      %dma_wait3A_229 = arith.constant 0 : i32
      %dma_wait3A_230 = tpu.memref_slice %arg11[%dma_wait3A_229] : memref<102400xf32, #tpu.memory_space<vmem_shared>> -> memref<102400xf32, #tpu.memory_space<vmem_shared>>
      tpu.wait_indirect_dma semaphore(%arg15 : memref<!tpu.dma_semaphore, #tpu.memory_space<semaphore_mem>>) src(%arg14 : memref<128xf32, #tpu.memory_space<vmem>>) dst(%dma_wait3A_230 : memref<102400xf32, #tpu.memory_space<vmem_shared>>)
      %dma_wait3A_231 = arith.constant 2 : i32
      %dma_wait3A_232 = arith.constant 0 : i32
      %dma_wait3A_233 = tpu.memref_slice %arg12[%dma_wait3A_231, %dma_wait3A_232] : memref<8x128xf32, #tpu.memory_space<vmem>> -> memref<1x128xf32, #tpu.memory_space<vmem>>
      %dma_wait3A_234 = tpu.memref_squeeze %dma_wait3A_233 : memref<1x128xf32, #tpu.memory_space<vmem>> -> memref<128xf32, #tpu.memory_space<vmem>>
      %dma_wait3A_235 = arith.constant 256 : i32
      %dma_wait3A_236 = tpu.memref_slice %arg13[%dma_wait3A_235] : memref<1024xi32, #tpu.memory_space<vmem>> -> memref<128xi32, #tpu.memory_space<vmem>>
      %dma_wait3A_237 = arith.constant 0 : i32
      %dma_wait3A_238 = tpu.memref_slice %arg10[%dma_wait3A_237] : memref<102400xf32, #tpu.memory_space<vmem_shared>> -> memref<102400xf32, #tpu.memory_space<vmem_shared>>
      tpu.wait_indirect_dma semaphore(%arg15 : memref<!tpu.dma_semaphore, #tpu.memory_space<semaphore_mem>>) src(%dma_wait3A_234 : memref<128xf32, #tpu.memory_space<vmem>>) dst(%dma_wait3A_238 : memref<102400xf32, #tpu.memory_space<vmem_shared>>)
      %dma_wait3A_239 = arith.constant 256 : i32
      %dma_wait3A_240 = tpu.memref_slice %arg13[%dma_wait3A_239] : memref<1024xi32, #tpu.memory_space<vmem>> -> memref<128xi32, #tpu.memory_space<vmem>>
      %dma_wait3A_241 = arith.constant 0 : i32
      %dma_wait3A_242 = tpu.memref_slice %arg11[%dma_wait3A_241] : memref<102400xf32, #tpu.memory_space<vmem_shared>> -> memref<102400xf32, #tpu.memory_space<vmem_shared>>
      tpu.wait_indirect_dma semaphore(%arg15 : memref<!tpu.dma_semaphore, #tpu.memory_space<semaphore_mem>>) src(%arg14 : memref<128xf32, #tpu.memory_space<vmem>>) dst(%dma_wait3A_242 : memref<102400xf32, #tpu.memory_space<vmem_shared>>)
      %dma_wait3A_243 = arith.constant 3 : i32
      %dma_wait3A_244 = arith.constant 0 : i32
      %dma_wait3A_245 = tpu.memref_slice %arg12[%dma_wait3A_243, %dma_wait3A_244] : memref<8x128xf32, #tpu.memory_space<vmem>> -> memref<1x128xf32, #tpu.memory_space<vmem>>
      %dma_wait3A_246 = tpu.memref_squeeze %dma_wait3A_245 : memref<1x128xf32, #tpu.memory_space<vmem>> -> memref<128xf32, #tpu.memory_space<vmem>>
      %dma_wait3A_247 = arith.constant 384 : i32
      %dma_wait3A_248 = tpu.memref_slice %arg13[%dma_wait3A_247] : memref<1024xi32, #tpu.memory_space<vmem>> -> memref<128xi32, #tpu.memory_space<vmem>>
      %dma_wait3A_249 = arith.constant 0 : i32
      %dma_wait3A_250 = tpu.memref_slice %arg10[%dma_wait3A_249] : memref<102400xf32, #tpu.memory_space<vmem_shared>> -> memref<102400xf32, #tpu.memory_space<vmem_shared>>
      tpu.wait_indirect_dma semaphore(%arg15 : memref<!tpu.dma_semaphore, #tpu.memory_space<semaphore_mem>>) src(%dma_wait3A_246 : memref<128xf32, #tpu.memory_space<vmem>>) dst(%dma_wait3A_250 : memref<102400xf32, #tpu.memory_space<vmem_shared>>)
      %dma_wait3A_251 = arith.constant 384 : i32
      %dma_wait3A_252 = tpu.memref_slice %arg13[%dma_wait3A_251] : memref<1024xi32, #tpu.memory_space<vmem>> -> memref<128xi32, #tpu.memory_space<vmem>>
      %dma_wait3A_253 = arith.constant 0 : i32
      %dma_wait3A_254 = tpu.memref_slice %arg11[%dma_wait3A_253] : memref<102400xf32, #tpu.memory_space<vmem_shared>> -> memref<102400xf32, #tpu.memory_space<vmem_shared>>
      tpu.wait_indirect_dma semaphore(%arg15 : memref<!tpu.dma_semaphore, #tpu.memory_space<semaphore_mem>>) src(%arg14 : memref<128xf32, #tpu.memory_space<vmem>>) dst(%dma_wait3A_254 : memref<102400xf32, #tpu.memory_space<vmem_shared>>)
      %dma_wait3A_255 = arith.constant 4 : i32
      %dma_wait3A_256 = arith.constant 0 : i32
      %dma_wait3A_257 = tpu.memref_slice %arg12[%dma_wait3A_255, %dma_wait3A_256] : memref<8x128xf32, #tpu.memory_space<vmem>> -> memref<1x128xf32, #tpu.memory_space<vmem>>
      %dma_wait3A_258 = tpu.memref_squeeze %dma_wait3A_257 : memref<1x128xf32, #tpu.memory_space<vmem>> -> memref<128xf32, #tpu.memory_space<vmem>>
      %dma_wait3A_259 = arith.constant 512 : i32
      %dma_wait3A_260 = tpu.memref_slice %arg13[%dma_wait3A_259] : memref<1024xi32, #tpu.memory_space<vmem>> -> memref<128xi32, #tpu.memory_space<vmem>>
      %dma_wait3A_261 = arith.constant 0 : i32
      %dma_wait3A_262 = tpu.memref_slice %arg10[%dma_wait3A_261] : memref<102400xf32, #tpu.memory_space<vmem_shared>> -> memref<102400xf32, #tpu.memory_space<vmem_shared>>
      tpu.wait_indirect_dma semaphore(%arg15 : memref<!tpu.dma_semaphore, #tpu.memory_space<semaphore_mem>>) src(%dma_wait3A_258 : memref<128xf32, #tpu.memory_space<vmem>>) dst(%dma_wait3A_262 : memref<102400xf32, #tpu.memory_space<vmem_shared>>)
      %dma_wait3A_263 = arith.constant 512 : i32
      %dma_wait3A_264 = tpu.memref_slice %arg13[%dma_wait3A_263] : memref<1024xi32, #tpu.memory_space<vmem>> -> memref<128xi32, #tpu.memory_space<vmem>>
      %dma_wait3A_265 = arith.constant 0 : i32
      %dma_wait3A_266 = tpu.memref_slice %arg11[%dma_wait3A_265] : memref<102400xf32, #tpu.memory_space<vmem_shared>> -> memref<102400xf32, #tpu.memory_space<vmem_shared>>
      tpu.wait_indirect_dma semaphore(%arg15 : memref<!tpu.dma_semaphore, #tpu.memory_space<semaphore_mem>>) src(%arg14 : memref<128xf32, #tpu.memory_space<vmem>>) dst(%dma_wait3A_266 : memref<102400xf32, #tpu.memory_space<vmem_shared>>)
      %dma_wait3A_267 = arith.constant 5 : i32
      %dma_wait3A_268 = arith.constant 0 : i32
      %dma_wait3A_269 = tpu.memref_slice %arg12[%dma_wait3A_267, %dma_wait3A_268] : memref<8x128xf32, #tpu.memory_space<vmem>> -> memref<1x128xf32, #tpu.memory_space<vmem>>
      %dma_wait3A_270 = tpu.memref_squeeze %dma_wait3A_269 : memref<1x128xf32, #tpu.memory_space<vmem>> -> memref<128xf32, #tpu.memory_space<vmem>>
      %dma_wait3A_271 = arith.constant 640 : i32
      %dma_wait3A_272 = tpu.memref_slice %arg13[%dma_wait3A_271] : memref<1024xi32, #tpu.memory_space<vmem>> -> memref<128xi32, #tpu.memory_space<vmem>>
      %dma_wait3A_273 = arith.constant 0 : i32
      %dma_wait3A_274 = tpu.memref_slice %arg10[%dma_wait3A_273] : memref<102400xf32, #tpu.memory_space<vmem_shared>> -> memref<102400xf32, #tpu.memory_space<vmem_shared>>
      tpu.wait_indirect_dma semaphore(%arg15 : memref<!tpu.dma_semaphore, #tpu.memory_space<semaphore_mem>>) src(%dma_wait3A_270 : memref<128xf32, #tpu.memory_space<vmem>>) dst(%dma_wait3A_274 : memref<102400xf32, #tpu.memory_space<vmem_shared>>)
      %dma_wait3A_275 = arith.constant 640 : i32
      %dma_wait3A_276 = tpu.memref_slice %arg13[%dma_wait3A_275] : memref<1024xi32, #tpu.memory_space<vmem>> -> memref<128xi32, #tpu.memory_space<vmem>>
      %dma_wait3A_277 = arith.constant 0 : i32
      %dma_wait3A_278 = tpu.memref_slice %arg11[%dma_wait3A_277] : memref<102400xf32, #tpu.memory_space<vmem_shared>> -> memref<102400xf32, #tpu.memory_space<vmem_shared>>
      tpu.wait_indirect_dma semaphore(%arg15 : memref<!tpu.dma_semaphore, #tpu.memory_space<semaphore_mem>>) src(%arg14 : memref<128xf32, #tpu.memory_space<vmem>>) dst(%dma_wait3A_278 : memref<102400xf32, #tpu.memory_space<vmem_shared>>)
      %dma_wait3A_279 = arith.constant 6 : i32
      %dma_wait3A_280 = arith.constant 0 : i32
      %dma_wait3A_281 = tpu.memref_slice %arg12[%dma_wait3A_279, %dma_wait3A_280] : memref<8x128xf32, #tpu.memory_space<vmem>> -> memref<1x128xf32, #tpu.memory_space<vmem>>
      %dma_wait3A_282 = tpu.memref_squeeze %dma_wait3A_281 : memref<1x128xf32, #tpu.memory_space<vmem>> -> memref<128xf32, #tpu.memory_space<vmem>>
      %dma_wait3A_283 = arith.constant 768 : i32
      %dma_wait3A_284 = tpu.memref_slice %arg13[%dma_wait3A_283] : memref<1024xi32, #tpu.memory_space<vmem>> -> memref<128xi32, #tpu.memory_space<vmem>>
      %dma_wait3A_285 = arith.constant 0 : i32
      %dma_wait3A_286 = tpu.memref_slice %arg10[%dma_wait3A_285] : memref<102400xf32, #tpu.memory_space<vmem_shared>> -> memref<102400xf32, #tpu.memory_space<vmem_shared>>
      tpu.wait_indirect_dma semaphore(%arg15 : memref<!tpu.dma_semaphore, #tpu.memory_space<semaphore_mem>>) src(%dma_wait3A_282 : memref<128xf32, #tpu.memory_space<vmem>>) dst(%dma_wait3A_286 : memref<102400xf32, #tpu.memory_space<vmem_shared>>)
      %dma_wait3A_287 = arith.constant 768 : i32
      %dma_wait3A_288 = tpu.memref_slice %arg13[%dma_wait3A_287] : memref<1024xi32, #tpu.memory_space<vmem>> -> memref<128xi32, #tpu.memory_space<vmem>>
      %dma_wait3A_289 = arith.constant 0 : i32
      %dma_wait3A_290 = tpu.memref_slice %arg11[%dma_wait3A_289] : memref<102400xf32, #tpu.memory_space<vmem_shared>> -> memref<102400xf32, #tpu.memory_space<vmem_shared>>
      tpu.wait_indirect_dma semaphore(%arg15 : memref<!tpu.dma_semaphore, #tpu.memory_space<semaphore_mem>>) src(%arg14 : memref<128xf32, #tpu.memory_space<vmem>>) dst(%dma_wait3A_290 : memref<102400xf32, #tpu.memory_space<vmem_shared>>)
      %dma_wait3A_291 = arith.constant 7 : i32
      %dma_wait3A_292 = arith.constant 0 : i32
      %dma_wait3A_293 = tpu.memref_slice %arg12[%dma_wait3A_291, %dma_wait3A_292] : memref<8x128xf32, #tpu.memory_space<vmem>> -> memref<1x128xf32, #tpu.memory_space<vmem>>
      %dma_wait3A_294 = tpu.memref_squeeze %dma_wait3A_293 : memref<1x128xf32, #tpu.memory_space<vmem>> -> memref<128xf32, #tpu.memory_space<vmem>>
      %dma_wait3A_295 = arith.constant 896 : i32
      %dma_wait3A_296 = tpu.memref_slice %arg13[%dma_wait3A_295] : memref<1024xi32, #tpu.memory_space<vmem>> -> memref<128xi32, #tpu.memory_space<vmem>>
      %dma_wait3A_297 = arith.constant 0 : i32
      %dma_wait3A_298 = tpu.memref_slice %arg10[%dma_wait3A_297] : memref<102400xf32, #tpu.memory_space<vmem_shared>> -> memref<102400xf32, #tpu.memory_space<vmem_shared>>
      tpu.wait_indirect_dma semaphore(%arg15 : memref<!tpu.dma_semaphore, #tpu.memory_space<semaphore_mem>>) src(%dma_wait3A_294 : memref<128xf32, #tpu.memory_space<vmem>>) dst(%dma_wait3A_298 : memref<102400xf32, #tpu.memory_space<vmem_shared>>)
      %dma_wait3A_299 = arith.constant 896 : i32
      %dma_wait3A_300 = tpu.memref_slice %arg13[%dma_wait3A_299] : memref<1024xi32, #tpu.memory_space<vmem>> -> memref<128xi32, #tpu.memory_space<vmem>>
      %dma_wait3A_301 = arith.constant 0 : i32
      %dma_wait3A_302 = tpu.memref_slice %arg11[%dma_wait3A_301] : memref<102400xf32, #tpu.memory_space<vmem_shared>> -> memref<102400xf32, #tpu.memory_space<vmem_shared>>
      tpu.wait_indirect_dma semaphore(%arg15 : memref<!tpu.dma_semaphore, #tpu.memory_space<semaphore_mem>>) src(%arg14 : memref<128xf32, #tpu.memory_space<vmem>>) dst(%dma_wait3A_302 : memref<102400xf32, #tpu.memory_space<vmem_shared>>)
    }
    %barrier3A_95 = arith.constant 0 : index
    tpu.barrier barrier_id(%barrier3A_95)
    %mul3A_96 = arith.constant 6400 : i32
    %mul3A_97 = arith.muli %arg1, %mul3A_96 : i32
    %run_scoped3A = arith.constant 0 : i32
    "tpu.region"() ({
      %run_scoped3A_107 = tpu.sem_alloc : memref<!tpu.dma_semaphore, #tpu.memory_space<semaphore_mem>>
      %dma_start3A = tpu.memref_slice %arg7[%arg0, %run_scoped3A, %mul3A_97] : memref<2x4x102400xf32, #tpu.memory_space<hbm>> -> memref<1x1x6400xf32, #tpu.memory_space<hbm>>
      %dma_start3A_108 = tpu.memref_squeeze %dma_start3A : memref<1x1x6400xf32, #tpu.memory_space<hbm>> -> memref<6400xf32, #tpu.memory_space<hbm>>
      %dma_start3A_109 = tpu.memref_slice %arg8[%mul3A_97] : memref<102400xf32, #tpu.memory_space<vmem_shared>> -> memref<6400xf32, #tpu.memory_space<vmem_shared>>
      tpu.enqueue_dma source(%dma_start3A_109 : memref<6400xf32, #tpu.memory_space<vmem_shared>>) target(%dma_start3A_108 : memref<6400xf32, #tpu.memory_space<hbm>>) target_semaphore(%run_scoped3A_107 : memref<!tpu.dma_semaphore, #tpu.memory_space<semaphore_mem>>)
      %dma_wait3A = tpu.memref_slice %arg7[%arg0, %run_scoped3A, %mul3A_97] : memref<2x4x102400xf32, #tpu.memory_space<hbm>> -> memref<1x1x6400xf32, #tpu.memory_space<hbm>>
      %dma_wait3A_110 = tpu.memref_squeeze %dma_wait3A : memref<1x1x6400xf32, #tpu.memory_space<hbm>> -> memref<6400xf32, #tpu.memory_space<hbm>>
      %dma_wait3A_111 = tpu.memref_slice %arg8[%mul3A_97] : memref<102400xf32, #tpu.memory_space<vmem_shared>> -> memref<6400xf32, #tpu.memory_space<vmem_shared>>
      tpu.wait_dma2 semaphore(%run_scoped3A_107 : memref<!tpu.dma_semaphore, #tpu.memory_space<semaphore_mem>>) src(%dma_wait3A_111 : memref<6400xf32, #tpu.memory_space<vmem_shared>>) dst(%dma_wait3A_110 : memref<6400xf32, #tpu.memory_space<hbm>>)
      tpu.yield
    }) : () -> ()
    %mul3A_98 = arith.constant 6400 : i32
    %mul3A_99 = arith.muli %arg1, %mul3A_98 : i32
    %run_scoped3A_100 = arith.constant 1 : i32
    "tpu.region"() ({
      %run_scoped3A_107 = tpu.sem_alloc : memref<!tpu.dma_semaphore, #tpu.memory_space<semaphore_mem>>
      %dma_start3A = tpu.memref_slice %arg7[%arg0, %run_scoped3A_100, %mul3A_99] : memref<2x4x102400xf32, #tpu.memory_space<hbm>> -> memref<1x1x6400xf32, #tpu.memory_space<hbm>>
      %dma_start3A_108 = tpu.memref_squeeze %dma_start3A : memref<1x1x6400xf32, #tpu.memory_space<hbm>> -> memref<6400xf32, #tpu.memory_space<hbm>>
      %dma_start3A_109 = tpu.memref_slice %arg9[%mul3A_99] : memref<102400xf32, #tpu.memory_space<vmem_shared>> -> memref<6400xf32, #tpu.memory_space<vmem_shared>>
      tpu.enqueue_dma source(%dma_start3A_109 : memref<6400xf32, #tpu.memory_space<vmem_shared>>) target(%dma_start3A_108 : memref<6400xf32, #tpu.memory_space<hbm>>) target_semaphore(%run_scoped3A_107 : memref<!tpu.dma_semaphore, #tpu.memory_space<semaphore_mem>>)
      %dma_wait3A = tpu.memref_slice %arg7[%arg0, %run_scoped3A_100, %mul3A_99] : memref<2x4x102400xf32, #tpu.memory_space<hbm>> -> memref<1x1x6400xf32, #tpu.memory_space<hbm>>
      %dma_wait3A_110 = tpu.memref_squeeze %dma_wait3A : memref<1x1x6400xf32, #tpu.memory_space<hbm>> -> memref<6400xf32, #tpu.memory_space<hbm>>
      %dma_wait3A_111 = tpu.memref_slice %arg9[%mul3A_99] : memref<102400xf32, #tpu.memory_space<vmem_shared>> -> memref<6400xf32, #tpu.memory_space<vmem_shared>>
      tpu.wait_dma2 semaphore(%run_scoped3A_107 : memref<!tpu.dma_semaphore, #tpu.memory_space<semaphore_mem>>) src(%dma_wait3A_111 : memref<6400xf32, #tpu.memory_space<vmem_shared>>) dst(%dma_wait3A_110 : memref<6400xf32, #tpu.memory_space<hbm>>)
      tpu.yield
    }) : () -> ()
    %mul3A_101 = arith.constant 6400 : i32
    %mul3A_102 = arith.muli %arg1, %mul3A_101 : i32
    %run_scoped3A_103 = arith.constant 2 : i32
    "tpu.region"() ({
      %run_scoped3A_107 = tpu.sem_alloc : memref<!tpu.dma_semaphore, #tpu.memory_space<semaphore_mem>>
      %dma_start3A = tpu.memref_slice %arg7[%arg0, %run_scoped3A_103, %mul3A_102] : memref<2x4x102400xf32, #tpu.memory_space<hbm>> -> memref<1x1x6400xf32, #tpu.memory_space<hbm>>
      %dma_start3A_108 = tpu.memref_squeeze %dma_start3A : memref<1x1x6400xf32, #tpu.memory_space<hbm>> -> memref<6400xf32, #tpu.memory_space<hbm>>
      %dma_start3A_109 = tpu.memref_slice %arg10[%mul3A_102] : memref<102400xf32, #tpu.memory_space<vmem_shared>> -> memref<6400xf32, #tpu.memory_space<vmem_shared>>
      tpu.enqueue_dma source(%dma_start3A_109 : memref<6400xf32, #tpu.memory_space<vmem_shared>>) target(%dma_start3A_108 : memref<6400xf32, #tpu.memory_space<hbm>>) target_semaphore(%run_scoped3A_107 : memref<!tpu.dma_semaphore, #tpu.memory_space<semaphore_mem>>)
      %dma_wait3A = tpu.memref_slice %arg7[%arg0, %run_scoped3A_103, %mul3A_102] : memref<2x4x102400xf32, #tpu.memory_space<hbm>> -> memref<1x1x6400xf32, #tpu.memory_space<hbm>>
      %dma_wait3A_110 = tpu.memref_squeeze %dma_wait3A : memref<1x1x6400xf32, #tpu.memory_space<hbm>> -> memref<6400xf32, #tpu.memory_space<hbm>>
      %dma_wait3A_111 = tpu.memref_slice %arg10[%mul3A_102] : memref<102400xf32, #tpu.memory_space<vmem_shared>> -> memref<6400xf32, #tpu.memory_space<vmem_shared>>
      tpu.wait_dma2 semaphore(%run_scoped3A_107 : memref<!tpu.dma_semaphore, #tpu.memory_space<semaphore_mem>>) src(%dma_wait3A_111 : memref<6400xf32, #tpu.memory_space<vmem_shared>>) dst(%dma_wait3A_110 : memref<6400xf32, #tpu.memory_space<hbm>>)
      tpu.yield
    }) : () -> ()
    %mul3A_104 = arith.constant 6400 : i32
    %mul3A_105 = arith.muli %arg1, %mul3A_104 : i32
    %run_scoped3A_106 = arith.constant 3 : i32
    "tpu.region"() ({
      %run_scoped3A_107 = tpu.sem_alloc : memref<!tpu.dma_semaphore, #tpu.memory_space<semaphore_mem>>
      %dma_start3A = tpu.memref_slice %arg7[%arg0, %run_scoped3A_106, %mul3A_105] : memref<2x4x102400xf32, #tpu.memory_space<hbm>> -> memref<1x1x6400xf32, #tpu.memory_space<hbm>>
      %dma_start3A_108 = tpu.memref_squeeze %dma_start3A : memref<1x1x6400xf32, #tpu.memory_space<hbm>> -> memref<6400xf32, #tpu.memory_space<hbm>>
      %dma_start3A_109 = tpu.memref_slice %arg11[%mul3A_105] : memref<102400xf32, #tpu.memory_space<vmem_shared>> -> memref<6400xf32, #tpu.memory_space<vmem_shared>>
      tpu.enqueue_dma source(%dma_start3A_109 : memref<6400xf32, #tpu.memory_space<vmem_shared>>) target(%dma_start3A_108 : memref<6400xf32, #tpu.memory_space<hbm>>) target_semaphore(%run_scoped3A_107 : memref<!tpu.dma_semaphore, #tpu.memory_space<semaphore_mem>>)
      %dma_wait3A = tpu.memref_slice %arg7[%arg0, %run_scoped3A_106, %mul3A_105] : memref<2x4x102400xf32, #tpu.memory_space<hbm>> -> memref<1x1x6400xf32, #tpu.memory_space<hbm>>
      %dma_wait3A_110 = tpu.memref_squeeze %dma_wait3A : memref<1x1x6400xf32, #tpu.memory_space<hbm>> -> memref<6400xf32, #tpu.memory_space<hbm>>
      %dma_wait3A_111 = tpu.memref_slice %arg11[%mul3A_105] : memref<102400xf32, #tpu.memory_space<vmem_shared>> -> memref<6400xf32, #tpu.memory_space<vmem_shared>>
      tpu.wait_dma2 semaphore(%run_scoped3A_107 : memref<!tpu.dma_semaphore, #tpu.memory_space<semaphore_mem>>) src(%dma_wait3A_111 : memref<6400xf32, #tpu.memory_space<vmem_shared>>) dst(%dma_wait3A_110 : memref<6400xf32, #tpu.memory_space<hbm>>)
      tpu.yield
    }) : () -> ()
    return
  }
}

module attributes {stable_mosaic.version = 14 : i64} {
  func.func @_tc_body(%arg0: i32, %arg1: memref<3200x128xf32, #tpu.memory_space<vmem>>, %arg2: memref<3200x128xf32, #tpu.memory_space<vmem>>, %arg3: memref<200x128xf32, #tpu.memory_space<vmem>>, %arg4: memref<200x128xf32, #tpu.memory_space<vmem>>, %arg5: memref<200x128xf32, #tpu.memory_space<vmem>>, %arg6: memref<200x128xf32, #tpu.memory_space<vmem>>) attributes {dimension_semantics = [#tpu.dimension_semantics<arbitrary>], iteration_bounds = array<i64: 125>, scalar_prefetch = 0 : i64, scratch_operands = 0 : i64, tpu.core_type = #tpu.core_type<tc>, window_params = [{transform_indices = @transform_0, window_bounds = array<i64: 3200, 128>}, {transform_indices = @transform_1, window_bounds = array<i64: 3200, 128>}, {transform_indices = @transform_2, window_bounds = array<i64: 200, 128>}, {transform_indices = @transform_3, window_bounds = array<i64: 200, 128>}, {transform_indices = @transform_4, window_bounds = array<i64: 200, 128>}, {transform_indices = @transform_5, window_bounds = array<i64: 200, 128>}]} {
    %get3A = arith.constant 0 : index
    %get3A_0 = arith.constant 0 : index
    %get3A_1 = vector.load %arg2[%get3A, %get3A_0] : memref<3200x128xf32, #tpu.memory_space<vmem>>, vector<3200x128xf32>
    %get3A_2 = arith.constant 0 : index
    %get3A_3 = arith.constant 0 : index
    %get3A_4 = vector.load %arg1[%get3A_2, %get3A_3] : memref<3200x128xf32, #tpu.memory_space<vmem>>, vector<3200x128xf32>
    %sub3A = arith.subf %get3A_1, %get3A_4 : vector<3200x128xf32>
    %mul3A = arith.mulf %sub3A, %sub3A : vector<3200x128xf32>
    %iota3A = tpu.iota {dimensions = array<i32: 0>} : vector<128x128xi32>
    %iota3A_5 = tpu.iota {dimensions = array<i32: 1>} : vector<128x128xi32>
    %jit3A = arith.constant 16 : i32
    %div3A = vector.broadcast %jit3A : i32 to vector<128x128xi32>
    %div3A_6 = arith.divsi %iota3A, %div3A : vector<128x128xi32>
    %sign3A = arith.constant 0 : i32
    %sign3A_7 = vector.broadcast %sign3A : i32 to vector<128x128xi32>
    %sign3A_8 = arith.cmpi sgt, %iota3A, %sign3A_7 : vector<128x128xi32>
    %sign3A_9 = arith.extui %sign3A_8 : vector<128x128xi1> to vector<128x128xi32>
    %sign3A_10 = arith.constant 0 : i32
    %sign3A_11 = vector.broadcast %sign3A_10 : i32 to vector<128x128xi32>
    %sign3A_12 = arith.cmpi slt, %iota3A, %sign3A_11 : vector<128x128xi32>
    %sign3A_13 = arith.extui %sign3A_12 : vector<128x128xi1> to vector<128x128xi32>
    %sign3A_14 = arith.subi %sign3A_9, %sign3A_13 : vector<128x128xi32>
    %sign3A_15 = arith.constant 0 : i32
    %sign3A_16 = arith.cmpi sgt, %jit3A, %sign3A_15 : i32
    %sign3A_17 = arith.extui %sign3A_16 : i1 to i32
    %sign3A_18 = arith.constant 0 : i32
    %sign3A_19 = arith.cmpi slt, %jit3A, %sign3A_18 : i32
    %sign3A_20 = arith.extui %sign3A_19 : i1 to i32
    %sign3A_21 = arith.subi %sign3A_17, %sign3A_20 : i32
    %ne3A = vector.broadcast %sign3A_21 : i32 to vector<128x128xi32>
    %ne3A_22 = arith.cmpi ne, %sign3A_14, %ne3A : vector<128x128xi32>
    %rem3A = vector.broadcast %jit3A : i32 to vector<128x128xi32>
    %rem3A_23 = arith.remsi %iota3A, %rem3A : vector<128x128xi32>
    %ne3A_24 = arith.constant 0 : i32
    %ne3A_25 = vector.broadcast %ne3A_24 : i32 to vector<128x128xi32>
    %ne3A_26 = arith.cmpi ne, %rem3A_23, %ne3A_25 : vector<128x128xi32>
    %and3A = arith.andi %ne3A_22, %ne3A_26 : vector<128x128xi1>
    %sub3A_27 = arith.constant 1 : i32
    %sub3A_28 = vector.broadcast %sub3A_27 : i32 to vector<128x128xi32>
    %sub3A_29 = arith.subi %div3A_6, %sub3A_28 : vector<128x128xi32>
    %select_n3A = arith.select %and3A, %sub3A_29, %div3A_6 : vector<128x128xi1>, vector<128x128xi32>
    %jit3A_30 = arith.constant 8 : i32
    %eq3A = arith.constant 0 : i32
    %eq3A_31 = arith.cmpi eq, %jit3A_30, %eq3A : i32
    %jit3A_32 = arith.constant 1 : i32
    %select_n3A_33 = arith.select %eq3A_31, %jit3A_32, %jit3A_30 : i32
    %rem3A_34 = vector.broadcast %select_n3A_33 : i32 to vector<128x128xi32>
    %rem3A_35 = arith.remsi %iota3A_5, %rem3A_34 : vector<128x128xi32>
    %ne3A_36 = arith.constant 0 : i32
    %ne3A_37 = vector.broadcast %ne3A_36 : i32 to vector<128x128xi32>
    %ne3A_38 = arith.cmpi ne, %rem3A_35, %ne3A_37 : vector<128x128xi32>
    %lt3A = arith.constant 0 : i32
    %lt3A_39 = vector.broadcast %lt3A : i32 to vector<128x128xi32>
    %lt3A_40 = arith.cmpi slt, %rem3A_35, %lt3A_39 : vector<128x128xi32>
    %lt3A_41 = arith.constant 0 : i32
    %lt3A_42 = arith.cmpi slt, %select_n3A_33, %lt3A_41 : i32
    %ne3A_43 = vector.broadcast %lt3A_42 : i1 to vector<128x128xi1>
    %ne3A_44 = vector.broadcast %ne3A_43 : vector<128x128xi1> to vector<128x128xi1>
    %ne3A_45 = arith.xori %lt3A_40, %ne3A_44 : vector<128x128xi1>
    %and3A_46 = arith.andi %ne3A_45, %ne3A_38 : vector<128x128xi1>
    %add3A = vector.broadcast %select_n3A_33 : i32 to vector<128x128xi32>
    %add3A_47 = arith.addi %rem3A_35, %add3A : vector<128x128xi32>
    %select_n3A_48 = arith.select %and3A_46, %add3A_47, %rem3A_35 : vector<128x128xi1>, vector<128x128xi32>
    %eq3A_49 = arith.cmpi eq, %select_n3A, %select_n3A_48 : vector<128x128xi32>
    %jit3A_50 = arith.constant 6.250000e-02 : f32
    %jit3A_51 = arith.constant 0.000000e+00 : f32
    %broadcast_in_dim3A = vector.broadcast %jit3A_50 : f32 to vector<128x128xf32>
    %broadcast_in_dim3A_52 = vector.broadcast %jit3A_51 : f32 to vector<128x128xf32>
    %select_n3A_53 = arith.select %eq3A_49, %broadcast_in_dim3A, %broadcast_in_dim3A_52 : vector<128x128xi1>, vector<128x128xf32>
    %dot_general3A = arith.constant dense<0.000000e+00> : vector<3200x128xf32>
    %dot_general3A_54 = tpu.matmul %mul3A, %select_n3A_53, %dot_general3A {dimension_numbers = #tpu.dot_dimension_numbers<[1], [0], [0], [1], [0, 0, 1, 1], [], []>, transpose_lhs_hint = false} : vector<3200x128xf32>, vector<128x128xf32>, vector<3200x128xf32> -> vector<3200x128xf32>
    %iota3A_55 = tpu.iota {dimensions = array<i32: 0>} : vector<16x128xi32>
    %iota3A_56 = tpu.iota {dimensions = array<i32: 1>} : vector<16x128xi32>
    %jit3A_57 = arith.constant 8 : i32
    %div3A_58 = vector.broadcast %jit3A_57 : i32 to vector<16x128xi32>
    %div3A_59 = arith.divsi %iota3A_56, %div3A_58 : vector<16x128xi32>
    %sign3A_60 = arith.constant 0 : i32
    %sign3A_61 = vector.broadcast %sign3A_60 : i32 to vector<16x128xi32>
    %sign3A_62 = arith.cmpi sgt, %iota3A_56, %sign3A_61 : vector<16x128xi32>
    %sign3A_63 = arith.extui %sign3A_62 : vector<16x128xi1> to vector<16x128xi32>
    %sign3A_64 = arith.constant 0 : i32
    %sign3A_65 = vector.broadcast %sign3A_64 : i32 to vector<16x128xi32>
    %sign3A_66 = arith.cmpi slt, %iota3A_56, %sign3A_65 : vector<16x128xi32>
    %sign3A_67 = arith.extui %sign3A_66 : vector<16x128xi1> to vector<16x128xi32>
    %sign3A_68 = arith.subi %sign3A_63, %sign3A_67 : vector<16x128xi32>
    %sign3A_69 = arith.constant 0 : i32
    %sign3A_70 = arith.cmpi sgt, %jit3A_57, %sign3A_69 : i32
    %sign3A_71 = arith.extui %sign3A_70 : i1 to i32
    %sign3A_72 = arith.constant 0 : i32
    %sign3A_73 = arith.cmpi slt, %jit3A_57, %sign3A_72 : i32
    %sign3A_74 = arith.extui %sign3A_73 : i1 to i32
    %sign3A_75 = arith.subi %sign3A_71, %sign3A_74 : i32
    %ne3A_76 = vector.broadcast %sign3A_75 : i32 to vector<16x128xi32>
    %ne3A_77 = arith.cmpi ne, %sign3A_68, %ne3A_76 : vector<16x128xi32>
    %rem3A_78 = vector.broadcast %jit3A_57 : i32 to vector<16x128xi32>
    %rem3A_79 = arith.remsi %iota3A_56, %rem3A_78 : vector<16x128xi32>
    %ne3A_80 = arith.constant 0 : i32
    %ne3A_81 = vector.broadcast %ne3A_80 : i32 to vector<16x128xi32>
    %ne3A_82 = arith.cmpi ne, %rem3A_79, %ne3A_81 : vector<16x128xi32>
    %and3A_83 = arith.andi %ne3A_77, %ne3A_82 : vector<16x128xi1>
    %sub3A_84 = arith.constant 1 : i32
    %sub3A_85 = vector.broadcast %sub3A_84 : i32 to vector<16x128xi32>
    %sub3A_86 = arith.subi %div3A_59, %sub3A_85 : vector<16x128xi32>
    %select_n3A_87 = arith.select %and3A_83, %sub3A_86, %div3A_59 : vector<16x128xi1>, vector<16x128xi32>
    %eq3A_88 = arith.cmpi eq, %iota3A_55, %select_n3A_87 : vector<16x128xi32>
    %convert_element_type3A = arith.extui %eq3A_88 : vector<16x128xi1> to vector<16x128xi32>
    %convert_element_type3A_89 = arith.sitofp %convert_element_type3A : vector<16x128xi32> to vector<16x128xf32>
    %reshape3A = vector.shape_cast %dot_general3A_54 : vector<3200x128xf32> to vector<200x16x128xf32>
    %broadcast_in_dim3A_90 = vector.shape_cast %convert_element_type3A_89 : vector<16x128xf32> to vector<1x16x128xf32>
    %mul3A_91 = vector.broadcast %broadcast_in_dim3A_90 : vector<1x16x128xf32> to vector<200x16x128xf32>
    %mul3A_92 = arith.mulf %reshape3A, %mul3A_91 : vector<200x16x128xf32>
    %reduce_sum3A = arith.constant dense<0.000000e+00> : vector<200x128xf32>
    %reduce_sum3A_93 = vector.multi_reduction <add>, %mul3A_92, %reduce_sum3A [1] : vector<200x16x128xf32> to vector<200x128xf32>
    %swap3A = arith.constant 0 : index
    %swap3A_94 = arith.constant 0 : index
    %swap3A_95 = vector.load %arg5[%swap3A, %swap3A_94] : memref<200x128xf32, #tpu.memory_space<vmem>>, vector<200x128xf32>
    tpu.vector_store %arg5[%swap3A, %swap3A_94], %reduce_sum3A_93 {strides = array<i32>} : memref<200x128xf32, #tpu.memory_space<vmem>>, vector<200x128xf32>,
    %get3A_96 = arith.constant 0 : index
    %get3A_97 = arith.constant 0 : index
    %get3A_98 = vector.load %arg4[%get3A_96, %get3A_97] : memref<200x128xf32, #tpu.memory_space<vmem>>, vector<200x128xf32>
    %get3A_99 = arith.constant 0 : index
    %get3A_100 = arith.constant 0 : index
    %get3A_101 = vector.load %arg3[%get3A_99, %get3A_100] : memref<200x128xf32, #tpu.memory_space<vmem>>, vector<200x128xf32>
    %sub3A_102 = arith.subf %get3A_98, %get3A_101 : vector<200x128xf32>
    %mul3A_103 = arith.mulf %sub3A_102, %sub3A_102 : vector<200x128xf32>
    %swap3A_104 = arith.constant 0 : index
    %swap3A_105 = arith.constant 0 : index
    %swap3A_106 = vector.load %arg6[%swap3A_104, %swap3A_105] : memref<200x128xf32, #tpu.memory_space<vmem>>, vector<200x128xf32>
    tpu.vector_store %arg6[%swap3A_104, %swap3A_105], %mul3A_103 {strides = array<i32>} : memref<200x128xf32, #tpu.memory_space<vmem>>, vector<200x128xf32>,
    return
  }
  func.func @transform_0(%arg0: i32) -> (i32, i32) {
    %c0_i32 = arith.constant 0 : i32
    %c0_i32_0 = arith.constant 0 : i32
    return %arg0, %c0_i32 : i32, i32
  }
  func.func @transform_1(%arg0: i32) -> (i32, i32) {
    %c0_i32 = arith.constant 0 : i32
    %c0_i32_0 = arith.constant 0 : i32
    return %arg0, %c0_i32 : i32, i32
  }
  func.func @transform_2(%arg0: i32) -> (i32, i32) {
    %c0_i32 = arith.constant 0 : i32
    %c0_i32_0 = arith.constant 0 : i32
    return %arg0, %c0_i32 : i32, i32
  }
  func.func @transform_3(%arg0: i32) -> (i32, i32) {
    %c0_i32 = arith.constant 0 : i32
    %c0_i32_0 = arith.constant 0 : i32
    return %arg0, %c0_i32 : i32, i32
  }
  func.func @transform_4(%arg0: i32) -> (i32, i32) {
    %c0_i32 = arith.constant 0 : i32
    %c0_i32_0 = arith.constant 0 : i32
    return %arg0, %c0_i32 : i32, i32
  }
  func.func @transform_5(%arg0: i32) -> (i32, i32) {
    %c0_i32 = arith.constant 0 : i32
    %c0_i32_0 = arith.constant 0 : i32
    return %arg0, %c0_i32 : i32, i32
  }
}

</mosaic_0001>

<sc_bundles>
// kernel: kernel.5.cloned.1.call-start
scs
__scs_entry_jumppad:
0x0: {  	(pc) =	sbr.rel $0x88, $3  }
0x1: {  	(tag) =	ssettag $0x0;
	lr =	simm.s32 $0x1  }
0x2: {  	[smem:$0x3F99] =	sst lr;
	_ =	strace $0xD0000000  }
0x3: {  	_ = 	snop  }
0x4: {  	_ = 	snop  }
0x5: {  	_ = 	snop  }
0x6: {  	_ = 	snop  }
0x7: {  	_ = 	snop  }
__scs_overlays_trampoline_lowered:
0x8: {  	[smem:$0x3FA8] =	sst s0  }
0x9: {  	[smem:$0x3FA9] =	sst s1  }
0xa: {  	[smem:$0x3FAA] =	sst s2  }
0xb: {  	[smem:$0x3FAB] =	sst s3  }
0xc: {  	[smem:$0x3FAC] =	sst s4  }
0xd: {  	[smem:$0x3FAD] =	sst s5  }
0xe: {  	[smem:$0x3FAE] =	sst s6  }
0xf: {  	[smem:$0x3FAF] =	sst s7  }
0x10: {  	[smem:$0x3FB0] =	sst s8  }
0x11: {  	[smem:$0x3FB1] =	sst s9;
	s0 =	simm.s32 @!p0 $0x0  }
0x12: {  	s1 =	sld [smem:$0x3F97];
	s0 =	simm.s32 @p0 $0x1  }
0x13: {  	[smem:$0x3FB2] =	sst s0;
	s0 =	simm.s32 @!p1 $0x0  }
0x14: {  	s2 =	sld [smem:$0x3F96];
	s0 =	simm.s32 @p1 $0x1  }
0x15: {  	[smem:$0x3FB3] =	sst s0;
	s0 =	simm.s32 @!p2 $0x0  }
0x16: {  	s3 =	sld [smem:$0x3FDB];
	s0 =	simm.s32 @p2 $0x1  }
0x17: {  	s4 =	simm.s32 $0x1BF5;
	[smem:$0x3FB5] =	sst s0  }
0x18: {  	s0 =	sld [smem:$0x3F98];
	_ =	swait.ge [sflag:s4], $0x0  }
0x19: {  	s7 =	sld [smem:$0x3F99]  }
0x1a: {  	s8 =	sadd.s32 $0xFFFFE003, lr  }
0x1b: {  	s9 =	sadd.s32 $0xFFFFFEF7, lr;
	s5 =	simm.s32 $0xFFFFFFFF;
	p2 =	slt.u32 s8, $0xFFFFF086  }
0x1c: {  	p1 =	slt.u32 s9, $0xF7A;
	s5 =	simm.s32 @!p2 $0x0  }
0x1d: {  	s5 =	simm.s32 @p1 $0x1;
	p0 =	seq.s32 s7, s2  }
0x1e: {  	s7 =	smul.u32 @!p0 $0xF7A, s2;
	p2 =	seq.s32 @!p0 s5, $0x0  }
0x1f: {  	s9 =	smul.u32 $0xF7A, s1;
	s8 =	simm.s32 @!p0 $0x1BF5;
	p2 =	por !p2, p0  }
0x20: {  	[sflag:s8] =	ssyncset.s32 @!p0 $0xFFFFF086;
	s6 =	sadd.s32 @!p0 s3, s7;
	s7 =	simm.s32 @!p0 $0x108  }
0x21: {  	s3 =	sadd.s32 s3, s9;
	s6 =	sadd.s32 @!p0 $0x88, s6;
	s7 =	simm.s32 @p2 $0x1082  }
0x22: {  	[simem:s7], [sflag:s8] =	dma.local @!p0 [hbm:s6], $0xF7A  }
0x23: {  	s9 =	sor.u32 $0xD0000000, s2;
	s6 =	simm.s32 $0x108;
	_ =	swait.ge @!p0 [sflag:s8], $0x0  }
0x24: {  	s3 =	sadd.s32 $0x88, s3;
	s6 =	simm.s32 @!p1 $0x1082;
	[sflag:s4] =	ssyncset.s32 $0xFFFFF086  }
0x25: {  	[simem:s6], [sflag:s4] =	dma.local [hbm:s3], $0xF7A  }
0x26: {  	[smem:$0x3F99] =	sst s1;
	(tag) =	ssettag s2;
	_ =	strace s9  }
0x27: {  	s1 =	sld [smem:$0x3FA9]  }
0x28: {  	s2 =	sld [smem:$0x3FAA]  }
0x29: {  	s4 =	sld [smem:$0x3FAC]  }
0x2a: {  	p0 =	seq.s32 s5, $0x0;
	s5 =	sld [smem:$0x3FAD]  }
0x2b: {  	s6 =	sld [smem:$0x3FAE]  }
0x2c: {  	s7 =	sld [smem:$0x3FAF]  }
0x2d: {  	s3 =	simm.s32 $0x108;
	s8 =	sld [smem:$0x3FB0]  }
0x2e: {  	s3 =	simm.s32 @!p0 $0x1082;
	s9 =	sld [smem:$0x3FB1]  }
0x2f: {  	lr =	sadd.s32 s0, s3;
	s0 =	sld [smem:$0x3FA8]  }
0x30: {  	s3 =	sld [smem:$0x3FAB]  }
0x31: {  	[smem:$0x3FB4] =	sst s10  }
0x32: {  	s10 =	sld [smem:$0x3FB2];
	_ =	sdelay $0x3  }
0x33: {  	p0 =	seq.s32 s10, $0x1;
	s10 =	sld [smem:$0x3FB4];
	_ =	sdelay $0x3  }
0x34: {  	[smem:$0x3FB4] =	sst s10  }
0x35: {  	s10 =	sld [smem:$0x3FB3];
	_ =	sdelay $0x3  }
0x36: {  	p1 =	seq.s32 s10, $0x1;
	s10 =	sld [smem:$0x3FB4];
	_ =	sdelay $0x3  }
0x37: {  	[smem:$0x3FB4] =	sst s10  }
0x38: {  	s10 =	sld [smem:$0x3FB5]  }
0x39: {  	_ = 	snop;
	(pc) =	sbr.ind lr, $3  }
0x3a: {  	_ = 	snop  }
0x3b: {  	_ = 	snop  }
0x3c: {  	p2 =	seq.s32 s10, $0x1;
	s10 =	sld [smem:$0x3FB4]  }
0x3d: {  	_ =	shalt  }
0x3e: {  	_ =	shalt  }
0x3f: {  	_ =	shalt  }
0x40: {  	_ =	shalt  }
0x41: {  	_ =	shalt  }
0x42: {  	_ =	shalt  }
0x43: {  	_ =	shalt  }
0x44: {  	_ =	shalt  }
0x45: {  	_ =	shalt  }
0x46: {  	_ =	shalt  }
0x47: {  	_ =	shalt  }
0x48: {  	_ =	shalt  }
0x49: {  	_ =	shalt  }
0x4a: {  	_ =	shalt  }
0x4b: {  	_ =	shalt  }
0x4c: {  	_ =	shalt  }
0x4d: {  	_ =	shalt  }
0x4e: {  	_ =	shalt  }
0x4f: {  	_ =	shalt  }
0x50: {  	_ =	shalt  }
0x51: {  	_ =	shalt  }
0x52: {  	_ =	shalt  }
0x53: {  	_ =	shalt  }
0x54: {  	_ =	shalt  }
0x55: {  	_ =	shalt  }
0x56: {  	_ =	shalt  }
0x57: {  	_ =	shalt  }
0x58: {  	_ =	shalt  }
0x59: {  	_ =	shalt  }
0x5a: {  	_ =	shalt  }
0x5b: {  	_ =	shalt  }
0x5c: {  	_ =	shalt  }
0x5d: {  	_ =	shalt  }
0x5e: {  	_ =	shalt  }
0x5f: {  	_ =	shalt  }
0x60: {  	_ =	shalt  }
0x61: {  	_ =	shalt  }
0x62: {  	_ =	shalt  }
0x63: {  	_ =	shalt  }
0x64: {  	_ =	shalt  }
0x65: {  	_ =	shalt  }
0x66: {  	_ =	shalt  }
0x67: {  	_ =	shalt  }
0x68: {  	_ =	shalt  }
0x69: {  	_ =	shalt  }
0x6a: {  	_ =	shalt  }
0x6b: {  	_ =	shalt  }
0x6c: {  	_ =	shalt  }
0x6d: {  	_ =	shalt  }
0x6e: {  	_ =	shalt  }
0x6f: {  	_ =	shalt  }
0x70: {  	_ =	shalt  }
0x71: {  	_ =	shalt  }
0x72: {  	_ =	shalt  }
0x73: {  	_ =	shalt  }
0x74: {  	_ =	shalt  }
0x75: {  	_ =	shalt  }
0x76: {  	_ =	shalt  }
0x77: {  	_ =	shalt  }
0x78: {  	_ =	shalt  }
0x79: {  	_ =	shalt  }
0x7a: {  	_ =	shalt  }
0x7b: {  	_ =	shalt  }
0x7c: {  	_ =	shalt  }
0x7d: {  	_ =	shalt  }
0x7e: {  	_ =	shalt  }
0x7f: {  	_ =	shalt  }
0x80: {  	_ =	shalt  }
0x81: {  	_ =	shalt  }
0x82: {  	_ =	shalt  }
0x83: {  	_ =	shalt  }
0x84: {  	_ =	shalt  }
0x85: {  	_ =	shalt  }
0x86: {  	_ =	shalt  }
0x87: {  	_ =	shalt  }
.Lfunc_end0:
.L_simem_size_0:
called_computation_lowered:
.L_overlay_start_0:
0x88: {  	s2 =	sld [smem:$0x3FD9]  }
0x89: {  	s3 =	sld [smem:$0x3FFE];
	_ =	sdelay $0x1  }
0x8a: {  	s1 =	srdreg.scid  }
0x8b: {  	s0 =	sand.u32 $0x1, s1  }
0x8c: {  	s17 =	sshll.u32 s0, $0xA;
	s2 =	sadd.s32 s3, s2  }
0x8d: {  	s2 =	sadd.s32 s2, s17  }
0x8e: {  	[smem:$0x3FC0] =	sst s2  }
0x8f: {  	_ = 	snop  }
0x90: {  	s2 =	sld [smem:$0x3FC7]  }
0x91: {  	s18 =	sld [smem:$0x3FC4];
	(tm) =	ssettm $0x1  }
0x92: {  	s4 =	sld [smem:$0x3FFB];
	_ =	sdelay $0x3  }
0x93: {  	_ =	strace s4  }
0x94: {  	s4 =	sld [smem:$0x3FFC];
	_ =	sdelay $0x3  }
0x95: {  	_ =	strace s4  }
0x96: {  	s4 =	sld [smem:$0x3FFD];
	_ =	sdelay $0x3  }
0x97: {  	_ =	strace s4  }
0x98: {  	_ =	strace $0x8FFFFFFF  }
0x99: {  	s19 =	sld [smem:$0x3FDB];
	_ =	sdelay $0x1  }
0x9a: {  	s5 =	simm.s32 $_scs_section_size  }
0x9b: {  	s6 =	simm.s32 $_size__tile_overlayer_lowered;
	s7 =	simm.s32 $_tile_overlayer_lowered  }
0x9c: {  	s22 =	simm.s32 $0x1BFF;
	s21 =	sshll.u32 s7, $0x1;
	s4 =	sadd.s32 s5, s19  }
0x9d: {  	s8 =	simm.s32 $0x0;
	s20 =	sshll.u32 s6, $0x1;
	s6 =	sadd.s32 s21, s4  }
0x9e: {  	[timem:s8], [sflag:s22] =	dma.local [hbm:s6], s20  }
0x9f: {  	_ =	swait.ge [sflag:s22], s20  }
0xa0: {  	s5 =	ssub.s32 $0x0, s20;
	[sflag:s22] =	ssyncset.done $0x0  }
0xa1: {  	[sflag:s22] =	ssyncadd.s32 s5;
	_ =	sdelay $0x1  }
0xa2: {  	s23 =	simm.s32 $0x1B8B  }
0xa3: {  	_ =	swait.ge [sflag:s23], $0x1  }
0xa4: {  	[sflag:s23] =	ssyncset.done $0x0  }
0xa5: {  	s25 =	simm.s32 $0x1B8E;
	s24 =	sld [smem:$0x3FFE];
	[sflag:s23] =	ssyncadd.s32 $0xFFFFFFFF  }
0xa6: {  	s26 =	simm.s32 $execute0_lowered;
	[smem:$0x3FD2] =	sst s25  }
0xa7: {  	s6 =	sshll.u32 s26, $0x1;
	_ =	strace $0x80000046;
	[dreg:$0x1] =	wrdreg $0xFFFFFFFF  }
0xa8: {  	s28 =	simm.s32 $_size_execute0_lowered;
	s4 =	sadd.s32 s4, s6;
	[dreg:$0x0] =	wrdreg $0x0  }
0xa9: {  	s6 =	sshll.u32 s28, $0x1;
	[dreg:$0x2] =	wrdreg s4  }
0xaa: {  	[dreg:$0x3] =	wrdreg s6  }
0xab: {  	[dreg:$0x4] =	wrdreg $0xC0  }
0xac: {  	_ =	task [dreg:s8], $0x5FFFF  }
0xad: {  	[dreg:$0x1] =	wrdreg $0xFFFFFFFF  }
0xae: {  	[dreg:$0x0] =	wrdreg $0x60  }
0xaf: {  	[dreg:$0x2] =	wrdreg s24  }
0xb0: {  	[dreg:$0x3] =	wrdreg s2  }
0xb1: {  	[dreg:$0x4] =	wrdreg s18  }
0xb2: {  	[dreg:$0x5] =	wrdreg $0x0  }
0xb3: {  	[dreg:$0x6] =	wrdreg $0x19000  }
0xb4: {  	[dreg:$0x7] =	wrdreg $0x32000  }
0xb5: {  	[dreg:$0x8] =	wrdreg $0x4B000  }
0xb6: {  	[dreg:$0x9] =	wrdreg $0x9  }
0xb7: {  	_ =	task.clear_ibuf [dreg:s8], $0xAFFFF;
	_ =	strace $0x90000046  }
0xb8: {  	s29 =	simm.s32 $0x9;
	_ =	strace $0x80000048  }
0xb9: {  	_ =	swait.ge [sflag:s29], $0x1  }
0xba: {  	[sflag:s29] =	ssyncadd.s32 $0xFFFFFFFF  }
0xbb: {  	_ =	strace $0x90000048  }
0xbc: {  	_ =	sfence  }
0xbd: {  	s30 =	sld [smem:$0x0];
	_ =	sdelay $0x2  }
0xbe: {  	s31 =	sshll.u32 s1, $0xD;
	s1 =	sshrl.u32 s1, $0x2  }
0xbf: {  	s3 =	sand.u32 $0x4000, s31;
	s1 =	sadd.s32 s1, s30  }
0xc0: {  	s0 =	sor.u32 s3, s0;
	s1 =	sshll.u32 s1, $0x11  }
0xc1: {  	s0 =	sor.u32 s1, s0  }
0xc2: {  	s0 =	sadd.s32 $0x8F2B, s0  }
0xc3: {  	[sflag:s0] =	ssyncadd.remote.s32 $0x1  }
0xc4: {  	_ =	sfence.sel $0xFFFF  }
0xc5: {  	[dreg:$0x0] =	wrdreg $0xFFFFFFFF;
	(pc) =	sbr.abs _section_cstart, $3  }
0xc6: {  	[dreg:$0x1] =	wrdreg $0xFFFFFFFF  }
0xc7: {  	_ =	task.clear_ibuf [dreg:s8], $0x2FFFF;
	_ =	strace $0x9FFFFFFF  }
0xc8: {  	(tm) =	ssettm $0x7FFFFFFF  }
0xc9: {  	_ =	shalt  }
tec
execute0_lowered:
.L_overlay_start_1:
0x0: {  	(tag) =	ssettag $0x1  }
0x1: {  	s2 =	rddreg [dreg:$0x0]  }
0x2: {  	s3 =	rddreg [dreg:$0x1]  }
0x3: {  	s9 =	rddreg [dreg:$0x2]  }
0x4: {  	s0 =	rddreg [dreg:$0x3]  }
0x5: {  	s1 =	rddreg [dreg:$0x4]  }
0x6: {  	s4 =	rddreg [dreg:$0x5];
	s17 =	stileid.u32  }
0x7: {  	s6 =	srdreg.scid;
	s8 =	smul.u32 $0x6400, s17  }
0x8: {  	s5 =	rddreg [dreg:$0x6];
	s13 =	smul.u32 $0x1900, s17  }
0x9: {  	s28 =	simm.s32 $0x6C00;
	s29 =	simm.s32 $0x6880;
	s14 =	smul.u32 $0xFFFFFCF0, s17  }
0xa: {  	s30 =	simm.s32 $0x6480;
	s10 =	sand.u32 $0x1, s6;
	s22 =	smul.u32 $0x3100, s17  }
0xb: {  	s31 =	simm.s32 $0x6900;
	s6 =	simm.s32 $0x0;
	s7 =	smul.u32 $0x64000, s10  }
0xc: {  	s23 =	sadd.s32 $0xC3800, s2;
	s25 =	sshll.u32 s17, $0x6;
	s16 =	smul.u32 $0xFFFFCF00, s10  }
0xd: {  	[smem:$0x7FF] =	sst s6;
	s11 =	ssub.s32 $0x2, s10;
	s10 =	smul.u32 $0x31000, s10  }
0xe: {  	_ =	strace $0x80000047;
	[dreg:$0x12] =	wrdreg s23;
	s18 =	sadd.s32 s13, s1  }
0xf: {  	s24 =	sshrl.u32 s11, $0x1;
	s26 =	sadd.s32 s13, s4;
	[dreg:$0x8] =	wrdreg s18  }
0x10: {  	s15 =	sadd.s32 s13, s0;
	s13 =	sadd.s32 s13, s5;
	[dreg:$0x9] =	wrdreg s26  }
0x11: {  	s8 =	sadd.s32 s8, s7;
	s11 =	ssub.s32 s11, s24;
	[dreg:$0xa] =	wrdreg s13  }
0x12: {  	s19 =	sadd.s32 s16, s14;
	s3 =	sadd.s32 s10, s3;
	s14 =	simm.s32 $0x6B00  }
0x13: {  	s16 =	simm.s32 $0x6B80;
	s8 =	sshrl.u32 s8, $0x3;
	s13 =	sadd.s32 $0x61A8, s19  }
0x14: {  	s11 =	smax.u32 s11, $0x1;
	s3 =	sadd.s32 s22, s3;
	s19 =	simm.s32 $0x1  }
0x15: {  	s12 =	sadd.s32 s8, s2;
	s8 =	sor.u32 $0x1C02, s25;
	s21 =	smin.u32 s13, $0x310  }
0x16: {  	[dreg:$0xf] =	wrdreg s11;
	s2 =	sadd.s32 s10, s2;
	s25 =	sadd.s32 s10, s9  }
0x17: {  	[dreg:$0x13] =	wrdreg s3;
	s3 =	simm.s32 $0x6980;
	s7 =	sadd.s32 $0xC3C00, s12  }
0x18: {  	s9 =	simm.s32 $0x6580;
	s18 =	sadd.s32 $0xC3C10, s12;
	[dreg:$0xb] =	wrdreg s7  }
0x19: {  	s10 =	simm.s32 $0x6A00;
	s20 =	sadd.s32 $0xC3C20, s12;
	[dreg:$0xc] =	wrdreg s18  }
0x1a: {  	s11 =	simm.s32 $0x6600;
	s12 =	sadd.s32 $0xC3C30, s12;
	[dreg:$0xd] =	wrdreg s20  }
0x1b: {  	s13 =	simm.s32 $0x6680;
	s23 =	sshll.u32 s21, $0x4;
	[dreg:$0xe] =	wrdreg s12  }
0x1c: {  	s24 =	sadd.s32 s22, s2;
	s2 =	sadd.s32 s22, s25;
	[dreg:$0x10] =	wrdreg s23  }
0x1d: {  	s25 =	simm.s32 $0x6800;
	s22 =	simm.s32 $0x6780;
	[dreg:$0x11] =	wrdreg s24  }
0x1e: {  	s26 =	sadd.s32 $0x61C00, s24;
	[dreg:$0x15] =	wrdreg s2;
	s20 =	sshrl.u32 s15, $0x3  }
0x1f: {  	s23 =	simm.s32 $0x2;
	s24 =	simm.s32 $0x6400;
	s2 =	simm.s32 $0x6500  }
0x20: {  	s12 =	simm.s32 $0x6A80;
	s15 =	simm.s32 $0x6700;
	[dreg:$0x14] =	wrdreg s26  }
0x21: {  	v0 =	vimm.f32 $1.000000000e+00;
	s7 =	simm.s32 $0x0;
	s26 =	simm.s32 $0x80;
	[dreg:$0x16] =	wrdreg s20  }
.LBB2_1:
0x22: {  	[dreg:$0x18] =	wrdreg s7  }
0x23: {  	s18 =	rddreg [dreg:$0x12]  }
0x24: {  	[spmem:s20], [sflag:s8] =	dma.local [hbm:s18], $0x320  }
0x25: {  	_ =	swait.ge [sflag:s23], $0x320  }
0x26: {  	s17 =	rddreg [dreg:$0x8]  }
0x27: {  	[sflag:s23] =	ssyncset.done $0x0;
	s17 =	sshrl.u32 s17, $0x3  }
0x28: {  	[sflag:s23] =	ssyncadd.s32 $0xFFFFFCE0;
	[dreg:$0x17] =	wrdreg s17  }
0x29: {  	[spmem:s17], [sflag:s8] =	dma.local [hbm:s18], $0x320  }
0x2a: {  	_ =	swait.ge [sflag:s23], $0x320  }
0x2b: {  	s20 =	rddreg [dreg:$0x9]  }
0x2c: {  	[sflag:s23] =	ssyncset.done $0x0;
	s17 =	sshrl.u32 s20, $0x3  }
0x2d: {  	[sflag:s23] =	ssyncadd.s32 $0xFFFFFCE0;
	[dreg:$0x19] =	wrdreg s17  }
0x2e: {  	[spmem:s17], [sflag:s8] =	dma.local [hbm:s18], $0x320  }
0x2f: {  	_ =	swait.ge [sflag:s23], $0x320  }
0x30: {  	s21 =	rddreg [dreg:$0xa]  }
0x31: {  	[sflag:s23] =	ssyncset.done $0x0;
	s17 =	sshrl.u32 s21, $0x3  }
0x32: {  	[sflag:s23] =	ssyncadd.s32 $0xFFFFFCE0;
	[dreg:$0x1a] =	wrdreg s17  }
0x33: {  	[spmem:s17], [sflag:s8] =	dma.local [hbm:s18], $0x320  }
0x34: {  	_ =	swait.ge [sflag:s23], $0x320  }
0x35: {  	[sflag:s23] =	ssyncset.done $0x0  }
0x36: {  	[sflag:s23] =	ssyncadd.s32 $0xFFFFFCE0  }
0x37: {  	[tilespmem:$0x6C00] =	vst v0  }
0x38: {  	[tilespmem:$0x6C10] =	vst v0  }
0x39: {  	[tilespmem:$0x6C20] =	vst v0  }
0x3a: {  	[tilespmem:$0x6C30] =	vst v0  }
0x3b: {  	[tilespmem:$0x6C40] =	vst v0  }
0x3c: {  	[tilespmem:$0x6C50] =	vst v0  }
0x3d: {  	[tilespmem:$0x6C60] =	vst v0  }
0x3e: {  	[tilespmem:$0x6C70] =	vst v0  }
0x3f: {  	[bflag:$0x0] =	sbarrier.arrive $0xFFFF  }
0x40: {  	s18 =	rddreg [dreg:$0x14]  }
0x41: {  	[tilespmem:s24], [sflag:$0x2] =	stream.linear.gather [hbm4b:s18+s6], $0x400, $0x38;
	[tilespmem:$0x6C80] =	vst v63  }
0x42: {  	_ =	swait.ge [sflag:s23], $0x400  }
0x43: {  	[sflag:s23] =	ssyncset.done $0x0  }
0x44: {  	s21 =	rddreg [dreg:$0x13];
	[sflag:s23] =	ssyncadd.s32 $0xFFFFFC00  }
0x45: {  	[tilespmem:s25], [sflag:$0x2] =	stream.linear.gather [hbm4b:s21+s6], $0x400, $0x38;
	[tilespmem:$0x6C80] =	vst v63  }
0x46: {  	_ =	swait.ge [sflag:s23], $0x400  }
0x47: {  	[sflag:s23] =	ssyncset.done $0x0  }
0x48: {  	[sflag:s23] =	ssyncadd.s32 $0xFFFFFC00  }
0x49: {  	[spmem:s0] =	stream.indirect.scatter.add.f32 [tilespmem:s24], [sflag:$0x1], $0x1, s25, s26, $0xb8;
	[tilespmem:$0x6C80] =	vst v63  }
0x4a: {  	_ = 	snop  }
0x4b: {  	[spmem:s1] =	stream.indirect.scatter.add.f32 [tilespmem:s28], [sflag:$0x1], $0x1, s25, s26, $0xb8;
	[tilespmem:$0x6C80] =	vst v63  }
0x4c: {  	_ = 	snop  }
0x4d: {  	[spmem:s0] =	stream.indirect.scatter.add.f32 [tilespmem:s30], [sflag:$0x1], $0x1, s29, s26, $0xb8;
	[tilespmem:$0x6C80] =	vst v63  }
0x4e: {  	_ = 	snop  }
0x4f: {  	[spmem:s1] =	stream.indirect.scatter.add.f32 [tilespmem:s28], [sflag:$0x1], $0x1, s29, s26, $0xb8;
	[tilespmem:$0x6C80] =	vst v63  }
0x50: {  	_ = 	snop  }
0x51: {  	[spmem:s0] =	stream.indirect.scatter.add.f32 [tilespmem:s2], [sflag:$0x1], $0x1, s31, s26, $0xb8;
	[tilespmem:$0x6C80] =	vst v63  }
0x52: {  	_ = 	snop  }
0x53: {  	[spmem:s1] =	stream.indirect.scatter.add.f32 [tilespmem:s28], [sflag:$0x1], $0x1, s31, s26, $0xb8;
	[tilespmem:$0x6C80] =	vst v63  }
0x54: {  	_ = 	snop  }
0x55: {  	[spmem:s0] =	stream.indirect.scatter.add.f32 [tilespmem:s9], [sflag:$0x1], $0x1, s3, s26, $0xb8;
	[tilespmem:$0x6C80] =	vst v63  }
0x56: {  	_ = 	snop  }
0x57: {  	[spmem:s1] =	stream.indirect.scatter.add.f32 [tilespmem:s28], [sflag:$0x1], $0x1, s3, s26, $0xb8;
	[tilespmem:$0x6C80] =	vst v63  }
0x58: {  	_ = 	snop  }
0x59: {  	[spmem:s0] =	stream.indirect.scatter.add.f32 [tilespmem:s11], [sflag:$0x1], $0x1, s10, s26, $0xb8;
	[tilespmem:$0x6C80] =	vst v63  }
0x5a: {  	_ = 	snop  }
0x5b: {  	[spmem:s1] =	stream.indirect.scatter.add.f32 [tilespmem:s28], [sflag:$0x1], $0x1, s10, s26, $0xb8;
	[tilespmem:$0x6C80] =	vst v63  }
0x5c: {  	_ = 	snop  }
0x5d: {  	[spmem:s0] =	stream.indirect.scatter.add.f32 [tilespmem:s13], [sflag:$0x1], $0x1, s12, s26, $0xb8;
	[tilespmem:$0x6C80] =	vst v63  }
0x5e: {  	_ = 	snop  }
0x5f: {  	[spmem:s1] =	stream.indirect.scatter.add.f32 [tilespmem:s28], [sflag:$0x1], $0x1, s12, s26, $0xb8;
	[tilespmem:$0x6C80] =	vst v63  }
0x60: {  	_ = 	snop  }
0x61: {  	[spmem:s0] =	stream.indirect.scatter.add.f32 [tilespmem:s15], [sflag:$0x1], $0x1, s14, s26, $0xb8;
	[tilespmem:$0x6C80] =	vst v63  }
0x62: {  	_ = 	snop  }
0x63: {  	[spmem:s1] =	stream.indirect.scatter.add.f32 [tilespmem:s28], [sflag:$0x1], $0x1, s14, s26, $0xb8;
	[tilespmem:$0x6C80] =	vst v63  }
0x64: {  	_ = 	snop  }
0x65: {  	[spmem:s0] =	stream.indirect.scatter.add.f32 [tilespmem:s22], [sflag:$0x1], $0x1, s16, s26, $0xb8;
	[tilespmem:$0x6C80] =	vst v63  }
0x66: {  	_ = 	snop  }
0x67: {  	[spmem:s1] =	stream.indirect.scatter.add.f32 [tilespmem:s28], [sflag:$0x1], $0x1, s16, s26, $0xb8;
	[tilespmem:$0x6C80] =	vst v63  }
0x68: {  	_ =	swait.ge [sflag:s19], $0x80  }
0x69: {  	[sflag:s19] =	ssyncset.done $0x0  }
0x6a: {  	[sflag:s19] =	ssyncadd.s32 $0xFFFFFF80  }
0x6b: {  	_ =	swait.ge [sflag:s19], $0x80  }
0x6c: {  	[sflag:s19] =	ssyncset.done $0x0  }
0x6d: {  	[sflag:s19] =	ssyncadd.s32 $0xFFFFFF80  }
0x6e: {  	_ =	swait.ge [sflag:s19], $0x80  }
0x6f: {  	[sflag:s19] =	ssyncset.done $0x0  }
0x70: {  	[sflag:s19] =	ssyncadd.s32 $0xFFFFFF80  }
0x71: {  	_ =	swait.ge [sflag:s19], $0x80  }
0x72: {  	[sflag:s19] =	ssyncset.done $0x0  }
0x73: {  	[sflag:s19] =	ssyncadd.s32 $0xFFFFFF80  }
0x74: {  	_ =	swait.ge [sflag:s19], $0x80  }
0x75: {  	[sflag:s19] =	ssyncset.done $0x0  }
0x76: {  	[sflag:s19] =	ssyncadd.s32 $0xFFFFFF80  }
0x77: {  	_ =	swait.ge [sflag:s19], $0x80  }
0x78: {  	[sflag:s19] =	ssyncset.done $0x0  }
0x79: {  	[sflag:s19] =	ssyncadd.s32 $0xFFFFFF80  }
0x7a: {  	_ =	swait.ge [sflag:s19], $0x80  }
0x7b: {  	[sflag:s19] =	ssyncset.done $0x0  }
0x7c: {  	[sflag:s19] =	ssyncadd.s32 $0xFFFFFF80  }
0x7d: {  	_ =	swait.ge [sflag:s19], $0x80  }
0x7e: {  	[sflag:s19] =	ssyncset.done $0x0  }
0x7f: {  	[sflag:s19] =	ssyncadd.s32 $0xFFFFFF80  }
0x80: {  	_ =	swait.ge [sflag:s19], $0x80  }
0x81: {  	[sflag:s19] =	ssyncset.done $0x0  }
0x82: {  	[sflag:s19] =	ssyncadd.s32 $0xFFFFFF80  }
0x83: {  	_ =	swait.ge [sflag:s19], $0x80  }
0x84: {  	[sflag:s19] =	ssyncset.done $0x0  }
0x85: {  	[sflag:s19] =	ssyncadd.s32 $0xFFFFFF80  }
0x86: {  	_ =	swait.ge [sflag:s19], $0x80  }
0x87: {  	[sflag:s19] =	ssyncset.done $0x0  }
0x88: {  	[sflag:s19] =	ssyncadd.s32 $0xFFFFFF80  }
0x89: {  	_ =	swait.ge [sflag:s19], $0x80  }
0x8a: {  	[sflag:s19] =	ssyncset.done $0x0  }
0x8b: {  	[sflag:s19] =	ssyncadd.s32 $0xFFFFFF80  }
0x8c: {  	_ =	swait.ge [sflag:s19], $0x80  }
0x8d: {  	[sflag:s19] =	ssyncset.done $0x0  }
0x8e: {  	[sflag:s19] =	ssyncadd.s32 $0xFFFFFF80  }
0x8f: {  	_ =	swait.ge [sflag:s19], $0x80  }
0x90: {  	[sflag:s19] =	ssyncset.done $0x0  }
0x91: {  	[sflag:s19] =	ssyncadd.s32 $0xFFFFFF80  }
0x92: {  	_ =	swait.ge [sflag:s19], $0x80  }
0x93: {  	s20 =	rddreg [dreg:$0x10]  }
0x94: {  	p0 =	sne.s32 s20, $0x80  }
.Ltmp0:
0x95: {  	_ = 	snop;
	(pc) =	sbr.rel @!p0 .LBB2_3-.Ltmp0, $4  }
0x96: {  	[sflag:s19] =	ssyncset.done $0x0  }
0x97: {  	[sflag:s19] =	ssyncadd.s32 $0xFFFFFF80  }
0x98: {  	_ =	swait.ge [sflag:s19], $0x80  }
0x99: {  	s17 =	smov.u32 s18;
	s20 =	sadd.s32 $0xFFFFFF80, s20;
	[sflag:s19] =	ssyncset.done $0x0  }
.LBB2_2:
0x9a: {  	[sflag:s19] =	ssyncadd.s32 $0xFFFFFF80;
	s21 =	sadd.s32 $0x80, s21;
	s17 =	sadd.s32 $0x80, s17  }
0x9b: {  	[tilespmem:s24], [sflag:$0x2] =	stream.linear.gather [hbm4b:s17+s6], $0x400, $0x38;
	[tilespmem:$0x6C80] =	vst v63  }
0x9c: {  	p1 =	sne.s32 s20, $0x80;
	s20 =	sadd.s32 $0xFFFFFF80, s20;
	_ =	swait.ge [sflag:s23], $0x400  }
0x9d: {  	[sflag:s23] =	ssyncset.done $0x0  }
0x9e: {  	[sflag:s23] =	ssyncadd.s32 $0xFFFFFC00  }
0x9f: {  	[tilespmem:s25], [sflag:$0x2] =	stream.linear.gather [hbm4b:s21+s6], $0x400, $0x38;
	[tilespmem:$0x6C80] =	vst v63  }
0xa0: {  	_ =	swait.ge [sflag:s23], $0x400  }
0xa1: {  	[sflag:s23] =	ssyncset.done $0x0  }
0xa2: {  	[sflag:s23] =	ssyncadd.s32 $0xFFFFFC00  }
0xa3: {  	[spmem:s0] =	stream.indirect.scatter.add.f32 [tilespmem:s24], [sflag:$0x1], $0x1, s25, s26, $0xb8;
	[tilespmem:$0x6C80] =	vst v63  }
0xa4: {  	_ = 	snop  }
0xa5: {  	[spmem:s1] =	stream.indirect.scatter.add.f32 [tilespmem:s28], [sflag:$0x1], $0x1, s25, s26, $0xb8;
	[tilespmem:$0x6C80] =	vst v63  }
0xa6: {  	_ = 	snop  }
0xa7: {  	[spmem:s0] =	stream.indirect.scatter.add.f32 [tilespmem:s30], [sflag:$0x1], $0x1, s29, s26, $0xb8;
	[tilespmem:$0x6C80] =	vst v63  }
0xa8: {  	_ = 	snop  }
0xa9: {  	[spmem:s1] =	stream.indirect.scatter.add.f32 [tilespmem:s28], [sflag:$0x1], $0x1, s29, s26, $0xb8;
	[tilespmem:$0x6C80] =	vst v63  }
0xaa: {  	_ = 	snop  }
0xab: {  	[spmem:s0] =	stream.indirect.scatter.add.f32 [tilespmem:s2], [sflag:$0x1], $0x1, s31, s26, $0xb8;
	[tilespmem:$0x6C80] =	vst v63  }
0xac: {  	_ = 	snop  }
0xad: {  	[spmem:s1] =	stream.indirect.scatter.add.f32 [tilespmem:s28], [sflag:$0x1], $0x1, s31, s26, $0xb8;
	[tilespmem:$0x6C80] =	vst v63  }
0xae: {  	_ = 	snop  }
0xaf: {  	[spmem:s0] =	stream.indirect.scatter.add.f32 [tilespmem:s9], [sflag:$0x1], $0x1, s3, s26, $0xb8;
	[tilespmem:$0x6C80] =	vst v63  }
0xb0: {  	_ = 	snop  }
0xb1: {  	[spmem:s1] =	stream.indirect.scatter.add.f32 [tilespmem:s28], [sflag:$0x1], $0x1, s3, s26, $0xb8;
	[tilespmem:$0x6C80] =	vst v63  }
0xb2: {  	_ = 	snop  }
0xb3: {  	[spmem:s0] =	stream.indirect.scatter.add.f32 [tilespmem:s11], [sflag:$0x1], $0x1, s10, s26, $0xb8;
	[tilespmem:$0x6C80] =	vst v63  }
0xb4: {  	_ = 	snop  }
0xb5: {  	[spmem:s1] =	stream.indirect.scatter.add.f32 [tilespmem:s28], [sflag:$0x1], $0x1, s10, s26, $0xb8;
	[tilespmem:$0x6C80] =	vst v63  }
0xb6: {  	_ = 	snop  }
0xb7: {  	[spmem:s0] =	stream.indirect.scatter.add.f32 [tilespmem:s13], [sflag:$0x1], $0x1, s12, s26, $0xb8;
	[tilespmem:$0x6C80] =	vst v63  }
0xb8: {  	_ = 	snop  }
0xb9: {  	[spmem:s1] =	stream.indirect.scatter.add.f32 [tilespmem:s28], [sflag:$0x1], $0x1, s12, s26, $0xb8;
	[tilespmem:$0x6C80] =	vst v63  }
0xba: {  	_ = 	snop  }
0xbb: {  	[spmem:s0] =	stream.indirect.scatter.add.f32 [tilespmem:s15], [sflag:$0x1], $0x1, s14, s26, $0xb8;
	[tilespmem:$0x6C80] =	vst v63  }
0xbc: {  	_ = 	snop  }
0xbd: {  	[spmem:s1] =	stream.indirect.scatter.add.f32 [tilespmem:s28], [sflag:$0x1], $0x1, s14, s26, $0xb8;
	[tilespmem:$0x6C80] =	vst v63  }
0xbe: {  	_ = 	snop  }
0xbf: {  	[spmem:s0] =	stream.indirect.scatter.add.f32 [tilespmem:s22], [sflag:$0x1], $0x1, s16, s26, $0xb8;
	[tilespmem:$0x6C80] =	vst v63  }
0xc0: {  	_ = 	snop  }
0xc1: {  	[spmem:s1] =	stream.indirect.scatter.add.f32 [tilespmem:s28], [sflag:$0x1], $0x1, s16, s26, $0xb8;
	[tilespmem:$0x6C80] =	vst v63  }
0xc2: {  	_ =	swait.ge [sflag:s19], $0x80  }
0xc3: {  	[sflag:s19] =	ssyncset.done $0x0  }
0xc4: {  	[sflag:s19] =	ssyncadd.s32 $0xFFFFFF80  }
0xc5: {  	_ =	swait.ge [sflag:s19], $0x80  }
0xc6: {  	[sflag:s19] =	ssyncset.done $0x0  }
0xc7: {  	[sflag:s19] =	ssyncadd.s32 $0xFFFFFF80  }
0xc8: {  	_ =	swait.ge [sflag:s19], $0x80  }
0xc9: {  	[sflag:s19] =	ssyncset.done $0x0  }
0xca: {  	[sflag:s19] =	ssyncadd.s32 $0xFFFFFF80  }
0xcb: {  	_ =	swait.ge [sflag:s19], $0x80  }
0xcc: {  	[sflag:s19] =	ssyncset.done $0x0  }
0xcd: {  	[sflag:s19] =	ssyncadd.s32 $0xFFFFFF80  }
0xce: {  	_ =	swait.ge [sflag:s19], $0x80  }
0xcf: {  	[sflag:s19] =	ssyncset.done $0x0  }
0xd0: {  	[sflag:s19] =	ssyncadd.s32 $0xFFFFFF80  }
0xd1: {  	_ =	swait.ge [sflag:s19], $0x80  }
0xd2: {  	[sflag:s19] =	ssyncset.done $0x0  }
0xd3: {  	[sflag:s19] =	ssyncadd.s32 $0xFFFFFF80  }
0xd4: {  	_ =	swait.ge [sflag:s19], $0x80  }
0xd5: {  	[sflag:s19] =	ssyncset.done $0x0  }
0xd6: {  	[sflag:s19] =	ssyncadd.s32 $0xFFFFFF80  }
0xd7: {  	_ =	swait.ge [sflag:s19], $0x80  }
0xd8: {  	[sflag:s19] =	ssyncset.done $0x0  }
0xd9: {  	[sflag:s19] =	ssyncadd.s32 $0xFFFFFF80  }
0xda: {  	_ =	swait.ge [sflag:s19], $0x80  }
0xdb: {  	[sflag:s19] =	ssyncset.done $0x0  }
0xdc: {  	[sflag:s19] =	ssyncadd.s32 $0xFFFFFF80  }
0xdd: {  	_ =	swait.ge [sflag:s19], $0x80  }
0xde: {  	[sflag:s19] =	ssyncset.done $0x0  }
0xdf: {  	[sflag:s19] =	ssyncadd.s32 $0xFFFFFF80  }
0xe0: {  	_ =	swait.ge [sflag:s19], $0x80  }
0xe1: {  	[sflag:s19] =	ssyncset.done $0x0  }
0xe2: {  	[sflag:s19] =	ssyncadd.s32 $0xFFFFFF80  }
0xe3: {  	_ =	swait.ge [sflag:s19], $0x80  }
0xe4: {  	[sflag:s19] =	ssyncset.done $0x0  }
0xe5: {  	[sflag:s19] =	ssyncadd.s32 $0xFFFFFF80  }
0xe6: {  	_ =	swait.ge [sflag:s19], $0x80  }
0xe7: {  	[sflag:s19] =	ssyncset.done $0x0  }
0xe8: {  	[sflag:s19] =	ssyncadd.s32 $0xFFFFFF80  }
0xe9: {  	_ =	swait.ge [sflag:s19], $0x80  }
0xea: {  	[sflag:s19] =	ssyncset.done $0x0  }
0xeb: {  	[sflag:s19] =	ssyncadd.s32 $0xFFFFFF80  }
.Ltmp1:
0xec: {  	_ =	swait.ge [sflag:s19], $0x80;
	(pc) =	sbr.rel @p1 .LBB2_2-.Ltmp1, $4  }
0xed: {  	[sflag:s19] =	ssyncset.done $0x0  }
0xee: {  	[sflag:s19] =	ssyncadd.s32 $0xFFFFFF80  }
0xef: {  	_ =	swait.ge [sflag:s19], $0x80  }
0xf0: {  	[sflag:s19] =	ssyncset.done $0x0  }
.LBB2_3:
0xf1: {  	[sflag:s19] =	ssyncadd.s32 $0xFFFFFF80;
	s7 =	rddreg [dreg:$0x11]  }
0xf2: {  	[tilespmem:s24], [sflag:$0x2] =	stream.linear.gather [hbm4b:s7+s6], $0x400, $0x38;
	[tilespmem:$0x6C80] =	vst v63  }
0xf3: {  	_ =	swait.ge [sflag:s23], $0x400  }
0xf4: {  	[sflag:s23] =	ssyncset.done $0x0  }
0xf5: {  	s21 =	rddreg [dreg:$0x15];
	[sflag:s23] =	ssyncadd.s32 $0xFFFFFC00  }
0xf6: {  	[tilespmem:s25], [sflag:$0x2] =	stream.linear.gather [hbm4b:s21+s6], $0x400, $0x38;
	[tilespmem:$0x6C80] =	vst v63  }
0xf7: {  	_ =	swait.ge [sflag:s23], $0x400  }
0xf8: {  	[sflag:s23] =	ssyncset.done $0x0  }
0xf9: {  	[sflag:s23] =	ssyncadd.s32 $0xFFFFFC00  }
0xfa: {  	[spmem:s4] =	stream.indirect.scatter.add.f32 [tilespmem:s24], [sflag:$0x1], $0x1, s25, s26, $0xb8;
	[tilespmem:$0x6C80] =	vst v63  }
0xfb: {  	_ = 	snop  }
0xfc: {  	[spmem:s5] =	stream.indirect.scatter.add.f32 [tilespmem:s28], [sflag:$0x1], $0x1, s25, s26, $0xb8;
	[tilespmem:$0x6C80] =	vst v63  }
0xfd: {  	_ = 	snop  }
0xfe: {  	[spmem:s4] =	stream.indirect.scatter.add.f32 [tilespmem:s30], [sflag:$0x1], $0x1, s29, s26, $0xb8;
	[tilespmem:$0x6C80] =	vst v63  }
0xff: {  	_ = 	snop  }
0x100: {  	[spmem:s5] =	stream.indirect.scatter.add.f32 [tilespmem:s28], [sflag:$0x1], $0x1, s29, s26, $0xb8;
	[tilespmem:$0x6C80] =	vst v63  }
0x101: {  	_ = 	snop  }
0x102: {  	[spmem:s4] =	stream.indirect.scatter.add.f32 [tilespmem:s2], [sflag:$0x1], $0x1, s31, s26, $0xb8;
	[tilespmem:$0x6C80] =	vst v63  }
0x103: {  	_ = 	snop  }
0x104: {  	[spmem:s5] =	stream.indirect.scatter.add.f32 [tilespmem:s28], [sflag:$0x1], $0x1, s31, s26, $0xb8;
	[tilespmem:$0x6C80] =	vst v63  }
0x105: {  	_ = 	snop  }
0x106: {  	[spmem:s4] =	stream.indirect.scatter.add.f32 [tilespmem:s9], [sflag:$0x1], $0x1, s3, s26, $0xb8;
	[tilespmem:$0x6C80] =	vst v63  }
0x107: {  	_ = 	snop  }
0x108: {  	[spmem:s5] =	stream.indirect.scatter.add.f32 [tilespmem:s28], [sflag:$0x1], $0x1, s3, s26, $0xb8;
	[tilespmem:$0x6C80] =	vst v63  }
0x109: {  	_ = 	snop  }
0x10a: {  	[spmem:s4] =	stream.indirect.scatter.add.f32 [tilespmem:s11], [sflag:$0x1], $0x1, s10, s26, $0xb8;
	[tilespmem:$0x6C80] =	vst v63  }
0x10b: {  	_ = 	snop  }
0x10c: {  	[spmem:s5] =	stream.indirect.scatter.add.f32 [tilespmem:s28], [sflag:$0x1], $0x1, s10, s26, $0xb8;
	[tilespmem:$0x6C80] =	vst v63  }
0x10d: {  	_ = 	snop  }
0x10e: {  	[spmem:s4] =	stream.indirect.scatter.add.f32 [tilespmem:s13], [sflag:$0x1], $0x1, s12, s26, $0xb8;
	[tilespmem:$0x6C80] =	vst v63  }
0x10f: {  	_ = 	snop  }
0x110: {  	[spmem:s5] =	stream.indirect.scatter.add.f32 [tilespmem:s28], [sflag:$0x1], $0x1, s12, s26, $0xb8;
	[tilespmem:$0x6C80] =	vst v63  }
0x111: {  	_ = 	snop  }
0x112: {  	[spmem:s4] =	stream.indirect.scatter.add.f32 [tilespmem:s15], [sflag:$0x1], $0x1, s14, s26, $0xb8;
	[tilespmem:$0x6C80] =	vst v63  }
0x113: {  	_ = 	snop  }
0x114: {  	[spmem:s5] =	stream.indirect.scatter.add.f32 [tilespmem:s28], [sflag:$0x1], $0x1, s14, s26, $0xb8;
	[tilespmem:$0x6C80] =	vst v63  }
0x115: {  	_ = 	snop  }
0x116: {  	[spmem:s4] =	stream.indirect.scatter.add.f32 [tilespmem:s22], [sflag:$0x1], $0x1, s16, s26, $0xb8;
	[tilespmem:$0x6C80] =	vst v63  }
0x117: {  	_ = 	snop  }
0x118: {  	[spmem:s5] =	stream.indirect.scatter.add.f32 [tilespmem:s28], [sflag:$0x1], $0x1, s16, s26, $0xb8;
	[tilespmem:$0x6C80] =	vst v63  }
0x119: {  	_ =	swait.ge [sflag:s19], $0x80  }
0x11a: {  	[sflag:s19] =	ssyncset.done $0x0  }
0x11b: {  	[sflag:s19] =	ssyncadd.s32 $0xFFFFFF80  }
0x11c: {  	_ =	swait.ge [sflag:s19], $0x80  }
0x11d: {  	[sflag:s19] =	ssyncset.done $0x0  }
0x11e: {  	[sflag:s19] =	ssyncadd.s32 $0xFFFFFF80  }
0x11f: {  	_ =	swait.ge [sflag:s19], $0x80  }
0x120: {  	[sflag:s19] =	ssyncset.done $0x0  }
0x121: {  	[sflag:s19] =	ssyncadd.s32 $0xFFFFFF80  }
0x122: {  	_ =	swait.ge [sflag:s19], $0x80  }
0x123: {  	[sflag:s19] =	ssyncset.done $0x0  }
0x124: {  	[sflag:s19] =	ssyncadd.s32 $0xFFFFFF80  }
0x125: {  	_ =	swait.ge [sflag:s19], $0x80  }
0x126: {  	[sflag:s19] =	ssyncset.done $0x0  }
0x127: {  	[sflag:s19] =	ssyncadd.s32 $0xFFFFFF80  }
0x128: {  	_ =	swait.ge [sflag:s19], $0x80  }
0x129: {  	[sflag:s19] =	ssyncset.done $0x0  }
0x12a: {  	[sflag:s19] =	ssyncadd.s32 $0xFFFFFF80  }
0x12b: {  	_ =	swait.ge [sflag:s19], $0x80  }
0x12c: {  	[sflag:s19] =	ssyncset.done $0x0  }
0x12d: {  	[sflag:s19] =	ssyncadd.s32 $0xFFFFFF80  }
0x12e: {  	_ =	swait.ge [sflag:s19], $0x80  }
0x12f: {  	[sflag:s19] =	ssyncset.done $0x0  }
0x130: {  	[sflag:s19] =	ssyncadd.s32 $0xFFFFFF80  }
0x131: {  	_ =	swait.ge [sflag:s19], $0x80  }
0x132: {  	[sflag:s19] =	ssyncset.done $0x0  }
0x133: {  	[sflag:s19] =	ssyncadd.s32 $0xFFFFFF80  }
0x134: {  	_ =	swait.ge [sflag:s19], $0x80  }
0x135: {  	[sflag:s19] =	ssyncset.done $0x0  }
0x136: {  	[sflag:s19] =	ssyncadd.s32 $0xFFFFFF80  }
0x137: {  	_ =	swait.ge [sflag:s19], $0x80  }
0x138: {  	[sflag:s19] =	ssyncset.done $0x0  }
0x139: {  	[sflag:s19] =	ssyncadd.s32 $0xFFFFFF80  }
0x13a: {  	_ =	swait.ge [sflag:s19], $0x80  }
0x13b: {  	[sflag:s19] =	ssyncset.done $0x0  }
0x13c: {  	[sflag:s19] =	ssyncadd.s32 $0xFFFFFF80  }
0x13d: {  	_ =	swait.ge [sflag:s19], $0x80  }
0x13e: {  	[sflag:s19] =	ssyncset.done $0x0  }
0x13f: {  	[sflag:s19] =	ssyncadd.s32 $0xFFFFFF80  }
0x140: {  	_ =	swait.ge [sflag:s19], $0x80  }
0x141: {  	[sflag:s19] =	ssyncset.done $0x0  }
0x142: {  	[sflag:s19] =	ssyncadd.s32 $0xFFFFFF80  }
0x143: {  	_ =	swait.ge [sflag:s19], $0x80  }
.Ltmp2:
0x144: {  	[sflag:s19] =	ssyncset.done $0x0;
	(pc) =	sbr.rel @!p0 .LBB2_5-.Ltmp2, $4  }
0x145: {  	[sflag:s19] =	ssyncadd.s32 $0xFFFFFF80  }
0x146: {  	_ =	swait.ge [sflag:s19], $0x80  }
0x147: {  	s17 =	rddreg [dreg:$0x10]  }
0x148: {  	[sflag:s19] =	ssyncset.done $0x0;
	s20 =	sadd.s32 $0xFFFFFF80, s17  }
.LBB2_4:
0x149: {  	[sflag:s19] =	ssyncadd.s32 $0xFFFFFF80;
	s21 =	sadd.s32 $0x80, s21;
	s7 =	sadd.s32 $0x80, s7  }
0x14a: {  	[tilespmem:s24], [sflag:$0x2] =	stream.linear.gather [hbm4b:s7+s6], $0x400, $0x38;
	[tilespmem:$0x6C80] =	vst v63  }
0x14b: {  	p0 =	sne.s32 s20, $0x80;
	s20 =	sadd.s32 $0xFFFFFF80, s20;
	_ =	swait.ge [sflag:s23], $0x400  }
0x14c: {  	[sflag:s23] =	ssyncset.done $0x0  }
0x14d: {  	[sflag:s23] =	ssyncadd.s32 $0xFFFFFC00  }
0x14e: {  	[tilespmem:s25], [sflag:$0x2] =	stream.linear.gather [hbm4b:s21+s6], $0x400, $0x38;
	[tilespmem:$0x6C80] =	vst v63  }
0x14f: {  	_ =	swait.ge [sflag:s23], $0x400  }
0x150: {  	[sflag:s23] =	ssyncset.done $0x0  }
0x151: {  	[sflag:s23] =	ssyncadd.s32 $0xFFFFFC00  }
0x152: {  	[spmem:s4] =	stream.indirect.scatter.add.f32 [tilespmem:s24], [sflag:$0x1], $0x1, s25, s26, $0xb8;
	[tilespmem:$0x6C80] =	vst v63  }
0x153: {  	_ = 	snop  }
0x154: {  	[spmem:s5] =	stream.indirect.scatter.add.f32 [tilespmem:s28], [sflag:$0x1], $0x1, s25, s26, $0xb8;
	[tilespmem:$0x6C80] =	vst v63  }
0x155: {  	_ = 	snop  }
0x156: {  	[spmem:s4] =	stream.indirect.scatter.add.f32 [tilespmem:s30], [sflag:$0x1], $0x1, s29, s26, $0xb8;
	[tilespmem:$0x6C80] =	vst v63  }
0x157: {  	_ = 	snop  }
0x158: {  	[spmem:s5] =	stream.indirect.scatter.add.f32 [tilespmem:s28], [sflag:$0x1], $0x1, s29, s26, $0xb8;
	[tilespmem:$0x6C80] =	vst v63  }
0x159: {  	_ = 	snop  }
0x15a: {  	[spmem:s4] =	stream.indirect.scatter.add.f32 [tilespmem:s2], [sflag:$0x1], $0x1, s31, s26, $0xb8;
	[tilespmem:$0x6C80] =	vst v63  }
0x15b: {  	_ = 	snop  }
0x15c: {  	[spmem:s5] =	stream.indirect.scatter.add.f32 [tilespmem:s28], [sflag:$0x1], $0x1, s31, s26, $0xb8;
	[tilespmem:$0x6C80] =	vst v63  }
0x15d: {  	_ = 	snop  }
0x15e: {  	[spmem:s4] =	stream.indirect.scatter.add.f32 [tilespmem:s9], [sflag:$0x1], $0x1, s3, s26, $0xb8;
	[tilespmem:$0x6C80] =	vst v63  }
0x15f: {  	_ = 	snop  }
0x160: {  	[spmem:s5] =	stream.indirect.scatter.add.f32 [tilespmem:s28], [sflag:$0x1], $0x1, s3, s26, $0xb8;
	[tilespmem:$0x6C80] =	vst v63  }
0x161: {  	_ = 	snop  }
0x162: {  	[spmem:s4] =	stream.indirect.scatter.add.f32 [tilespmem:s11], [sflag:$0x1], $0x1, s10, s26, $0xb8;
	[tilespmem:$0x6C80] =	vst v63  }
0x163: {  	_ = 	snop  }
0x164: {  	[spmem:s5] =	stream.indirect.scatter.add.f32 [tilespmem:s28], [sflag:$0x1], $0x1, s10, s26, $0xb8;
	[tilespmem:$0x6C80] =	vst v63  }
0x165: {  	_ = 	snop  }
0x166: {  	[spmem:s4] =	stream.indirect.scatter.add.f32 [tilespmem:s13], [sflag:$0x1], $0x1, s12, s26, $0xb8;
	[tilespmem:$0x6C80] =	vst v63  }
0x167: {  	_ = 	snop  }
0x168: {  	[spmem:s5] =	stream.indirect.scatter.add.f32 [tilespmem:s28], [sflag:$0x1], $0x1, s12, s26, $0xb8;
	[tilespmem:$0x6C80] =	vst v63  }
0x169: {  	_ = 	snop  }
0x16a: {  	[spmem:s4] =	stream.indirect.scatter.add.f32 [tilespmem:s15], [sflag:$0x1], $0x1, s14, s26, $0xb8;
	[tilespmem:$0x6C80] =	vst v63  }
0x16b: {  	_ = 	snop  }
0x16c: {  	[spmem:s5] =	stream.indirect.scatter.add.f32 [tilespmem:s28], [sflag:$0x1], $0x1, s14, s26, $0xb8;
	[tilespmem:$0x6C80] =	vst v63  }
0x16d: {  	_ = 	snop  }
0x16e: {  	[spmem:s4] =	stream.indirect.scatter.add.f32 [tilespmem:s22], [sflag:$0x1], $0x1, s16, s26, $0xb8;
	[tilespmem:$0x6C80] =	vst v63  }
0x16f: {  	_ = 	snop  }
0x170: {  	[spmem:s5] =	stream.indirect.scatter.add.f32 [tilespmem:s28], [sflag:$0x1], $0x1, s16, s26, $0xb8;
	[tilespmem:$0x6C80] =	vst v63  }
0x171: {  	_ =	swait.ge [sflag:s19], $0x80  }
0x172: {  	[sflag:s19] =	ssyncset.done $0x0  }
0x173: {  	[sflag:s19] =	ssyncadd.s32 $0xFFFFFF80  }
0x174: {  	_ =	swait.ge [sflag:s19], $0x80  }
0x175: {  	[sflag:s19] =	ssyncset.done $0x0  }
0x176: {  	[sflag:s19] =	ssyncadd.s32 $0xFFFFFF80  }
0x177: {  	_ =	swait.ge [sflag:s19], $0x80  }
0x178: {  	[sflag:s19] =	ssyncset.done $0x0  }
0x179: {  	[sflag:s19] =	ssyncadd.s32 $0xFFFFFF80  }
0x17a: {  	_ =	swait.ge [sflag:s19], $0x80  }
0x17b: {  	[sflag:s19] =	ssyncset.done $0x0  }
0x17c: {  	[sflag:s19] =	ssyncadd.s32 $0xFFFFFF80  }
0x17d: {  	_ =	swait.ge [sflag:s19], $0x80  }
0x17e: {  	[sflag:s19] =	ssyncset.done $0x0  }
0x17f: {  	[sflag:s19] =	ssyncadd.s32 $0xFFFFFF80  }
0x180: {  	_ =	swait.ge [sflag:s19], $0x80  }
0x181: {  	[sflag:s19] =	ssyncset.done $0x0  }
0x182: {  	[sflag:s19] =	ssyncadd.s32 $0xFFFFFF80  }
0x183: {  	_ =	swait.ge [sflag:s19], $0x80  }
0x184: {  	[sflag:s19] =	ssyncset.done $0x0  }
0x185: {  	[sflag:s19] =	ssyncadd.s32 $0xFFFFFF80  }
0x186: {  	_ =	swait.ge [sflag:s19], $0x80  }
0x187: {  	[sflag:s19] =	ssyncset.done $0x0  }
0x188: {  	[sflag:s19] =	ssyncadd.s32 $0xFFFFFF80  }
0x189: {  	_ =	swait.ge [sflag:s19], $0x80  }
0x18a: {  	[sflag:s19] =	ssyncset.done $0x0  }
0x18b: {  	[sflag:s19] =	ssyncadd.s32 $0xFFFFFF80  }
0x18c: {  	_ =	swait.ge [sflag:s19], $0x80  }
0x18d: {  	[sflag:s19] =	ssyncset.done $0x0  }
0x18e: {  	[sflag:s19] =	ssyncadd.s32 $0xFFFFFF80  }
0x18f: {  	_ =	swait.ge [sflag:s19], $0x80  }
0x190: {  	[sflag:s19] =	ssyncset.done $0x0  }
0x191: {  	[sflag:s19] =	ssyncadd.s32 $0xFFFFFF80  }
0x192: {  	_ =	swait.ge [sflag:s19], $0x80  }
0x193: {  	[sflag:s19] =	ssyncset.done $0x0  }
0x194: {  	[sflag:s19] =	ssyncadd.s32 $0xFFFFFF80  }
0x195: {  	_ =	swait.ge [sflag:s19], $0x80  }
0x196: {  	[sflag:s19] =	ssyncset.done $0x0  }
0x197: {  	[sflag:s19] =	ssyncadd.s32 $0xFFFFFF80  }
0x198: {  	_ =	swait.ge [sflag:s19], $0x80  }
0x199: {  	[sflag:s19] =	ssyncset.done $0x0  }
0x19a: {  	[sflag:s19] =	ssyncadd.s32 $0xFFFFFF80  }
.Ltmp3:
0x19b: {  	_ =	swait.ge [sflag:s19], $0x80;
	(pc) =	sbr.rel @p0 .LBB2_4-.Ltmp3, $4  }
0x19c: {  	[sflag:s19] =	ssyncset.done $0x0  }
0x19d: {  	[sflag:s19] =	ssyncadd.s32 $0xFFFFFF80  }
0x19e: {  	_ =	swait.ge [sflag:s19], $0x80  }
0x19f: {  	[sflag:s19] =	ssyncset.done $0x0  }
.LBB2_5:
0x1a0: {  	[sflag:s19] =	ssyncadd.s32 $0xFFFFFF80  }
0x1a1: {  	[bflag:$0x0] =	sbarrier.arrive $0xFFFF  }
0x1a2: {  	s17 =	rddreg [dreg:$0xb]  }
0x1a3: {  	s7 =	simm.s32 $0x40;
	s21 =	simm.s32 $0x10;
	s20 =	rddreg [dreg:$0x16]  }
0x1a4: {  	[hbm:s17@s7], [sflag:s8] =	dma.strided [spmem:s20@s21], $0x320, s19, $0x10   }
0x1a5: {  	_ =	swait.ge [sflag:s23], $0x320  }
0x1a6: {  	[sflag:s23] =	ssyncset.done $0x0;
	s17 =	rddreg [dreg:$0xc]  }
0x1a7: {  	s18 =	rddreg [dreg:$0x17];
	[sflag:s23] =	ssyncadd.s32 $0xFFFFFCE0  }
0x1a8: {  	[hbm:s17@s7], [sflag:s8] =	dma.strided [spmem:s18@s21], $0x320, s19, $0x10   }
0x1a9: {  	_ =	swait.ge [sflag:s23], $0x320  }
0x1aa: {  	[sflag:s23] =	ssyncset.done $0x0;
	s17 =	rddreg [dreg:$0xd]  }
0x1ab: {  	s18 =	rddreg [dreg:$0x19];
	[sflag:s23] =	ssyncadd.s32 $0xFFFFFCE0  }
0x1ac: {  	[hbm:s17@s7], [sflag:s8] =	dma.strided [spmem:s18@s21], $0x320, s19, $0x10   }
0x1ad: {  	_ =	swait.ge [sflag:s23], $0x320  }
0x1ae: {  	[sflag:s23] =	ssyncset.done $0x0;
	s17 =	rddreg [dreg:$0xe]  }
0x1af: {  	s18 =	rddreg [dreg:$0x1a];
	[sflag:s23] =	ssyncadd.s32 $0xFFFFFCE0  }
0x1b0: {  	[hbm:s17@s7], [sflag:s8] =	dma.strided [spmem:s18@s21], $0x320, s19, $0x10   }
0x1b1: {  	_ =	swait.ge [sflag:s23], $0x320  }
0x1b2: {  	s18 =	rddreg [dreg:$0x18]  }
0x1b3: {  	s21 =	rddreg [dreg:$0xf];
	s7 =	sadd.s32 $0x1, s18  }
0x1b4: {  	p0 =	sne.s32 s7, s21  }
.Ltmp4:
0x1b5: {  	_ = 	snop;
	(pc) =	sbr.rel @p0 .LBB2_1-.Ltmp4, $3  }
0x1b6: {  	_ =	sdelay $0x1  }
0x1b7: {  	[sflag:s23] =	ssyncset.done $0x0  }
0x1b8: {  	[sflag:s23] =	ssyncadd.s32 $0xFFFFFCE0  }
0x1b9: {  	_ =	sfence.sel $0x180000  }
0x1ba: {  	[bflag:$0x0] =	sbarrier.arrive $0xFFFF  }
0x1bb: {  	_ =	strace $0x90000047  }
0x1bc: {  	s0 =	stileid.u32;
	[bflag:$0x2] =	sbarrier.arrive $0xFFFF  }
0x1bd: {  	p0 =	sne.s32 s0, $0x0;
	s0 =	rddreg [dreg:$0x7]  }
0x1be: {  	s0 =	sadd.s32 @!p0 $0x100000, s0  }
0x1bf: {  	[sflag:s0] =	ssyncadd.tile.s32 @!p0 $0x1;
	_ =	shalt  }
.Lfunc_end2:
_tile_overlayer_lowered:
.L_overlay_start_2:
0x1c0: {  	(tag) =	ssettag $0x2  }
0x1c1: {  	s0 =	rddreg [dreg:$0x0];
	s2 =	stileid.u32  }
0x1c2: {  	s1 =	rddreg [dreg:$0x1];
	p0 =	sne.s32 s2, $0x0  }
0x1c3: {  	s3 =	rddreg [dreg:$0x2];
	[bflag:$0x3] =	sbarrier.arrive $0xFFFF;
	s2 =	simm.s32 @!p0 $0x1C02  }
0x1c4: {  	[timem:s3], [sflag:s2] =	dma.local @!p0 [hbm:s0], s1  }
0x1c5: {  	s0 =	simm.s32 @!p0 $0x2  }
0x1c6: {  	_ =	swait.ge @!p0 [sflag:s0], s1  }
0x1c7: {  	s1 =	ssub.s32 @!p0 $0x0, s1;
	[sflag:s0] =	ssyncset.done @!p0 $0x0  }
0x1c8: {  	[sflag:s0] =	ssyncadd.s32 @!p0 s1  }
0x1c9: {  	[bflag:$0x3] =	sbarrier.arrive $0xFFFF  }
0x1ca: {  	_ =	shalt  }

// kernel: kernel.8.cloned.1.call-start
scs
__scs_entry_jumppad:
0x0: {  	(pc) =	sbr.rel $0x88, $3  }
0x1: {  	(tag) =	ssettag $0x0;
	lr =	simm.s32 $0x1  }
0x2: {  	[smem:$0x3F99] =	sst lr;
	_ =	strace $0xD0000000  }
0x3: {  	_ = 	snop  }
0x4: {  	_ = 	snop  }
0x5: {  	_ = 	snop  }
0x6: {  	_ = 	snop  }
0x7: {  	_ = 	snop  }
__scs_overlays_trampoline_lowered:
0x8: {  	[smem:$0x3FA8] =	sst s0  }
0x9: {  	[smem:$0x3FA9] =	sst s1  }
0xa: {  	[smem:$0x3FAA] =	sst s2  }
0xb: {  	[smem:$0x3FAB] =	sst s3  }
0xc: {  	[smem:$0x3FAC] =	sst s4  }
0xd: {  	[smem:$0x3FAD] =	sst s5  }
0xe: {  	[smem:$0x3FAE] =	sst s6  }
0xf: {  	[smem:$0x3FAF] =	sst s7  }
0x10: {  	[smem:$0x3FB0] =	sst s8  }
0x11: {  	[smem:$0x3FB1] =	sst s9;
	s0 =	simm.s32 @!p0 $0x0  }
0x12: {  	s1 =	sld [smem:$0x3F97];
	s0 =	simm.s32 @p0 $0x1  }
0x13: {  	[smem:$0x3FB2] =	sst s0;
	s0 =	simm.s32 @!p1 $0x0  }
0x14: {  	s2 =	sld [smem:$0x3F96];
	s0 =	simm.s32 @p1 $0x1  }
0x15: {  	[smem:$0x3FB3] =	sst s0;
	s0 =	simm.s32 @!p2 $0x0  }
0x16: {  	s3 =	sld [smem:$0x3FDB];
	s0 =	simm.s32 @p2 $0x1  }
0x17: {  	s4 =	simm.s32 $0x1BF5;
	[smem:$0x3FB5] =	sst s0  }
0x18: {  	s0 =	sld [smem:$0x3F98];
	_ =	swait.ge [sflag:s4], $0x0  }
0x19: {  	s7 =	sld [smem:$0x3F99]  }
0x1a: {  	s8 =	sadd.s32 $0xFFFFE003, lr  }
0x1b: {  	s9 =	sadd.s32 $0xFFFFFEF7, lr;
	s5 =	simm.s32 $0xFFFFFFFF;
	p2 =	slt.u32 s8, $0xFFFFF086  }
0x1c: {  	p1 =	slt.u32 s9, $0xF7A;
	s5 =	simm.s32 @!p2 $0x0  }
0x1d: {  	s5 =	simm.s32 @p1 $0x1;
	p0 =	seq.s32 s7, s2  }
0x1e: {  	s7 =	smul.u32 @!p0 $0xF7A, s2;
	p2 =	seq.s32 @!p0 s5, $0x0  }
0x1f: {  	s9 =	smul.u32 $0xF7A, s1;
	s8 =	simm.s32 @!p0 $0x1BF5;
	p2 =	por !p2, p0  }
0x20: {  	[sflag:s8] =	ssyncset.s32 @!p0 $0xFFFFF086;
	s6 =	sadd.s32 @!p0 s3, s7;
	s7 =	simm.s32 @!p0 $0x108  }
0x21: {  	s3 =	sadd.s32 s3, s9;
	s6 =	sadd.s32 @!p0 $0x88, s6;
	s7 =	simm.s32 @p2 $0x1082  }
0x22: {  	[simem:s7], [sflag:s8] =	dma.local @!p0 [hbm:s6], $0xF7A  }
0x23: {  	s9 =	sor.u32 $0xD0000000, s2;
	s6 =	simm.s32 $0x108;
	_ =	swait.ge @!p0 [sflag:s8], $0x0  }
0x24: {  	s3 =	sadd.s32 $0x88, s3;
	s6 =	simm.s32 @!p1 $0x1082;
	[sflag:s4] =	ssyncset.s32 $0xFFFFF086  }
0x25: {  	[simem:s6], [sflag:s4] =	dma.local [hbm:s3], $0xF7A  }
0x26: {  	[smem:$0x3F99] =	sst s1;
	(tag) =	ssettag s2;
	_ =	strace s9  }
0x27: {  	s1 =	sld [smem:$0x3FA9]  }
0x28: {  	s2 =	sld [smem:$0x3FAA]  }
0x29: {  	s4 =	sld [smem:$0x3FAC]  }
0x2a: {  	p0 =	seq.s32 s5, $0x0;
	s5 =	sld [smem:$0x3FAD]  }
0x2b: {  	s6 =	sld [smem:$0x3FAE]  }
0x2c: {  	s7 =	sld [smem:$0x3FAF]  }
0x2d: {  	s3 =	simm.s32 $0x108;
	s8 =	sld [smem:$0x3FB0]  }
0x2e: {  	s3 =	simm.s32 @!p0 $0x1082;
	s9 =	sld [smem:$0x3FB1]  }
0x2f: {  	lr =	sadd.s32 s0, s3;
	s0 =	sld [smem:$0x3FA8]  }
0x30: {  	s3 =	sld [smem:$0x3FAB]  }
0x31: {  	[smem:$0x3FB4] =	sst s10  }
0x32: {  	s10 =	sld [smem:$0x3FB2];
	_ =	sdelay $0x3  }
0x33: {  	p0 =	seq.s32 s10, $0x1;
	s10 =	sld [smem:$0x3FB4];
	_ =	sdelay $0x3  }
0x34: {  	[smem:$0x3FB4] =	sst s10  }
0x35: {  	s10 =	sld [smem:$0x3FB3];
	_ =	sdelay $0x3  }
0x36: {  	p1 =	seq.s32 s10, $0x1;
	s10 =	sld [smem:$0x3FB4];
	_ =	sdelay $0x3  }
0x37: {  	[smem:$0x3FB4] =	sst s10  }
0x38: {  	s10 =	sld [smem:$0x3FB5]  }
0x39: {  	_ = 	snop;
	(pc) =	sbr.ind lr, $3  }
0x3a: {  	_ = 	snop  }
0x3b: {  	_ = 	snop  }
0x3c: {  	p2 =	seq.s32 s10, $0x1;
	s10 =	sld [smem:$0x3FB4]  }
0x3d: {  	_ =	shalt  }
0x3e: {  	_ =	shalt  }
0x3f: {  	_ =	shalt  }
0x40: {  	_ =	shalt  }
0x41: {  	_ =	shalt  }
0x42: {  	_ =	shalt  }
0x43: {  	_ =	shalt  }
0x44: {  	_ =	shalt  }
0x45: {  	_ =	shalt  }
0x46: {  	_ =	shalt  }
0x47: {  	_ =	shalt  }
0x48: {  	_ =	shalt  }
0x49: {  	_ =	shalt  }
0x4a: {  	_ =	shalt  }
0x4b: {  	_ =	shalt  }
0x4c: {  	_ =	shalt  }
0x4d: {  	_ =	shalt  }
0x4e: {  	_ =	shalt  }
0x4f: {  	_ =	shalt  }
0x50: {  	_ =	shalt  }
0x51: {  	_ =	shalt  }
0x52: {  	_ =	shalt  }
0x53: {  	_ =	shalt  }
0x54: {  	_ =	shalt  }
0x55: {  	_ =	shalt  }
0x56: {  	_ =	shalt  }
0x57: {  	_ =	shalt  }
0x58: {  	_ =	shalt  }
0x59: {  	_ =	shalt  }
0x5a: {  	_ =	shalt  }
0x5b: {  	_ =	shalt  }
0x5c: {  	_ =	shalt  }
0x5d: {  	_ =	shalt  }
0x5e: {  	_ =	shalt  }
0x5f: {  	_ =	shalt  }
0x60: {  	_ =	shalt  }
0x61: {  	_ =	shalt  }
0x62: {  	_ =	shalt  }
0x63: {  	_ =	shalt  }
0x64: {  	_ =	shalt  }
0x65: {  	_ =	shalt  }
0x66: {  	_ =	shalt  }
0x67: {  	_ =	shalt  }
0x68: {  	_ =	shalt  }
0x69: {  	_ =	shalt  }
0x6a: {  	_ =	shalt  }
0x6b: {  	_ =	shalt  }
0x6c: {  	_ =	shalt  }
0x6d: {  	_ =	shalt  }
0x6e: {  	_ =	shalt  }
0x6f: {  	_ =	shalt  }
0x70: {  	_ =	shalt  }
0x71: {  	_ =	shalt  }
0x72: {  	_ =	shalt  }
0x73: {  	_ =	shalt  }
0x74: {  	_ =	shalt  }
0x75: {  	_ =	shalt  }
0x76: {  	_ =	shalt  }
0x77: {  	_ =	shalt  }
0x78: {  	_ =	shalt  }
0x79: {  	_ =	shalt  }
0x7a: {  	_ =	shalt  }
0x7b: {  	_ =	shalt  }
0x7c: {  	_ =	shalt  }
0x7d: {  	_ =	shalt  }
0x7e: {  	_ =	shalt  }
0x7f: {  	_ =	shalt  }
0x80: {  	_ =	shalt  }
0x81: {  	_ =	shalt  }
0x82: {  	_ =	shalt  }
0x83: {  	_ =	shalt  }
0x84: {  	_ =	shalt  }
0x85: {  	_ =	shalt  }
0x86: {  	_ =	shalt  }
0x87: {  	_ =	shalt  }
.Lfunc_end0:
.L_simem_size_0:
called_computation.1_lowered:
.L_overlay_start_0:
0x88: {  	s2 =	sld [smem:$0x3FD9]  }
0x89: {  	s3 =	sld [smem:$0x3FFE];
	_ =	sdelay $0x1  }
0x8a: {  	s1 =	srdreg.scid  }
0x8b: {  	s0 =	sand.u32 $0x1, s1  }
0x8c: {  	s16 =	sshll.u32 s0, $0xA;
	s2 =	sadd.s32 s3, s2  }
0x8d: {  	s2 =	sadd.s32 s2, s16  }
0x8e: {  	[smem:$0x3FC0] =	sst s2  }
0x8f: {  	_ = 	snop  }
0x90: {  	(tm) =	ssettm $0x1  }
0x91: {  	s17 =	sld [smem:$0x3FFB];
	_ =	sdelay $0x3  }
0x92: {  	_ =	strace s17  }
0x93: {  	s2 =	sld [smem:$0x3FFC];
	_ =	sdelay $0x3  }
0x94: {  	_ =	strace s2  }
0x95: {  	s2 =	sld [smem:$0x3FFD];
	_ =	sdelay $0x3  }
0x96: {  	_ =	strace s2  }
0x97: {  	_ =	strace $0x8FFFFFFF  }
0x98: {  	s18 =	sld [smem:$0x3FDB];
	_ =	sdelay $0x1  }
0x99: {  	s19 =	simm.s32 $_scs_section_size  }
0x9a: {  	s4 =	simm.s32 $_size__tile_overlayer_lowered;
	s5 =	simm.s32 $_tile_overlayer_lowered  }
0x9b: {  	s22 =	simm.s32 $0x1BFF;
	s21 =	sshll.u32 s5, $0x1;
	s2 =	sadd.s32 s19, s18  }
0x9c: {  	s6 =	simm.s32 $0x0;
	s20 =	sshll.u32 s4, $0x1;
	s4 =	sadd.s32 s21, s2  }
0x9d: {  	[timem:s6], [sflag:s22] =	dma.local [hbm:s4], s20  }
0x9e: {  	_ =	swait.ge [sflag:s22], s20  }
0x9f: {  	s3 =	ssub.s32 $0x0, s20;
	[sflag:s22] =	ssyncset.done $0x0  }
0xa0: {  	[sflag:s22] =	ssyncadd.s32 s3;
	_ =	sdelay $0x1  }
0xa1: {  	s23 =	simm.s32 $0x1B8B  }
0xa2: {  	_ =	swait.ge [sflag:s23], $0x1  }
0xa3: {  	[sflag:s23] =	ssyncset.done $0x0  }
0xa4: {  	s25 =	simm.s32 $0x1B8E;
	s24 =	sld [smem:$0x3FFE];
	[sflag:s23] =	ssyncadd.s32 $0xFFFFFFFF  }
0xa5: {  	s26 =	simm.s32 $execute0_lowered;
	[smem:$0x3FD2] =	sst s25  }
0xa6: {  	s4 =	sshll.u32 s26, $0x1;
	_ =	strace $0x80000049;
	[dreg:$0x1] =	wrdreg $0xFFFFFFFF  }
0xa7: {  	s28 =	simm.s32 $_size_execute0_lowered;
	s2 =	sadd.s32 s2, s4;
	[dreg:$0x0] =	wrdreg $0x0  }
0xa8: {  	s4 =	sshll.u32 s28, $0x1;
	[dreg:$0x2] =	wrdreg s2  }
0xa9: {  	[dreg:$0x3] =	wrdreg s4  }
0xaa: {  	[dreg:$0x4] =	wrdreg $0xC0  }
0xab: {  	_ =	task [dreg:s6], $0x5FFFF  }
0xac: {  	[dreg:$0x1] =	wrdreg $0xFFFFFFFF  }
0xad: {  	[dreg:$0x0] =	wrdreg $0x60  }
0xae: {  	[dreg:$0x2] =	wrdreg s24  }
0xaf: {  	[dreg:$0x3] =	wrdreg $0x9  }
0xb0: {  	_ =	task.clear_ibuf [dreg:s6], $0x4FFFF;
	_ =	strace $0x90000049  }
0xb1: {  	s29 =	simm.s32 $0x9;
	_ =	strace $0x8000004B  }
0xb2: {  	_ =	swait.ge [sflag:s29], $0x1  }
0xb3: {  	[sflag:s29] =	ssyncadd.s32 $0xFFFFFFFF  }
0xb4: {  	_ =	strace $0x9000004B  }
0xb5: {  	_ =	sfence  }
0xb6: {  	s30 =	sld [smem:$0x0];
	_ =	sdelay $0x2  }
0xb7: {  	s31 =	sshll.u32 s1, $0xD;
	s1 =	sshrl.u32 s1, $0x2  }
0xb8: {  	s3 =	sand.u32 $0x4000, s31;
	s1 =	sadd.s32 s1, s30  }
0xb9: {  	s0 =	sor.u32 s3, s0;
	s1 =	sshll.u32 s1, $0x11  }
0xba: {  	s0 =	sor.u32 s1, s0  }
0xbb: {  	s0 =	sadd.s32 $0x8F2B, s0  }
0xbc: {  	[sflag:s0] =	ssyncadd.remote.s32 $0x1  }
0xbd: {  	_ =	sfence.sel $0xFFFF  }
0xbe: {  	[dreg:$0x0] =	wrdreg $0xFFFFFFFF;
	(pc) =	sbr.abs _section_cstart, $3  }
0xbf: {  	[dreg:$0x1] =	wrdreg $0xFFFFFFFF  }
0xc0: {  	_ =	task.clear_ibuf [dreg:s6], $0x2FFFF;
	_ =	strace $0x9FFFFFFF  }
0xc1: {  	(tm) =	ssettm $0x7FFFFFFF  }
tec
execute0_lowered:
.L_overlay_start_1:
0x0: {  	(tag) =	ssettag $0x1  }
0x1: {  	s0 =	srdreg.scid;
	s11 =	rddreg [dreg:$0x0];
	s16 =	simm.s32 $0x200  }
0x2: {  	s17 =	simm.s32 $0x1;
	s18 =	simm.s32 $0xC80;
	s19 =	simm.s32 $0x1900  }
0x3: {  	s20 =	simm.s32 $0x2580;
	s21 =	simm.s32 $0x3200;
	s22 =	simm.s32 $0x3E80  }
0x4: {  	s23 =	simm.s32 $0x4B00;
	s24 =	simm.s32 $0x5780;
	s25 =	simm.s32 $0x6400  }
0x5: {  	s26 =	simm.s32 $0x7080;
	s28 =	simm.s32 $0x7D00;
	s1 =	sand.u32 $0x1, s0  }
0x6: {  	s29 =	simm.s32 $0x0;
	s0 =	stileid.u32;
	s2 =	sshll.u32 s1, $0x4  }
0x7: {  	s1 =	ssub.s32 $0x2, s1;
	s14 =	sshll.u32 s0, $0x4;
	s10 =	sor.u32 s0, s2  }
0x8: {  	s2 =	simm.s32 $0x0;
	s31 =	sshrl.u32 s1, $0x1;
	s3 =	smul.u32 $0x3200, s10  }
0x9: {  	s14 =	sand.u32 $0x70, s14;
	[smem:$0x7FF] =	sst s2;
	s4 =	smul.u32 $0x190, s10  }
0xa: {  	s1 =	ssub.s32 s1, s31;
	s15 =	sshll.u32 s10, $0x4;
	s14 =	sadd.s32 s11, s14  }
0xb: {  	_ =	strace $0x8000004A;
	s3 =	sshrl.u32 s3, $0x3;
	s13 =	sadd.s32 s4, s11  }
0xc: {  	s15 =	sand.u32 $0x180, s15;
	s12 =	sadd.s32 s3, s11;
	s11 =	sadd.s32 $0xDCC00, s13  }
0xd: {  	s3 =	sadd.s32 $0xC3C00, s12;
	s4 =	sadd.s32 $0xD0400, s12;
	s5 =	sadd.s32 $0xC3C10, s12  }
0xe: {  	s6 =	sadd.s32 $0xD0410, s12;
	s7 =	sadd.s32 $0xC3C20, s12;
	s8 =	sadd.s32 $0xD0420, s12  }
0xf: {  	s9 =	sadd.s32 $0xC3C30, s12;
	s10 =	sadd.s32 $0xD0430, s12;
	s12 =	sadd.s32 $0xDFE00, s13  }
0x10: {  	s13 =	sadd.s32 s15, s14;
	s14 =	smax.u32 s1, $0x1;
	s15 =	simm.s32 $0x80  }
.LBB2_1:
0x11: {  	[tilespmem:s2], [sflag:$0x1] =	stream.strided.gather [hbm4b:s3+s15], $0xC80, s16, s15, $0x38;
	[tilespmem:$0x7D80] =	vst v63  }
0x12: {  	_ =	swait.ge [sflag:s17], $0xC80  }
0x13: {  	[sflag:s17] =	ssyncset.done $0x0  }
0x14: {  	[sflag:s17] =	ssyncadd.s32 $0xFFFFF380  }
0x15: {  	[tilespmem:s18], [sflag:$0x1] =	stream.strided.gather [hbm4b:s4+s15], $0xC80, s16, s15, $0x38;
	[tilespmem:$0x7D80] =	vst v63  }
0x16: {  	_ =	swait.ge [sflag:s17], $0xC80  }
0x17: {  	[sflag:s17] =	ssyncset.done $0x0  }
0x18: {  	[sflag:s17] =	ssyncadd.s32 $0xFFFFF380  }
0x19: {  	[tilespmem:s19], [sflag:$0x1] =	stream.strided.gather [hbm4b:s5+s15], $0xC80, s16, s15, $0x38;
	[tilespmem:$0x7D80] =	vst v63  }
0x1a: {  	_ =	swait.ge [sflag:s17], $0xC80  }
0x1b: {  	[sflag:s17] =	ssyncset.done $0x0  }
0x1c: {  	[sflag:s17] =	ssyncadd.s32 $0xFFFFF380  }
0x1d: {  	[tilespmem:s20], [sflag:$0x1] =	stream.strided.gather [hbm4b:s6+s15], $0xC80, s16, s15, $0x38;
	[tilespmem:$0x7D80] =	vst v63  }
0x1e: {  	_ =	swait.ge [sflag:s17], $0xC80  }
0x1f: {  	[sflag:s17] =	ssyncset.done $0x0  }
0x20: {  	[sflag:s17] =	ssyncadd.s32 $0xFFFFF380  }
0x21: {  	[tilespmem:s21], [sflag:$0x1] =	stream.strided.gather [hbm4b:s7+s15], $0xC80, s16, s15, $0x38;
	[tilespmem:$0x7D80] =	vst v63  }
0x22: {  	_ =	swait.ge [sflag:s17], $0xC80  }
0x23: {  	[sflag:s17] =	ssyncset.done $0x0  }
0x24: {  	[sflag:s17] =	ssyncadd.s32 $0xFFFFF380  }
0x25: {  	[tilespmem:s22], [sflag:$0x1] =	stream.strided.gather [hbm4b:s8+s15], $0xC80, s16, s15, $0x38;
	[tilespmem:$0x7D80] =	vst v63  }
0x26: {  	_ =	swait.ge [sflag:s17], $0xC80  }
0x27: {  	[sflag:s17] =	ssyncset.done $0x0  }
0x28: {  	[sflag:s17] =	ssyncadd.s32 $0xFFFFF380  }
0x29: {  	[tilespmem:s23], [sflag:$0x1] =	stream.strided.gather [hbm4b:s9+s15], $0xC80, s16, s15, $0x38;
	[tilespmem:$0x7D80] =	vst v63  }
0x2a: {  	_ =	swait.ge [sflag:s17], $0xC80  }
0x2b: {  	[sflag:s17] =	ssyncset.done $0x0  }
0x2c: {  	[sflag:s17] =	ssyncadd.s32 $0xFFFFF380  }
0x2d: {  	[tilespmem:s24], [sflag:$0x1] =	stream.strided.gather [hbm4b:s10+s15], $0xC80, s16, s15, $0x38;
	[tilespmem:$0x7D80] =	vst v63  }
0x2e: {  	_ =	swait.ge [sflag:s17], $0xC80  }
0x2f: {  	[sflag:s17] =	ssyncset.done $0x0  }
0x30: {  	[sflag:s17] =	ssyncadd.s32 $0xFFFFF380  }
0x31: {  	[tilespmem:s25], [sflag:$0x1] =	stream.linear.gather [hbm4b:s11+s2], $0xC80, $0x38;
	[tilespmem:$0x7D80] =	vst v63  }
0x32: {  	_ =	swait.ge [sflag:s17], $0xC80  }
0x33: {  	[sflag:s17] =	ssyncset.done $0x0  }
0x34: {  	[sflag:s17] =	ssyncadd.s32 $0xFFFFF380  }
0x35: {  	[tilespmem:s26], [sflag:$0x1] =	stream.linear.gather [hbm4b:s12+s2], $0xC80, $0x38;
	[tilespmem:$0x7D80] =	vst v63  }
0x36: {  	_ =	swait.ge [sflag:s17], $0xC80  }
0x37: {  	[sflag:s17] =	ssyncset.done $0x0  }
0x38: {  	s1 =	simm.s32 $0x0;
	[sflag:s17] =	ssyncadd.s32 $0xFFFFF380  }
0x39: {  	v0 =	vld [tilespmem:s1+$0x4B00]  }
0x3a: {  	v1 =	vld [tilespmem:s1+$0x5780]  }
0x3b: {  	v2 =	vld [tilespmem:s1+$0x1900]  }
0x3c: {  	v3 =	vld [tilespmem:s1+$0x2580]  }
0x3d: {  	v4 =	vld [tilespmem:s1+$0x0]  }
0x3e: {  	v6 =	vld [tilespmem:s1+$0xC80]  }
0x3f: {  	v5 =	vld [tilespmem:s1+$0x6400]  }
0x40: {  	v0 =	vadd.f32 v1, v0;
	v1 =	vld [tilespmem:s1+$0x7080];
	_ =	sdelay $0x1  }
0x41: {  	s30 =	simm.s32 $0x10;
	v8 =	vld [tilespmem:s1+$0x3200];
	v0 =	vmax.f32 v0, $1.000000000e+00  }
0x42: {  	v9 =	vld [tilespmem:s30+$0x5780];
	v2 =	vadd.f32 v3, v2;
	(erf) = vrcp.f32 v0  }
0x43: {  	v10 =	vld [tilespmem:s1+$0x3E80]  }
0x44: {  	v0 =	vld [tilespmem:s30+$0x4B00];
	v3 =	vsub.f32 v1, v5;
	v1 =	vadd.f32 v6, v4;
	v4 =	vmax.f32 v2, $1.000000000e+00  }
0x45: {  	v11 =	vld [tilespmem:s30+$0x1900];
	(erf) = vrcp.f32 v4  }
0x46: {  	v12 =	vld [tilespmem:s30+$0x2580];
	_ =	sdelay $0x1  }
0x47: {  	v7 =	vld [tilespmem:s30+$0xC80]  }
0x48: {  	v5 =	vld [tilespmem:s30+$0x0];
	v9 =	vadd.f32 v9, v0  }
0x49: {  	v4 =	vadd.f32 v10, v8;
	v8 =	vld [tilespmem:s30+$0x6400];
	v6 =	vmul.f32 v3, v3  }
0x4a: {  	v11 =	vadd.f32 v12, v11;
	v2 =	vimm.f32 $0.0e+00;
	v3 =	vld [tilespmem:s30+$0x7080];
	v9 =	vmax.f32 v9, $1.000000000e+00;
	v10 =	vpop (erf)  }
0x4b: {  	s31 =	simm.s32 $0x20;
	v0 =	vadd.f32 v6, v2;
	v6 =	vld [tilespmem:s30+$0x3200];
	(erf) = vrcp.f32 v9;
	v9 =	vmul.f32 v10, v4  }
0x4c: {  	s1 =	simm.s32 $0xC0;
	v10 =	vld [tilespmem:s31+$0x4B00];
	v4 =	vimm.f32 $0.0e+00  }
.LBB2_2:
0x4d: {  	p0 =	sne.s32 s1, $0x31C0;
	v12 =	vld [tilespmem:s31+$0x5780];
	v5 =	vadd.f32 v7, v5;
	v7 =	vmax.f32 v11, $1.000000000e+00;
	v2 =	vadd.f32 v9, v2;
	v9 =	vpop (erf)  }
0x4e: {  	v11 =	vld [tilespmem:s30+$0x3E80];
	(erf) = vrcp.f32 v7;
	v7 =	vmul.f32 v9, v1;
	s30 =	smov.u32 s31  }
0x4f: {  	v9 =	vld [tilespmem:s30+$0x1900];
	v3 =	vsub.f32 v3, v8;
	v1 =	vmov v5  }
0x50: {  	v13 =	vld [tilespmem:s30+$0x2580];
	v4 =	vadd.f32 v7, v4  }
0x51: {  	v5 =	vld [tilespmem:s30+$0x0];
	v8 =	vmul.f32 v3, v3  }
.Ltmp0:
0x52: {  	v7 =	vld [tilespmem:s30+$0xC80];
	v10 =	vadd.f32 v12, v10;
	(pc) =	sbr.rel @p0 .LBB2_2-.Ltmp0, $4  }
0x53: {  	v3 =	vld [tilespmem:s30+$0x7080];
	v12 =	vadd.f32 v11, v6;
	v0 =	vadd.f32 v8, v0  }
0x54: {  	v10 =	vmax.f32 v10, $1.000000000e+00;
	v8 =	vld [tilespmem:s30+$0x6400];
	v14 =	vpop (erf)  }
0x55: {  	s31 =	sshra.s32 s1, $0x2;
	v11 =	vadd.f32 v13, v9;
	v6 =	vld [tilespmem:s30+$0x3200];
	(erf) = vrcp.f32 v10;
	v9 =	vmul.f32 v14, v12  }
0x56: {  	s1 =	sadd.s32 $0x40, s1;
	v10 =	vld [tilespmem:s31+$0x4B00]  }
0x57: {  	v12 =	vld [tilespmem:s31+$0x5780]  }
0x58: {  	v13 =	vld [tilespmem:s31+$0x1900]  }
0x59: {  	v14 =	vld [tilespmem:s31+$0x2580];
	_ =	sdelay $0x3  }
0x5a: {  	v50 =	vld [tilespmem:s30+$0x3E80];
	v10 =	vadd.f32 v12, v10  }
0x5b: {  	v11 =	vmax.f32 v11, $1.000000000e+00;
	v52 =	vld [tilespmem:s31+$0x0];
	v49 =	vadd.f32 v14, v13  }
0x5c: {  	v53 =	vld [tilespmem:s31+$0xC80];
	(erf) = vrcp.f32 v11;
	v10 =	vmax.f32 v10, $1.000000000e+00  }
0x5d: {  	v54 =	vld [tilespmem:s31+$0x7080];
	v51 =	vmax.f32 v49, $1.000000000e+00;
	(erf) = vrcp.f32 v10  }
0x5e: {  	v55 =	vld [tilespmem:s31+$0x3200];
	(erf) = vrcp.f32 v51  }
0x5f: {  	v17 =	vld [tilespmem:s31+$0x6400]  }
0x60: {  	v15 =	vld [tilespmem:s31+$0x3E80]  }
0x61: {  	v16 =	vpop (erf)  }
0x62: {  	v5 =	vadd.f32 v7, v5;
	v1 =	vmul.f32 v16, v1;
	v3 =	vsub.f32 v3, v8  }
0x63: {  	v2 =	vadd.f32 v9, v2;
	v6 =	vadd.f32 v50, v6  }
0x64: {  	v1 =	vadd.f32 v1, v4;
	v3 =	vmul.f32 v3, v3;
	v61 =	vsub.f32 v54, v17;
	v18 =	vpop (erf)  }
0x65: {  	v57 =	vadd.f32 v53, v52;
	v59 =	vadd.f32 v15, v55;
	v6 =	vmul.f32 v18, v6;
	v56 =	vpop (erf)  }
0x66: {  	v0 =	vadd.f32 v3, v0;
	v63 =	vmul.f32 v61, v61;
	v5 =	vmul.f32 v56, v5;
	v58 =	vpop (erf)  }
0x67: {  	v2 =	vadd.f32 v6, v2;
	v60 =	vpop (erf);
	v62 =	vmul.f32 v58, v59  }
0x68: {  	v0 =	vadd.f32 v63, v0;
	v1 =	vadd.f32 v5, v1;
	v4 =	vmul.f32 v60, v57  }
0x69: {  	v2 =	vadd.f32 v62, v2  }
0x6a: {  	s29 =	sadd.s32 $0x1, s29;
	[tilespmem:$0x7D20] =	vst v0;
	v1 =	vadd.f32 v4, v1  }
0x6b: {  	p0 =	sne.s32 s29, s14;
	[tilespmem:$0x7D10] =	vst v2  }
.Ltmp1:
0x6c: {  	[tilespmem:$0x7D00] =	vst v1;
	(pc) =	sbr.rel @p0 .LBB2_1-.Ltmp1, $4  }
0x6d: {  	[hbm4b:s13+s2] =	stream.linear.scatter [tilespmem:s28], [sflag:$0x1], $0x80, $0x38;
	[tilespmem:$0x7D80] =	vst v63  }
0x6e: {  	_ =	swait.ge [sflag:s17], $0x80  }
0x6f: {  	[sflag:s17] =	ssyncset.done $0x0  }
0x70: {  	[sflag:s17] =	ssyncadd.s32 $0xFFFFFF80  }
0x71: {  	_ =	sfence.sel $0x180000  }
0x72: {  	[bflag:$0x0] =	sbarrier.arrive $0xFFFF  }
0x73: {  	_ =	strace $0x9000004A  }
0x74: {  	[bflag:$0x2] =	sbarrier.arrive $0xFFFF  }
0x75: {  	p0 =	sne.s32 s0, $0x0;
	s0 =	rddreg [dreg:$0x1]  }
0x76: {  	s0 =	sadd.s32 @!p0 $0x100000, s0  }
0x77: {  	[sflag:s0] =	ssyncadd.tile.s32 @!p0 $0x1;
	_ =	shalt  }
.Lfunc_end2:
_tile_overlayer_lowered:
.L_overlay_start_2:
0x78: {  	(tag) =	ssettag $0x2  }
0x79: {  	s0 =	rddreg [dreg:$0x0];
	s2 =	stileid.u32  }
0x7a: {  	s1 =	rddreg [dreg:$0x1];
	p0 =	sne.s32 s2, $0x0  }
0x7b: {  	s3 =	rddreg [dreg:$0x2];
	[bflag:$0x3] =	sbarrier.arrive $0xFFFF;
	s2 =	simm.s32 @!p0 $0x1C01  }
0x7c: {  	[timem:s3], [sflag:s2] =	dma.local @!p0 [hbm:s0], s1  }
0x7d: {  	s0 =	simm.s32 @!p0 $0x1  }
0x7e: {  	_ =	swait.ge @!p0 [sflag:s0], s1  }
0x7f: {  	s1 =	ssub.s32 @!p0 $0x0, s1;
	[sflag:s0] =	ssyncset.done @!p0 $0x0  }
0x80: {  	[sflag:s0] =	ssyncadd.s32 @!p0 s1  }
0x81: {  	[bflag:$0x3] =	sbarrier.arrive $0xFFFF  }
0x82: {  	_ =	shalt  }

</sc_bundles>
